<compile_context>
chip_gen: v7x
topology: tpu7x:2x2x1
jax: 0.10.2.dev20260603
libtpu: 0.0.44.dev20260713+nightly
codegen_flags: <defaults>
</compile_context>

<pallas_src>
import jax
import jax.numpy as jnp
from jax import lax
from jax.experimental import pallas as pl
from jax.experimental.pallas import tpu as pltpu
from jax.experimental.pallas import tpu_sc as plsc

_NUM_NODES = 50000
_N_EDGES = 1600000

_NC = 2
_NS = 16
_NW = _NC * _NS

_LANE = 128
_NBLK = _N_EDGES // _LANE
_BPW = _NBLK // _NW
_EXTRA = _NBLK - _BPW * _NW
_NWIN = 10
_WEDGE = _BPW * _LANE // _NWIN
_WBLK = _WEDGE // _LANE

_NPAD = 50176
_SLICE = _NPAD // _NS


def _make_sc_kernel():
    mesh = plsc.VectorSubcoreMesh(
        core_axis_name="c", subcore_axis_name="s",
        num_cores=_NC, num_subcores=_NS)

    def body(ei_ref, msg_ref, out_ref, idx_v0, val_v0, idx_v1, val_v1,
             idx_x, val_x, buf_v, acc_sh, semA, semB, semS0, semX):
        c = lax.axis_index("c")
        s = lax.axis_index("s")
        wid = c * _NS + s

        base = (wid * _BPW + jnp.minimum(wid, _EXTRA)) * _LANE
        bufs = ((idx_v0, val_v0, semA), (idx_v1, val_v1, semB))

        def _srcs(m):
            e0 = base + m * _WEDGE
            return (ei_ref.at[:, pl.ds(e0, _WEDGE)],
                    msg_ref.at[pl.ds(e0, _WEDGE)])

        for b in range(2):
            iv, vv, sm = bufs[b]
            ei_src, ms_src = _srcs(b)
            pltpu.async_copy(ei_src, iv, sm)
            pltpu.async_copy(ms_src, vv, sm)

        ex0 = base + _NWIN * _WEDGE

        @pl.when(wid < _EXTRA)
        def _():
            pltpu.async_copy(ei_ref.at[:, pl.ds(ex0, _LANE)], idx_x, semX)
            pltpu.async_copy(msg_ref.at[pl.ds(ex0, _LANE)], val_x, semX)

        def _zero(i, carry):
            buf_v[pl.ds(i * 16, 16)] = jnp.zeros((16,), jnp.float32)
            return carry

        lax.fori_loop(0, _SLICE // 16, _zero, None)
        pltpu.sync_copy(buf_v, acc_sh.at[pl.ds(s * _SLICE, _SLICE)])
        plsc.subcore_barrier()

        @pl.when(wid < _EXTRA)
        def _():
            pltpu.make_async_copy(ei_ref.at[:, pl.ds(ex0, _LANE)],
                                  idx_x, semX).wait()
            pltpu.make_async_copy(msg_ref.at[pl.ds(ex0, _LANE)],
                                  val_x, semX).wait()
            pltpu.async_copy(val_x, acc_sh.at[idx_x.at[1]], semX,
                             add=True)

        def _step(t, carry):
            for b in range(2):
                m = 2 * t + b
                iv, vv, sm = bufs[b]
                ei_src, ms_src = _srcs(m)
                pltpu.make_async_copy(ei_src, iv, sm).wait()
                pltpu.make_async_copy(ms_src, vv, sm).wait()
                descs = [
                    pltpu.async_copy(
                        vv.at[pl.ds(j * _LANE, _LANE)],
                        acc_sh.at[iv.at[1, pl.ds(j * _LANE, _LANE)]],
                        semS0, add=True)
                    for j in range(_WBLK)]
                for dsc in descs:
                    dsc.wait()

                @pl.when(m + 2 < _NWIN)
                def _():
                    ei2, ms2 = _srcs(m + 2)
                    pltpu.async_copy(ei2, iv, sm)
                    pltpu.async_copy(ms2, vv, sm)
            return carry

        lax.fori_loop(0, _NWIN // 2, _step, None)

        @pl.when(wid < _EXTRA)
        def _():
            pltpu.make_async_copy(val_x, acc_sh.at[idx_x.at[1]],
                                  semX).wait()

        plsc.subcore_barrier()

        pltpu.sync_copy(acc_sh.at[pl.ds(s * _SLICE, _SLICE)], buf_v)
        pltpu.sync_copy(buf_v,
                        out_ref.at[pl.ds(c * _NPAD + s * _SLICE, _SLICE)])

    return pl.kernel(
        body,
        out_type=jax.ShapeDtypeStruct((_NC * _NPAD,), jnp.float32),
        mesh=mesh,
        scratch_types=[
            pltpu.VMEM((2, _WEDGE), jnp.int32),
            pltpu.VMEM((_WEDGE,), jnp.float32),
            pltpu.VMEM((2, _WEDGE), jnp.int32),
            pltpu.VMEM((_WEDGE,), jnp.float32),
            pltpu.VMEM((2, _LANE), jnp.int32),
            pltpu.VMEM((_LANE,), jnp.float32),
            pltpu.VMEM((_SLICE,), jnp.float32),
            pltpu.VMEM_SHARED((_NPAD,), jnp.float32),
            pltpu.SemaphoreType.DMA,
            pltpu.SemaphoreType.DMA,
            pltpu.SemaphoreType.DMA,
            pltpu.SemaphoreType.DMA,
        ],
    )


def _combine_body(p_ref, o_ref):
    o_ref[...] = (p_ref[pl.ds(0, _NUM_NODES)]
                  + p_ref[pl.ds(_NPAD, _NUM_NODES)])


def kernel(msgs, edge_index, num_nodes):
    del num_nodes
    partials = _make_sc_kernel()(edge_index, msgs)
    return pl.pallas_call(
        _combine_body,
        out_shape=jax.ShapeDtypeStruct((_NUM_NODES,), jnp.float32),
    )(partials)

# --- scband reference (transcript-rebuilt; emitter-appended) ---
"""Pipeline reference for scband-message-passing-76046690943505 (READ-ONLY COPY).

The authoritative reference and input builder live on the scoring server;
editing this copy changes nothing except your own understanding.
"""

import jax, jax.numpy as jnp
import numpy as np

N_NODES = 50000
N_EDGES = 1600000


def setup_inputs(seed: int = 0) -> dict:
    key = jax.random.key(seed)
    k1, k2 = jax.random.split(key)
    msgs = jax.random.normal(k1, (N_EDGES,), dtype=jnp.float32)
    # int32 used on CPU jax (x64 disabled by default); values in [0, N_NODES)
    edge_index = jax.random.randint(k2, (2, N_EDGES), 0, N_NODES, dtype=jnp.int32)
    return {"msgs": msgs, "edge_index": edge_index, "num_nodes": N_NODES}


def reference(msgs, edge_index, num_nodes):
    # MessagePassing.message is identity: message x_j == msgs (per-edge values).
    # MessagePassing.aggregate with aggr='add':
    #   output = zeros(num_nodes); output.scatter_add_(0, dst_index, msgs)
    dst_index = edge_index[1, :]
    dst_index = jnp.where(dst_index < num_nodes, dst_index, num_nodes).astype(jnp.int32)
    out = jax.ops.segment_sum(msgs, dst_index, num_segments=N_NODES)
    # MessagePassing.update is identity.
    return out

if __name__ == "__main__":
    import jax
    _d = setup_inputs()
    print(jax.jit(kernel)(*tuple(_d.values())))

</pallas_src>

<mosaic_0001>
#map = affine_map<(d0, d1) -> (0, 0)>
#map1 = affine_map<(d0, d1) -> (0)>
module attributes {stable_mosaic.version = 14 : i64} {
  func.func @body(%arg0: i32, %arg1: i32, %arg2: memref<2x1600000xi32, #tpu.memory_space<hbm>>, %arg3: memref<1600000xf32, #tpu.memory_space<hbm>>, %arg4: memref<100352xf32, #tpu.memory_space<hbm>>, %arg5: memref<2x4992xi32, #tpu.memory_space<vmem>>, %arg6: memref<4992xf32, #tpu.memory_space<vmem>>, %arg7: memref<2x4992xi32, #tpu.memory_space<vmem>>, %arg8: memref<4992xf32, #tpu.memory_space<vmem>>, %arg9: memref<2x128xi32, #tpu.memory_space<vmem>>, %arg10: memref<128xf32, #tpu.memory_space<vmem>>, %arg11: memref<3136xf32, #tpu.memory_space<vmem>>, %arg12: memref<50176xf32, #tpu.memory_space<vmem_shared>>, %arg13: memref<!tpu.dma_semaphore, #tpu.memory_space<semaphore_mem>>, %arg14: memref<!tpu.dma_semaphore, #tpu.memory_space<semaphore_mem>>, %arg15: memref<!tpu.dma_semaphore, #tpu.memory_space<semaphore_mem>>, %arg16: memref<!tpu.dma_semaphore, #tpu.memory_space<semaphore_mem>>) attributes {dimension_semantics = [#tpu.dimension_semantics<core_parallel>, #tpu.dimension_semantics<subcore_parallel>], iteration_bounds = array<i64: 2, 16>, scalar_prefetch = 0 : i64, scratch_operands = 12 : i64, tpu.core_type = #tpu.core_type<sc_vector_subcore>, window_params = [{transform_indices = #map}, {transform_indices = #map1}, {transform_indices = #map1}]} {
    %mul3A = arith.constant 16 : i32
    %mul3A_0 = arith.muli %arg0, %mul3A : i32
    %add3A = arith.addi %mul3A_0, %arg1 : i32
    %mul3A_1 = arith.constant 390 : i32
    %mul3A_2 = arith.muli %add3A, %mul3A_1 : i32
    %min3A = arith.constant 20 : i32
    %min3A_3 = arith.minsi %add3A, %min3A : i32
    %add3A_4 = arith.addi %mul3A_2, %min3A_3 : i32
    %mul3A_5 = arith.constant 128 : i32
    %mul3A_6 = arith.muli %add3A_4, %mul3A_5 : i32
    %add3A_7 = arith.constant 0 : i32
    %add3A_8 = arith.addi %mul3A_6, %add3A_7 : i32
    %dma_start3A = arith.constant 0 : i32
    %dma_start3A_9 = tpu.memref_slice %arg2[%dma_start3A, %add3A_8] : memref<2x1600000xi32, #tpu.memory_space<hbm>> -> memref<2x4992xi32, #tpu.memory_space<hbm>>
    %dma_start3A_10 = arith.constant 0 : i32
    %dma_start3A_11 = tpu.memref_slice %arg2[%dma_start3A_10, %add3A_8] : memref<2x1600000xi32, #tpu.memory_space<hbm>> -> memref<2x4992xi32, #tpu.memory_space<hbm>>
    tpu.enqueue_dma source(%dma_start3A_11 : memref<2x4992xi32, #tpu.memory_space<hbm>>) target(%arg5 : memref<2x4992xi32, #tpu.memory_space<vmem>>) target_semaphore(%arg13 : memref<!tpu.dma_semaphore, #tpu.memory_space<semaphore_mem>>)
    %dma_start3A_12 = tpu.memref_slice %arg3[%add3A_8] : memref<1600000xf32, #tpu.memory_space<hbm>> -> memref<4992xf32, #tpu.memory_space<hbm>>
    %dma_start3A_13 = tpu.memref_slice %arg3[%add3A_8] : memref<1600000xf32, #tpu.memory_space<hbm>> -> memref<4992xf32, #tpu.memory_space<hbm>>
    tpu.enqueue_dma source(%dma_start3A_13 : memref<4992xf32, #tpu.memory_space<hbm>>) target(%arg6 : memref<4992xf32, #tpu.memory_space<vmem>>) target_semaphore(%arg13 : memref<!tpu.dma_semaphore, #tpu.memory_space<semaphore_mem>>)
    %add3A_14 = arith.constant 4992 : i32
    %add3A_15 = arith.addi %mul3A_6, %add3A_14 : i32
    %dma_start3A_16 = arith.constant 0 : i32
    %dma_start3A_17 = tpu.memref_slice %arg2[%dma_start3A_16, %add3A_15] : memref<2x1600000xi32, #tpu.memory_space<hbm>> -> memref<2x4992xi32, #tpu.memory_space<hbm>>
    %dma_start3A_18 = arith.constant 0 : i32
    %dma_start3A_19 = tpu.memref_slice %arg2[%dma_start3A_18, %add3A_15] : memref<2x1600000xi32, #tpu.memory_space<hbm>> -> memref<2x4992xi32, #tpu.memory_space<hbm>>
    tpu.enqueue_dma source(%dma_start3A_19 : memref<2x4992xi32, #tpu.memory_space<hbm>>) target(%arg7 : memref<2x4992xi32, #tpu.memory_space<vmem>>) target_semaphore(%arg14 : memref<!tpu.dma_semaphore, #tpu.memory_space<semaphore_mem>>)
    %dma_start3A_20 = tpu.memref_slice %arg3[%add3A_15] : memref<1600000xf32, #tpu.memory_space<hbm>> -> memref<4992xf32, #tpu.memory_space<hbm>>
    %dma_start3A_21 = tpu.memref_slice %arg3[%add3A_15] : memref<1600000xf32, #tpu.memory_space<hbm>> -> memref<4992xf32, #tpu.memory_space<hbm>>
    tpu.enqueue_dma source(%dma_start3A_21 : memref<4992xf32, #tpu.memory_space<hbm>>) target(%arg8 : memref<4992xf32, #tpu.memory_space<vmem>>) target_semaphore(%arg14 : memref<!tpu.dma_semaphore, #tpu.memory_space<semaphore_mem>>)
    %add3A_22 = arith.constant 49920 : i32
    %add3A_23 = arith.addi %mul3A_6, %add3A_22 : i32
    %lt3A = arith.constant 20 : i32
    %lt3A_24 = arith.cmpi slt, %add3A, %lt3A : i32
    %convert_element_type3A = arith.extui %lt3A_24 : i1 to i32
    %cond3A = arith.constant 0 : i32
    %cond3A_25 = arith.cmpi ne, %convert_element_type3A, %cond3A : i32
    scf.if %cond3A_25 {
      %dma_start3A_55 = arith.constant 0 : i32
      %dma_start3A_56 = tpu.memref_slice %arg2[%dma_start3A_55, %add3A_23] : memref<2x1600000xi32, #tpu.memory_space<hbm>> -> memref<2x128xi32, #tpu.memory_space<hbm>>
      %dma_start3A_57 = arith.constant 0 : i32
      %dma_start3A_58 = tpu.memref_slice %arg2[%dma_start3A_57, %add3A_23] : memref<2x1600000xi32, #tpu.memory_space<hbm>> -> memref<2x128xi32, #tpu.memory_space<hbm>>
      tpu.enqueue_dma source(%dma_start3A_58 : memref<2x128xi32, #tpu.memory_space<hbm>>) target(%arg9 : memref<2x128xi32, #tpu.memory_space<vmem>>) target_semaphore(%arg16 : memref<!tpu.dma_semaphore, #tpu.memory_space<semaphore_mem>>)
      %dma_start3A_59 = tpu.memref_slice %arg3[%add3A_23] : memref<1600000xf32, #tpu.memory_space<hbm>> -> memref<128xf32, #tpu.memory_space<hbm>>
      %dma_start3A_60 = tpu.memref_slice %arg3[%add3A_23] : memref<1600000xf32, #tpu.memory_space<hbm>> -> memref<128xf32, #tpu.memory_space<hbm>>
      tpu.enqueue_dma source(%dma_start3A_60 : memref<128xf32, #tpu.memory_space<hbm>>) target(%arg10 : memref<128xf32, #tpu.memory_space<vmem>>) target_semaphore(%arg16 : memref<!tpu.dma_semaphore, #tpu.memory_space<semaphore_mem>>)
    } else {
    }
    %scan3A = arith.constant 0 : i32
    %scan3A_26 = arith.constant 196 : i32
    %scan3A_27 = arith.addi %scan3A, %scan3A_26 : i32
    %scan3A_28 = arith.constant 1 : i32
    scf.for %scan3A_55 = %scan3A to %scan3A_27 step %scan3A_28  : i32 {
      %broadcast_in_dim3A = arith.constant 0.000000e+00 : f32
      %broadcast_in_dim3A_56 = vector.broadcast %broadcast_in_dim3A : f32 to vector<16xf32>
      %mul3A_57 = arith.constant 16 : i32
      %mul3A_58 = arith.muli %scan3A_55, %mul3A_57 : i32
      %swap3A = arith.index_cast %mul3A_58 : i32 to index
      %swap3A_59 = tpu.vector_load %arg11[%swap3A] {strides = array<i32>} : memref<3136xf32, #tpu.memory_space<vmem>>, vector<16xf32>,
      %swap3A_60 = vector.shape_cast %swap3A_59 : vector<16xf32> to vector<16xf32>
      %swap3A_61 = vector.shape_cast %broadcast_in_dim3A_56 : vector<16xf32> to vector<16xf32>
      tpu.vector_store %arg11[%swap3A], %swap3A_61 {strides = array<i32>} : memref<3136xf32, #tpu.memory_space<vmem>>, vector<16xf32>,
    }
    %scan3A_29 = arith.constant 196 : i32
    %mul3A_30 = arith.constant 3136 : i32
    %mul3A_31 = arith.muli %arg1, %mul3A_30 : i32
    "tpu.region"() ({
      %run_scoped3A = tpu.sem_alloc : memref<!tpu.dma_semaphore, #tpu.memory_space<semaphore_mem>>
      %dma_start3A_55 = tpu.memref_slice %arg12[%mul3A_31] : memref<50176xf32, #tpu.memory_space<vmem_shared>> -> memref<3136xf32, #tpu.memory_space<vmem_shared>>
      %dma_start3A_56 = tpu.memref_slice %arg12[%mul3A_31] : memref<50176xf32, #tpu.memory_space<vmem_shared>> -> memref<3136xf32, #tpu.memory_space<vmem_shared>>
      tpu.enqueue_dma source(%arg11 : memref<3136xf32, #tpu.memory_space<vmem>>) target(%dma_start3A_56 : memref<3136xf32, #tpu.memory_space<vmem_shared>>) target_semaphore(%run_scoped3A : memref<!tpu.dma_semaphore, #tpu.memory_space<semaphore_mem>>)
      %dma_wait3A = tpu.memref_slice %arg12[%mul3A_31] : memref<50176xf32, #tpu.memory_space<vmem_shared>> -> memref<3136xf32, #tpu.memory_space<vmem_shared>>
      %dma_wait3A_57 = tpu.memref_slice %arg12[%mul3A_31] : memref<50176xf32, #tpu.memory_space<vmem_shared>> -> memref<3136xf32, #tpu.memory_space<vmem_shared>>
      tpu.wait_dma2 semaphore(%run_scoped3A : memref<!tpu.dma_semaphore, #tpu.memory_space<semaphore_mem>>) src(%arg11 : memref<3136xf32, #tpu.memory_space<vmem>>) dst(%dma_wait3A_57 : memref<3136xf32, #tpu.memory_space<vmem_shared>>)
      tpu.yield
    }) : () -> ()
    %barrier3A = arith.constant 0 : index
    tpu.barrier barrier_id(%barrier3A)
    %lt3A_32 = arith.constant 20 : i32
    %lt3A_33 = arith.cmpi slt, %add3A, %lt3A_32 : i32
    %convert_element_type3A_34 = arith.extui %lt3A_33 : i1 to i32
    %cond3A_35 = arith.constant 0 : i32
    %cond3A_36 = arith.cmpi ne, %convert_element_type3A_34, %cond3A_35 : i32
    scf.if %cond3A_36 {
      %dma_wait3A = arith.constant 0 : i32
      %dma_wait3A_55 = tpu.memref_slice %arg2[%dma_wait3A, %add3A_23] : memref<2x1600000xi32, #tpu.memory_space<hbm>> -> memref<2x128xi32, #tpu.memory_space<hbm>>
      %dma_wait3A_56 = arith.constant 0 : i32
      %dma_wait3A_57 = tpu.memref_slice %arg2[%dma_wait3A_56, %add3A_23] : memref<2x1600000xi32, #tpu.memory_space<hbm>> -> memref<2x128xi32, #tpu.memory_space<hbm>>
      tpu.wait_dma2 semaphore(%arg16 : memref<!tpu.dma_semaphore, #tpu.memory_space<semaphore_mem>>) src(%dma_wait3A_57 : memref<2x128xi32, #tpu.memory_space<hbm>>) dst(%arg9 : memref<2x128xi32, #tpu.memory_space<vmem>>)
      %dma_wait3A_58 = tpu.memref_slice %arg3[%add3A_23] : memref<1600000xf32, #tpu.memory_space<hbm>> -> memref<128xf32, #tpu.memory_space<hbm>>
      %dma_wait3A_59 = tpu.memref_slice %arg3[%add3A_23] : memref<1600000xf32, #tpu.memory_space<hbm>> -> memref<128xf32, #tpu.memory_space<hbm>>
      tpu.wait_dma2 semaphore(%arg16 : memref<!tpu.dma_semaphore, #tpu.memory_space<semaphore_mem>>) src(%dma_wait3A_59 : memref<128xf32, #tpu.memory_space<hbm>>) dst(%arg10 : memref<128xf32, #tpu.memory_space<vmem>>)
      %dma_start3A_60 = arith.constant 1 : i32
      %dma_start3A_61 = arith.constant 0 : i32
      %dma_start3A_62 = tpu.memref_slice %arg9[%dma_start3A_60, %dma_start3A_61] : memref<2x128xi32, #tpu.memory_space<vmem>> -> memref<1x128xi32, #tpu.memory_space<vmem>>
      %dma_start3A_63 = tpu.memref_squeeze %dma_start3A_62 : memref<1x128xi32, #tpu.memory_space<vmem>> -> memref<128xi32, #tpu.memory_space<vmem>>
      %dma_start3A_64 = arith.constant 0 : i32
      %dma_start3A_65 = tpu.memref_slice %arg12[%dma_start3A_64] : memref<50176xf32, #tpu.memory_space<vmem_shared>> -> memref<50176xf32, #tpu.memory_space<vmem_shared>>
      tpu.enqueue_indirect_dma source(%arg10 : memref<128xf32, #tpu.memory_space<vmem>>) target(%dma_start3A_65 : memref<50176xf32, #tpu.memory_space<vmem_shared>>) offsets(%dma_start3A_63 : memref<128xi32, #tpu.memory_space<vmem>>) semaphore(%arg16 : memref<!tpu.dma_semaphore, #tpu.memory_space<semaphore_mem>>) {add = true}
    } else {
    }
    %scan3A_37 = arith.constant 0 : i32
    %scan3A_38 = arith.constant 5 : i32
    %scan3A_39 = arith.addi %scan3A_37, %scan3A_38 : i32
    %scan3A_40 = arith.constant 1 : i32
    scf.for %scan3A_55 = %scan3A_37 to %scan3A_39 step %scan3A_40  : i32 {
      %mul3A_56 = arith.constant 2 : i32
      %mul3A_57 = arith.muli %mul3A_56, %scan3A_55 : i32
      %add3A_58 = arith.constant 0 : i32
      %add3A_59 = arith.addi %mul3A_57, %add3A_58 : i32
      %mul3A_60 = arith.constant 4992 : i32
      %mul3A_61 = arith.muli %add3A_59, %mul3A_60 : i32
      %add3A_62 = arith.addi %mul3A_6, %mul3A_61 : i32
      %dma_wait3A = arith.constant 0 : i32
      %dma_wait3A_63 = tpu.memref_slice %arg2[%dma_wait3A, %add3A_62] : memref<2x1600000xi32, #tpu.memory_space<hbm>> -> memref<2x4992xi32, #tpu.memory_space<hbm>>
      %dma_wait3A_64 = arith.constant 0 : i32
      %dma_wait3A_65 = tpu.memref_slice %arg2[%dma_wait3A_64, %add3A_62] : memref<2x1600000xi32, #tpu.memory_space<hbm>> -> memref<2x4992xi32, #tpu.memory_space<hbm>>
      tpu.wait_dma2 semaphore(%arg13 : memref<!tpu.dma_semaphore, #tpu.memory_space<semaphore_mem>>) src(%dma_wait3A_65 : memref<2x4992xi32, #tpu.memory_space<hbm>>) dst(%arg5 : memref<2x4992xi32, #tpu.memory_space<vmem>>)
      %dma_wait3A_66 = tpu.memref_slice %arg3[%add3A_62] : memref<1600000xf32, #tpu.memory_space<hbm>> -> memref<4992xf32, #tpu.memory_space<hbm>>
      %dma_wait3A_67 = tpu.memref_slice %arg3[%add3A_62] : memref<1600000xf32, #tpu.memory_space<hbm>> -> memref<4992xf32, #tpu.memory_space<hbm>>
      tpu.wait_dma2 semaphore(%arg13 : memref<!tpu.dma_semaphore, #tpu.memory_space<semaphore_mem>>) src(%dma_wait3A_67 : memref<4992xf32, #tpu.memory_space<hbm>>) dst(%arg6 : memref<4992xf32, #tpu.memory_space<vmem>>)
      %dma_start3A_68 = arith.constant 1 : i32
      %dma_start3A_69 = arith.constant 0 : i32
      %dma_start3A_70 = tpu.memref_slice %arg6[%dma_start3A_69] : memref<4992xf32, #tpu.memory_space<vmem>> -> memref<128xf32, #tpu.memory_space<vmem>>
      %dma_start3A_71 = arith.constant 0 : i32
      %dma_start3A_72 = tpu.memref_slice %arg5[%dma_start3A_68, %dma_start3A_71] : memref<2x4992xi32, #tpu.memory_space<vmem>> -> memref<1x128xi32, #tpu.memory_space<vmem>>
      %dma_start3A_73 = tpu.memref_squeeze %dma_start3A_72 : memref<1x128xi32, #tpu.memory_space<vmem>> -> memref<128xi32, #tpu.memory_space<vmem>>
      %dma_start3A_74 = arith.constant 0 : i32
      %dma_start3A_75 = tpu.memref_slice %arg12[%dma_start3A_74] : memref<50176xf32, #tpu.memory_space<vmem_shared>> -> memref<50176xf32, #tpu.memory_space<vmem_shared>>
      tpu.enqueue_indirect_dma source(%dma_start3A_70 : memref<128xf32, #tpu.memory_space<vmem>>) target(%dma_start3A_75 : memref<50176xf32, #tpu.memory_space<vmem_shared>>) offsets(%dma_start3A_73 : memref<128xi32, #tpu.memory_space<vmem>>) semaphore(%arg15 : memref<!tpu.dma_semaphore, #tpu.memory_space<semaphore_mem>>) {add = true}
      %dma_start3A_76 = arith.constant 1 : i32
      %dma_start3A_77 = arith.constant 128 : i32
      %dma_start3A_78 = tpu.memref_slice %arg6[%dma_start3A_77] : memref<4992xf32, #tpu.memory_space<vmem>> -> memref<128xf32, #tpu.memory_space<vmem>>
      %dma_start3A_79 = arith.constant 128 : i32
      %dma_start3A_80 = tpu.memref_slice %arg5[%dma_start3A_76, %dma_start3A_79] : memref<2x4992xi32, #tpu.memory_space<vmem>> -> memref<1x128xi32, #tpu.memory_space<vmem>>
      %dma_start3A_81 = tpu.memref_squeeze %dma_start3A_80 : memref<1x128xi32, #tpu.memory_space<vmem>> -> memref<128xi32, #tpu.memory_space<vmem>>
      %dma_start3A_82 = arith.constant 0 : i32
      %dma_start3A_83 = tpu.memref_slice %arg12[%dma_start3A_82] : memref<50176xf32, #tpu.memory_space<vmem_shared>> -> memref<50176xf32, #tpu.memory_space<vmem_shared>>
      tpu.enqueue_indirect_dma source(%dma_start3A_78 : memref<128xf32, #tpu.memory_space<vmem>>) target(%dma_start3A_83 : memref<50176xf32, #tpu.memory_space<vmem_shared>>) offsets(%dma_start3A_81 : memref<128xi32, #tpu.memory_space<vmem>>) semaphore(%arg15 : memref<!tpu.dma_semaphore, #tpu.memory_space<semaphore_mem>>) {add = true}
      %dma_start3A_84 = arith.constant 1 : i32
      %dma_start3A_85 = arith.constant 256 : i32
      %dma_start3A_86 = tpu.memref_slice %arg6[%dma_start3A_85] : memref<4992xf32, #tpu.memory_space<vmem>> -> memref<128xf32, #tpu.memory_space<vmem>>
      %dma_start3A_87 = arith.constant 256 : i32
      %dma_start3A_88 = tpu.memref_slice %arg5[%dma_start3A_84, %dma_start3A_87] : memref<2x4992xi32, #tpu.memory_space<vmem>> -> memref<1x128xi32, #tpu.memory_space<vmem>>
      %dma_start3A_89 = tpu.memref_squeeze %dma_start3A_88 : memref<1x128xi32, #tpu.memory_space<vmem>> -> memref<128xi32, #tpu.memory_space<vmem>>
      %dma_start3A_90 = arith.constant 0 : i32
      %dma_start3A_91 = tpu.memref_slice %arg12[%dma_start3A_90] : memref<50176xf32, #tpu.memory_space<vmem_shared>> -> memref<50176xf32, #tpu.memory_space<vmem_shared>>
      tpu.enqueue_indirect_dma source(%dma_start3A_86 : memref<128xf32, #tpu.memory_space<vmem>>) target(%dma_start3A_91 : memref<50176xf32, #tpu.memory_space<vmem_shared>>) offsets(%dma_start3A_89 : memref<128xi32, #tpu.memory_space<vmem>>) semaphore(%arg15 : memref<!tpu.dma_semaphore, #tpu.memory_space<semaphore_mem>>) {add = true}
      %dma_start3A_92 = arith.constant 1 : i32
      %dma_start3A_93 = arith.constant 384 : i32
      %dma_start3A_94 = tpu.memref_slice %arg6[%dma_start3A_93] : memref<4992xf32, #tpu.memory_space<vmem>> -> memref<128xf32, #tpu.memory_space<vmem>>
      %dma_start3A_95 = arith.constant 384 : i32
      %dma_start3A_96 = tpu.memref_slice %arg5[%dma_start3A_92, %dma_start3A_95] : memref<2x4992xi32, #tpu.memory_space<vmem>> -> memref<1x128xi32, #tpu.memory_space<vmem>>
      %dma_start3A_97 = tpu.memref_squeeze %dma_start3A_96 : memref<1x128xi32, #tpu.memory_space<vmem>> -> memref<128xi32, #tpu.memory_space<vmem>>
      %dma_start3A_98 = arith.constant 0 : i32
      %dma_start3A_99 = tpu.memref_slice %arg12[%dma_start3A_98] : memref<50176xf32, #tpu.memory_space<vmem_shared>> -> memref<50176xf32, #tpu.memory_space<vmem_shared>>
      tpu.enqueue_indirect_dma source(%dma_start3A_94 : memref<128xf32, #tpu.memory_space<vmem>>) target(%dma_start3A_99 : memref<50176xf32, #tpu.memory_space<vmem_shared>>) offsets(%dma_start3A_97 : memref<128xi32, #tpu.memory_space<vmem>>) semaphore(%arg15 : memref<!tpu.dma_semaphore, #tpu.memory_space<semaphore_mem>>) {add = true}
      %dma_start3A_100 = arith.constant 1 : i32
      %dma_start3A_101 = arith.constant 512 : i32
      %dma_start3A_102 = tpu.memref_slice %arg6[%dma_start3A_101] : memref<4992xf32, #tpu.memory_space<vmem>> -> memref<128xf32, #tpu.memory_space<vmem>>
      %dma_start3A_103 = arith.constant 512 : i32
      %dma_start3A_104 = tpu.memref_slice %arg5[%dma_start3A_100, %dma_start3A_103] : memref<2x4992xi32, #tpu.memory_space<vmem>> -> memref<1x128xi32, #tpu.memory_space<vmem>>
      %dma_start3A_105 = tpu.memref_squeeze %dma_start3A_104 : memref<1x128xi32, #tpu.memory_space<vmem>> -> memref<128xi32, #tpu.memory_space<vmem>>
      %dma_start3A_106 = arith.constant 0 : i32
      %dma_start3A_107 = tpu.memref_slice %arg12[%dma_start3A_106] : memref<50176xf32, #tpu.memory_space<vmem_shared>> -> memref<50176xf32, #tpu.memory_space<vmem_shared>>
      tpu.enqueue_indirect_dma source(%dma_start3A_102 : memref<128xf32, #tpu.memory_space<vmem>>) target(%dma_start3A_107 : memref<50176xf32, #tpu.memory_space<vmem_shared>>) offsets(%dma_start3A_105 : memref<128xi32, #tpu.memory_space<vmem>>) semaphore(%arg15 : memref<!tpu.dma_semaphore, #tpu.memory_space<semaphore_mem>>) {add = true}
      %dma_start3A_108 = arith.constant 1 : i32
      %dma_start3A_109 = arith.constant 640 : i32
      %dma_start3A_110 = tpu.memref_slice %arg6[%dma_start3A_109] : memref<4992xf32, #tpu.memory_space<vmem>> -> memref<128xf32, #tpu.memory_space<vmem>>
      %dma_start3A_111 = arith.constant 640 : i32
      %dma_start3A_112 = tpu.memref_slice %arg5[%dma_start3A_108, %dma_start3A_111] : memref<2x4992xi32, #tpu.memory_space<vmem>> -> memref<1x128xi32, #tpu.memory_space<vmem>>
      %dma_start3A_113 = tpu.memref_squeeze %dma_start3A_112 : memref<1x128xi32, #tpu.memory_space<vmem>> -> memref<128xi32, #tpu.memory_space<vmem>>
      %dma_start3A_114 = arith.constant 0 : i32
      %dma_start3A_115 = tpu.memref_slice %arg12[%dma_start3A_114] : memref<50176xf32, #tpu.memory_space<vmem_shared>> -> memref<50176xf32, #tpu.memory_space<vmem_shared>>
      tpu.enqueue_indirect_dma source(%dma_start3A_110 : memref<128xf32, #tpu.memory_space<vmem>>) target(%dma_start3A_115 : memref<50176xf32, #tpu.memory_space<vmem_shared>>) offsets(%dma_start3A_113 : memref<128xi32, #tpu.memory_space<vmem>>) semaphore(%arg15 : memref<!tpu.dma_semaphore, #tpu.memory_space<semaphore_mem>>) {add = true}
      %dma_start3A_116 = arith.constant 1 : i32
      %dma_start3A_117 = arith.constant 768 : i32
      %dma_start3A_118 = tpu.memref_slice %arg6[%dma_start3A_117] : memref<4992xf32, #tpu.memory_space<vmem>> -> memref<128xf32, #tpu.memory_space<vmem>>
      %dma_start3A_119 = arith.constant 768 : i32
      %dma_start3A_120 = tpu.memref_slice %arg5[%dma_start3A_116, %dma_start3A_119] : memref<2x4992xi32, #tpu.memory_space<vmem>> -> memref<1x128xi32, #tpu.memory_space<vmem>>
      %dma_start3A_121 = tpu.memref_squeeze %dma_start3A_120 : memref<1x128xi32, #tpu.memory_space<vmem>> -> memref<128xi32, #tpu.memory_space<vmem>>
      %dma_start3A_122 = arith.constant 0 : i32
      %dma_start3A_123 = tpu.memref_slice %arg12[%dma_start3A_122] : memref<50176xf32, #tpu.memory_space<vmem_shared>> -> memref<50176xf32, #tpu.memory_space<vmem_shared>>
      tpu.enqueue_indirect_dma source(%dma_start3A_118 : memref<128xf32, #tpu.memory_space<vmem>>) target(%dma_start3A_123 : memref<50176xf32, #tpu.memory_space<vmem_shared>>) offsets(%dma_start3A_121 : memref<128xi32, #tpu.memory_space<vmem>>) semaphore(%arg15 : memref<!tpu.dma_semaphore, #tpu.memory_space<semaphore_mem>>) {add = true}
      %dma_start3A_124 = arith.constant 1 : i32
      %dma_start3A_125 = arith.constant 896 : i32
      %dma_start3A_126 = tpu.memref_slice %arg6[%dma_start3A_125] : memref<4992xf32, #tpu.memory_space<vmem>> -> memref<128xf32, #tpu.memory_space<vmem>>
      %dma_start3A_127 = arith.constant 896 : i32
      %dma_start3A_128 = tpu.memref_slice %arg5[%dma_start3A_124, %dma_start3A_127] : memref<2x4992xi32, #tpu.memory_space<vmem>> -> memref<1x128xi32, #tpu.memory_space<vmem>>
      %dma_start3A_129 = tpu.memref_squeeze %dma_start3A_128 : memref<1x128xi32, #tpu.memory_space<vmem>> -> memref<128xi32, #tpu.memory_space<vmem>>
      %dma_start3A_130 = arith.constant 0 : i32
      %dma_start3A_131 = tpu.memref_slice %arg12[%dma_start3A_130] : memref<50176xf32, #tpu.memory_space<vmem_shared>> -> memref<50176xf32, #tpu.memory_space<vmem_shared>>
      tpu.enqueue_indirect_dma source(%dma_start3A_126 : memref<128xf32, #tpu.memory_space<vmem>>) target(%dma_start3A_131 : memref<50176xf32, #tpu.memory_space<vmem_shared>>) offsets(%dma_start3A_129 : memref<128xi32, #tpu.memory_space<vmem>>) semaphore(%arg15 : memref<!tpu.dma_semaphore, #tpu.memory_space<semaphore_mem>>) {add = true}
      %dma_start3A_132 = arith.constant 1 : i32
      %dma_start3A_133 = arith.constant 1024 : i32
      %dma_start3A_134 = tpu.memref_slice %arg6[%dma_start3A_133] : memref<4992xf32, #tpu.memory_space<vmem>> -> memref<128xf32, #tpu.memory_space<vmem>>
      %dma_start3A_135 = arith.constant 1024 : i32
      %dma_start3A_136 = tpu.memref_slice %arg5[%dma_start3A_132, %dma_start3A_135] : memref<2x4992xi32, #tpu.memory_space<vmem>> -> memref<1x128xi32, #tpu.memory_space<vmem>>
      %dma_start3A_137 = tpu.memref_squeeze %dma_start3A_136 : memref<1x128xi32, #tpu.memory_space<vmem>> -> memref<128xi32, #tpu.memory_space<vmem>>
      %dma_start3A_138 = arith.constant 0 : i32
      %dma_start3A_139 = tpu.memref_slice %arg12[%dma_start3A_138] : memref<50176xf32, #tpu.memory_space<vmem_shared>> -> memref<50176xf32, #tpu.memory_space<vmem_shared>>
      tpu.enqueue_indirect_dma source(%dma_start3A_134 : memref<128xf32, #tpu.memory_space<vmem>>) target(%dma_start3A_139 : memref<50176xf32, #tpu.memory_space<vmem_shared>>) offsets(%dma_start3A_137 : memref<128xi32, #tpu.memory_space<vmem>>) semaphore(%arg15 : memref<!tpu.dma_semaphore, #tpu.memory_space<semaphore_mem>>) {add = true}
      %dma_start3A_140 = arith.constant 1 : i32
      %dma_start3A_141 = arith.constant 1152 : i32
      %dma_start3A_142 = tpu.memref_slice %arg6[%dma_start3A_141] : memref<4992xf32, #tpu.memory_space<vmem>> -> memref<128xf32, #tpu.memory_space<vmem>>
      %dma_start3A_143 = arith.constant 1152 : i32
      %dma_start3A_144 = tpu.memref_slice %arg5[%dma_start3A_140, %dma_start3A_143] : memref<2x4992xi32, #tpu.memory_space<vmem>> -> memref<1x128xi32, #tpu.memory_space<vmem>>
      %dma_start3A_145 = tpu.memref_squeeze %dma_start3A_144 : memref<1x128xi32, #tpu.memory_space<vmem>> -> memref<128xi32, #tpu.memory_space<vmem>>
      %dma_start3A_146 = arith.constant 0 : i32
      %dma_start3A_147 = tpu.memref_slice %arg12[%dma_start3A_146] : memref<50176xf32, #tpu.memory_space<vmem_shared>> -> memref<50176xf32, #tpu.memory_space<vmem_shared>>
      tpu.enqueue_indirect_dma source(%dma_start3A_142 : memref<128xf32, #tpu.memory_space<vmem>>) target(%dma_start3A_147 : memref<50176xf32, #tpu.memory_space<vmem_shared>>) offsets(%dma_start3A_145 : memref<128xi32, #tpu.memory_space<vmem>>) semaphore(%arg15 : memref<!tpu.dma_semaphore, #tpu.memory_space<semaphore_mem>>) {add = true}
      %dma_start3A_148 = arith.constant 1 : i32
      %dma_start3A_149 = arith.constant 1280 : i32
      %dma_start3A_150 = tpu.memref_slice %arg6[%dma_start3A_149] : memref<4992xf32, #tpu.memory_space<vmem>> -> memref<128xf32, #tpu.memory_space<vmem>>
      %dma_start3A_151 = arith.constant 1280 : i32
      %dma_start3A_152 = tpu.memref_slice %arg5[%dma_start3A_148, %dma_start3A_151] : memref<2x4992xi32, #tpu.memory_space<vmem>> -> memref<1x128xi32, #tpu.memory_space<vmem>>
      %dma_start3A_153 = tpu.memref_squeeze %dma_start3A_152 : memref<1x128xi32, #tpu.memory_space<vmem>> -> memref<128xi32, #tpu.memory_space<vmem>>
      %dma_start3A_154 = arith.constant 0 : i32
      %dma_start3A_155 = tpu.memref_slice %arg12[%dma_start3A_154] : memref<50176xf32, #tpu.memory_space<vmem_shared>> -> memref<50176xf32, #tpu.memory_space<vmem_shared>>
      tpu.enqueue_indirect_dma source(%dma_start3A_150 : memref<128xf32, #tpu.memory_space<vmem>>) target(%dma_start3A_155 : memref<50176xf32, #tpu.memory_space<vmem_shared>>) offsets(%dma_start3A_153 : memref<128xi32, #tpu.memory_space<vmem>>) semaphore(%arg15 : memref<!tpu.dma_semaphore, #tpu.memory_space<semaphore_mem>>) {add = true}
      %dma_start3A_156 = arith.constant 1 : i32
      %dma_start3A_157 = arith.constant 1408 : i32
      %dma_start3A_158 = tpu.memref_slice %arg6[%dma_start3A_157] : memref<4992xf32, #tpu.memory_space<vmem>> -> memref<128xf32, #tpu.memory_space<vmem>>
      %dma_start3A_159 = arith.constant 1408 : i32
      %dma_start3A_160 = tpu.memref_slice %arg5[%dma_start3A_156, %dma_start3A_159] : memref<2x4992xi32, #tpu.memory_space<vmem>> -> memref<1x128xi32, #tpu.memory_space<vmem>>
      %dma_start3A_161 = tpu.memref_squeeze %dma_start3A_160 : memref<1x128xi32, #tpu.memory_space<vmem>> -> memref<128xi32, #tpu.memory_space<vmem>>
      %dma_start3A_162 = arith.constant 0 : i32
      %dma_start3A_163 = tpu.memref_slice %arg12[%dma_start3A_162] : memref<50176xf32, #tpu.memory_space<vmem_shared>> -> memref<50176xf32, #tpu.memory_space<vmem_shared>>
      tpu.enqueue_indirect_dma source(%dma_start3A_158 : memref<128xf32, #tpu.memory_space<vmem>>) target(%dma_start3A_163 : memref<50176xf32, #tpu.memory_space<vmem_shared>>) offsets(%dma_start3A_161 : memref<128xi32, #tpu.memory_space<vmem>>) semaphore(%arg15 : memref<!tpu.dma_semaphore, #tpu.memory_space<semaphore_mem>>) {add = true}
      %dma_start3A_164 = arith.constant 1 : i32
      %dma_start3A_165 = arith.constant 1536 : i32
      %dma_start3A_166 = tpu.memref_slice %arg6[%dma_start3A_165] : memref<4992xf32, #tpu.memory_space<vmem>> -> memref<128xf32, #tpu.memory_space<vmem>>
      %dma_start3A_167 = arith.constant 1536 : i32
      %dma_start3A_168 = tpu.memref_slice %arg5[%dma_start3A_164, %dma_start3A_167] : memref<2x4992xi32, #tpu.memory_space<vmem>> -> memref<1x128xi32, #tpu.memory_space<vmem>>
      %dma_start3A_169 = tpu.memref_squeeze %dma_start3A_168 : memref<1x128xi32, #tpu.memory_space<vmem>> -> memref<128xi32, #tpu.memory_space<vmem>>
      %dma_start3A_170 = arith.constant 0 : i32
      %dma_start3A_171 = tpu.memref_slice %arg12[%dma_start3A_170] : memref<50176xf32, #tpu.memory_space<vmem_shared>> -> memref<50176xf32, #tpu.memory_space<vmem_shared>>
      tpu.enqueue_indirect_dma source(%dma_start3A_166 : memref<128xf32, #tpu.memory_space<vmem>>) target(%dma_start3A_171 : memref<50176xf32, #tpu.memory_space<vmem_shared>>) offsets(%dma_start3A_169 : memref<128xi32, #tpu.memory_space<vmem>>) semaphore(%arg15 : memref<!tpu.dma_semaphore, #tpu.memory_space<semaphore_mem>>) {add = true}
      %dma_start3A_172 = arith.constant 1 : i32
      %dma_start3A_173 = arith.constant 1664 : i32
      %dma_start3A_174 = tpu.memref_slice %arg6[%dma_start3A_173] : memref<4992xf32, #tpu.memory_space<vmem>> -> memref<128xf32, #tpu.memory_space<vmem>>
      %dma_start3A_175 = arith.constant 1664 : i32
      %dma_start3A_176 = tpu.memref_slice %arg5[%dma_start3A_172, %dma_start3A_175] : memref<2x4992xi32, #tpu.memory_space<vmem>> -> memref<1x128xi32, #tpu.memory_space<vmem>>
      %dma_start3A_177 = tpu.memref_squeeze %dma_start3A_176 : memref<1x128xi32, #tpu.memory_space<vmem>> -> memref<128xi32, #tpu.memory_space<vmem>>
      %dma_start3A_178 = arith.constant 0 : i32
      %dma_start3A_179 = tpu.memref_slice %arg12[%dma_start3A_178] : memref<50176xf32, #tpu.memory_space<vmem_shared>> -> memref<50176xf32, #tpu.memory_space<vmem_shared>>
      tpu.enqueue_indirect_dma source(%dma_start3A_174 : memref<128xf32, #tpu.memory_space<vmem>>) target(%dma_start3A_179 : memref<50176xf32, #tpu.memory_space<vmem_shared>>) offsets(%dma_start3A_177 : memref<128xi32, #tpu.memory_space<vmem>>) semaphore(%arg15 : memref<!tpu.dma_semaphore, #tpu.memory_space<semaphore_mem>>) {add = true}
      %dma_start3A_180 = arith.constant 1 : i32
      %dma_start3A_181 = arith.constant 1792 : i32
      %dma_start3A_182 = tpu.memref_slice %arg6[%dma_start3A_181] : memref<4992xf32, #tpu.memory_space<vmem>> -> memref<128xf32, #tpu.memory_space<vmem>>
      %dma_start3A_183 = arith.constant 1792 : i32
      %dma_start3A_184 = tpu.memref_slice %arg5[%dma_start3A_180, %dma_start3A_183] : memref<2x4992xi32, #tpu.memory_space<vmem>> -> memref<1x128xi32, #tpu.memory_space<vmem>>
      %dma_start3A_185 = tpu.memref_squeeze %dma_start3A_184 : memref<1x128xi32, #tpu.memory_space<vmem>> -> memref<128xi32, #tpu.memory_space<vmem>>
      %dma_start3A_186 = arith.constant 0 : i32
      %dma_start3A_187 = tpu.memref_slice %arg12[%dma_start3A_186] : memref<50176xf32, #tpu.memory_space<vmem_shared>> -> memref<50176xf32, #tpu.memory_space<vmem_shared>>
      tpu.enqueue_indirect_dma source(%dma_start3A_182 : memref<128xf32, #tpu.memory_space<vmem>>) target(%dma_start3A_187 : memref<50176xf32, #tpu.memory_space<vmem_shared>>) offsets(%dma_start3A_185 : memref<128xi32, #tpu.memory_space<vmem>>) semaphore(%arg15 : memref<!tpu.dma_semaphore, #tpu.memory_space<semaphore_mem>>) {add = true}
      %dma_start3A_188 = arith.constant 1 : i32
      %dma_start3A_189 = arith.constant 1920 : i32
      %dma_start3A_190 = tpu.memref_slice %arg6[%dma_start3A_189] : memref<4992xf32, #tpu.memory_space<vmem>> -> memref<128xf32, #tpu.memory_space<vmem>>
      %dma_start3A_191 = arith.constant 1920 : i32
      %dma_start3A_192 = tpu.memref_slice %arg5[%dma_start3A_188, %dma_start3A_191] : memref<2x4992xi32, #tpu.memory_space<vmem>> -> memref<1x128xi32, #tpu.memory_space<vmem>>
      %dma_start3A_193 = tpu.memref_squeeze %dma_start3A_192 : memref<1x128xi32, #tpu.memory_space<vmem>> -> memref<128xi32, #tpu.memory_space<vmem>>
      %dma_start3A_194 = arith.constant 0 : i32
      %dma_start3A_195 = tpu.memref_slice %arg12[%dma_start3A_194] : memref<50176xf32, #tpu.memory_space<vmem_shared>> -> memref<50176xf32, #tpu.memory_space<vmem_shared>>
      tpu.enqueue_indirect_dma source(%dma_start3A_190 : memref<128xf32, #tpu.memory_space<vmem>>) target(%dma_start3A_195 : memref<50176xf32, #tpu.memory_space<vmem_shared>>) offsets(%dma_start3A_193 : memref<128xi32, #tpu.memory_space<vmem>>) semaphore(%arg15 : memref<!tpu.dma_semaphore, #tpu.memory_space<semaphore_mem>>) {add = true}
      %dma_start3A_196 = arith.constant 1 : i32
      %dma_start3A_197 = arith.constant 2048 : i32
      %dma_start3A_198 = tpu.memref_slice %arg6[%dma_start3A_197] : memref<4992xf32, #tpu.memory_space<vmem>> -> memref<128xf32, #tpu.memory_space<vmem>>
      %dma_start3A_199 = arith.constant 2048 : i32
      %dma_start3A_200 = tpu.memref_slice %arg5[%dma_start3A_196, %dma_start3A_199] : memref<2x4992xi32, #tpu.memory_space<vmem>> -> memref<1x128xi32, #tpu.memory_space<vmem>>
      %dma_start3A_201 = tpu.memref_squeeze %dma_start3A_200 : memref<1x128xi32, #tpu.memory_space<vmem>> -> memref<128xi32, #tpu.memory_space<vmem>>
      %dma_start3A_202 = arith.constant 0 : i32
      %dma_start3A_203 = tpu.memref_slice %arg12[%dma_start3A_202] : memref<50176xf32, #tpu.memory_space<vmem_shared>> -> memref<50176xf32, #tpu.memory_space<vmem_shared>>
      tpu.enqueue_indirect_dma source(%dma_start3A_198 : memref<128xf32, #tpu.memory_space<vmem>>) target(%dma_start3A_203 : memref<50176xf32, #tpu.memory_space<vmem_shared>>) offsets(%dma_start3A_201 : memref<128xi32, #tpu.memory_space<vmem>>) semaphore(%arg15 : memref<!tpu.dma_semaphore, #tpu.memory_space<semaphore_mem>>) {add = true}
      %dma_start3A_204 = arith.constant 1 : i32
      %dma_start3A_205 = arith.constant 2176 : i32
      %dma_start3A_206 = tpu.memref_slice %arg6[%dma_start3A_205] : memref<4992xf32, #tpu.memory_space<vmem>> -> memref<128xf32, #tpu.memory_space<vmem>>
      %dma_start3A_207 = arith.constant 2176 : i32
      %dma_start3A_208 = tpu.memref_slice %arg5[%dma_start3A_204, %dma_start3A_207] : memref<2x4992xi32, #tpu.memory_space<vmem>> -> memref<1x128xi32, #tpu.memory_space<vmem>>
      %dma_start3A_209 = tpu.memref_squeeze %dma_start3A_208 : memref<1x128xi32, #tpu.memory_space<vmem>> -> memref<128xi32, #tpu.memory_space<vmem>>
      %dma_start3A_210 = arith.constant 0 : i32
      %dma_start3A_211 = tpu.memref_slice %arg12[%dma_start3A_210] : memref<50176xf32, #tpu.memory_space<vmem_shared>> -> memref<50176xf32, #tpu.memory_space<vmem_shared>>
      tpu.enqueue_indirect_dma source(%dma_start3A_206 : memref<128xf32, #tpu.memory_space<vmem>>) target(%dma_start3A_211 : memref<50176xf32, #tpu.memory_space<vmem_shared>>) offsets(%dma_start3A_209 : memref<128xi32, #tpu.memory_space<vmem>>) semaphore(%arg15 : memref<!tpu.dma_semaphore, #tpu.memory_space<semaphore_mem>>) {add = true}
      %dma_start3A_212 = arith.constant 1 : i32
      %dma_start3A_213 = arith.constant 2304 : i32
      %dma_start3A_214 = tpu.memref_slice %arg6[%dma_start3A_213] : memref<4992xf32, #tpu.memory_space<vmem>> -> memref<128xf32, #tpu.memory_space<vmem>>
      %dma_start3A_215 = arith.constant 2304 : i32
      %dma_start3A_216 = tpu.memref_slice %arg5[%dma_start3A_212, %dma_start3A_215] : memref<2x4992xi32, #tpu.memory_space<vmem>> -> memref<1x128xi32, #tpu.memory_space<vmem>>
      %dma_start3A_217 = tpu.memref_squeeze %dma_start3A_216 : memref<1x128xi32, #tpu.memory_space<vmem>> -> memref<128xi32, #tpu.memory_space<vmem>>
      %dma_start3A_218 = arith.constant 0 : i32
      %dma_start3A_219 = tpu.memref_slice %arg12[%dma_start3A_218] : memref<50176xf32, #tpu.memory_space<vmem_shared>> -> memref<50176xf32, #tpu.memory_space<vmem_shared>>
      tpu.enqueue_indirect_dma source(%dma_start3A_214 : memref<128xf32, #tpu.memory_space<vmem>>) target(%dma_start3A_219 : memref<50176xf32, #tpu.memory_space<vmem_shared>>) offsets(%dma_start3A_217 : memref<128xi32, #tpu.memory_space<vmem>>) semaphore(%arg15 : memref<!tpu.dma_semaphore, #tpu.memory_space<semaphore_mem>>) {add = true}
      %dma_start3A_220 = arith.constant 1 : i32
      %dma_start3A_221 = arith.constant 2432 : i32
      %dma_start3A_222 = tpu.memref_slice %arg6[%dma_start3A_221] : memref<4992xf32, #tpu.memory_space<vmem>> -> memref<128xf32, #tpu.memory_space<vmem>>
      %dma_start3A_223 = arith.constant 2432 : i32
      %dma_start3A_224 = tpu.memref_slice %arg5[%dma_start3A_220, %dma_start3A_223] : memref<2x4992xi32, #tpu.memory_space<vmem>> -> memref<1x128xi32, #tpu.memory_space<vmem>>
      %dma_start3A_225 = tpu.memref_squeeze %dma_start3A_224 : memref<1x128xi32, #tpu.memory_space<vmem>> -> memref<128xi32, #tpu.memory_space<vmem>>
      %dma_start3A_226 = arith.constant 0 : i32
      %dma_start3A_227 = tpu.memref_slice %arg12[%dma_start3A_226] : memref<50176xf32, #tpu.memory_space<vmem_shared>> -> memref<50176xf32, #tpu.memory_space<vmem_shared>>
      tpu.enqueue_indirect_dma source(%dma_start3A_222 : memref<128xf32, #tpu.memory_space<vmem>>) target(%dma_start3A_227 : memref<50176xf32, #tpu.memory_space<vmem_shared>>) offsets(%dma_start3A_225 : memref<128xi32, #tpu.memory_space<vmem>>) semaphore(%arg15 : memref<!tpu.dma_semaphore, #tpu.memory_space<semaphore_mem>>) {add = true}
      %dma_start3A_228 = arith.constant 1 : i32
      %dma_start3A_229 = arith.constant 2560 : i32
      %dma_start3A_230 = tpu.memref_slice %arg6[%dma_start3A_229] : memref<4992xf32, #tpu.memory_space<vmem>> -> memref<128xf32, #tpu.memory_space<vmem>>
      %dma_start3A_231 = arith.constant 2560 : i32
      %dma_start3A_232 = tpu.memref_slice %arg5[%dma_start3A_228, %dma_start3A_231] : memref<2x4992xi32, #tpu.memory_space<vmem>> -> memref<1x128xi32, #tpu.memory_space<vmem>>
      %dma_start3A_233 = tpu.memref_squeeze %dma_start3A_232 : memref<1x128xi32, #tpu.memory_space<vmem>> -> memref<128xi32, #tpu.memory_space<vmem>>
      %dma_start3A_234 = arith.constant 0 : i32
      %dma_start3A_235 = tpu.memref_slice %arg12[%dma_start3A_234] : memref<50176xf32, #tpu.memory_space<vmem_shared>> -> memref<50176xf32, #tpu.memory_space<vmem_shared>>
      tpu.enqueue_indirect_dma source(%dma_start3A_230 : memref<128xf32, #tpu.memory_space<vmem>>) target(%dma_start3A_235 : memref<50176xf32, #tpu.memory_space<vmem_shared>>) offsets(%dma_start3A_233 : memref<128xi32, #tpu.memory_space<vmem>>) semaphore(%arg15 : memref<!tpu.dma_semaphore, #tpu.memory_space<semaphore_mem>>) {add = true}
      %dma_start3A_236 = arith.constant 1 : i32
      %dma_start3A_237 = arith.constant 2688 : i32
      %dma_start3A_238 = tpu.memref_slice %arg6[%dma_start3A_237] : memref<4992xf32, #tpu.memory_space<vmem>> -> memref<128xf32, #tpu.memory_space<vmem>>
      %dma_start3A_239 = arith.constant 2688 : i32
      %dma_start3A_240 = tpu.memref_slice %arg5[%dma_start3A_236, %dma_start3A_239] : memref<2x4992xi32, #tpu.memory_space<vmem>> -> memref<1x128xi32, #tpu.memory_space<vmem>>
      %dma_start3A_241 = tpu.memref_squeeze %dma_start3A_240 : memref<1x128xi32, #tpu.memory_space<vmem>> -> memref<128xi32, #tpu.memory_space<vmem>>
      %dma_start3A_242 = arith.constant 0 : i32
      %dma_start3A_243 = tpu.memref_slice %arg12[%dma_start3A_242] : memref<50176xf32, #tpu.memory_space<vmem_shared>> -> memref<50176xf32, #tpu.memory_space<vmem_shared>>
      tpu.enqueue_indirect_dma source(%dma_start3A_238 : memref<128xf32, #tpu.memory_space<vmem>>) target(%dma_start3A_243 : memref<50176xf32, #tpu.memory_space<vmem_shared>>) offsets(%dma_start3A_241 : memref<128xi32, #tpu.memory_space<vmem>>) semaphore(%arg15 : memref<!tpu.dma_semaphore, #tpu.memory_space<semaphore_mem>>) {add = true}
      %dma_start3A_244 = arith.constant 1 : i32
      %dma_start3A_245 = arith.constant 2816 : i32
      %dma_start3A_246 = tpu.memref_slice %arg6[%dma_start3A_245] : memref<4992xf32, #tpu.memory_space<vmem>> -> memref<128xf32, #tpu.memory_space<vmem>>
      %dma_start3A_247 = arith.constant 2816 : i32
      %dma_start3A_248 = tpu.memref_slice %arg5[%dma_start3A_244, %dma_start3A_247] : memref<2x4992xi32, #tpu.memory_space<vmem>> -> memref<1x128xi32, #tpu.memory_space<vmem>>
      %dma_start3A_249 = tpu.memref_squeeze %dma_start3A_248 : memref<1x128xi32, #tpu.memory_space<vmem>> -> memref<128xi32, #tpu.memory_space<vmem>>
      %dma_start3A_250 = arith.constant 0 : i32
      %dma_start3A_251 = tpu.memref_slice %arg12[%dma_start3A_250] : memref<50176xf32, #tpu.memory_space<vmem_shared>> -> memref<50176xf32, #tpu.memory_space<vmem_shared>>
      tpu.enqueue_indirect_dma source(%dma_start3A_246 : memref<128xf32, #tpu.memory_space<vmem>>) target(%dma_start3A_251 : memref<50176xf32, #tpu.memory_space<vmem_shared>>) offsets(%dma_start3A_249 : memref<128xi32, #tpu.memory_space<vmem>>) semaphore(%arg15 : memref<!tpu.dma_semaphore, #tpu.memory_space<semaphore_mem>>) {add = true}
      %dma_start3A_252 = arith.constant 1 : i32
      %dma_start3A_253 = arith.constant 2944 : i32
      %dma_start3A_254 = tpu.memref_slice %arg6[%dma_start3A_253] : memref<4992xf32, #tpu.memory_space<vmem>> -> memref<128xf32, #tpu.memory_space<vmem>>
      %dma_start3A_255 = arith.constant 2944 : i32
      %dma_start3A_256 = tpu.memref_slice %arg5[%dma_start3A_252, %dma_start3A_255] : memref<2x4992xi32, #tpu.memory_space<vmem>> -> memref<1x128xi32, #tpu.memory_space<vmem>>
      %dma_start3A_257 = tpu.memref_squeeze %dma_start3A_256 : memref<1x128xi32, #tpu.memory_space<vmem>> -> memref<128xi32, #tpu.memory_space<vmem>>
      %dma_start3A_258 = arith.constant 0 : i32
      %dma_start3A_259 = tpu.memref_slice %arg12[%dma_start3A_258] : memref<50176xf32, #tpu.memory_space<vmem_shared>> -> memref<50176xf32, #tpu.memory_space<vmem_shared>>
      tpu.enqueue_indirect_dma source(%dma_start3A_254 : memref<128xf32, #tpu.memory_space<vmem>>) target(%dma_start3A_259 : memref<50176xf32, #tpu.memory_space<vmem_shared>>) offsets(%dma_start3A_257 : memref<128xi32, #tpu.memory_space<vmem>>) semaphore(%arg15 : memref<!tpu.dma_semaphore, #tpu.memory_space<semaphore_mem>>) {add = true}
      %dma_start3A_260 = arith.constant 1 : i32
      %dma_start3A_261 = arith.constant 3072 : i32
      %dma_start3A_262 = tpu.memref_slice %arg6[%dma_start3A_261] : memref<4992xf32, #tpu.memory_space<vmem>> -> memref<128xf32, #tpu.memory_space<vmem>>
      %dma_start3A_263 = arith.constant 3072 : i32
      %dma_start3A_264 = tpu.memref_slice %arg5[%dma_start3A_260, %dma_start3A_263] : memref<2x4992xi32, #tpu.memory_space<vmem>> -> memref<1x128xi32, #tpu.memory_space<vmem>>
      %dma_start3A_265 = tpu.memref_squeeze %dma_start3A_264 : memref<1x128xi32, #tpu.memory_space<vmem>> -> memref<128xi32, #tpu.memory_space<vmem>>
      %dma_start3A_266 = arith.constant 0 : i32
      %dma_start3A_267 = tpu.memref_slice %arg12[%dma_start3A_266] : memref<50176xf32, #tpu.memory_space<vmem_shared>> -> memref<50176xf32, #tpu.memory_space<vmem_shared>>
      tpu.enqueue_indirect_dma source(%dma_start3A_262 : memref<128xf32, #tpu.memory_space<vmem>>) target(%dma_start3A_267 : memref<50176xf32, #tpu.memory_space<vmem_shared>>) offsets(%dma_start3A_265 : memref<128xi32, #tpu.memory_space<vmem>>) semaphore(%arg15 : memref<!tpu.dma_semaphore, #tpu.memory_space<semaphore_mem>>) {add = true}
      %dma_start3A_268 = arith.constant 1 : i32
      %dma_start3A_269 = arith.constant 3200 : i32
      %dma_start3A_270 = tpu.memref_slice %arg6[%dma_start3A_269] : memref<4992xf32, #tpu.memory_space<vmem>> -> memref<128xf32, #tpu.memory_space<vmem>>
      %dma_start3A_271 = arith.constant 3200 : i32
      %dma_start3A_272 = tpu.memref_slice %arg5[%dma_start3A_268, %dma_start3A_271] : memref<2x4992xi32, #tpu.memory_space<vmem>> -> memref<1x128xi32, #tpu.memory_space<vmem>>
      %dma_start3A_273 = tpu.memref_squeeze %dma_start3A_272 : memref<1x128xi32, #tpu.memory_space<vmem>> -> memref<128xi32, #tpu.memory_space<vmem>>
      %dma_start3A_274 = arith.constant 0 : i32
      %dma_start3A_275 = tpu.memref_slice %arg12[%dma_start3A_274] : memref<50176xf32, #tpu.memory_space<vmem_shared>> -> memref<50176xf32, #tpu.memory_space<vmem_shared>>
      tpu.enqueue_indirect_dma source(%dma_start3A_270 : memref<128xf32, #tpu.memory_space<vmem>>) target(%dma_start3A_275 : memref<50176xf32, #tpu.memory_space<vmem_shared>>) offsets(%dma_start3A_273 : memref<128xi32, #tpu.memory_space<vmem>>) semaphore(%arg15 : memref<!tpu.dma_semaphore, #tpu.memory_space<semaphore_mem>>) {add = true}
      %dma_start3A_276 = arith.constant 1 : i32
      %dma_start3A_277 = arith.constant 3328 : i32
      %dma_start3A_278 = tpu.memref_slice %arg6[%dma_start3A_277] : memref<4992xf32, #tpu.memory_space<vmem>> -> memref<128xf32, #tpu.memory_space<vmem>>
      %dma_start3A_279 = arith.constant 3328 : i32
      %dma_start3A_280 = tpu.memref_slice %arg5[%dma_start3A_276, %dma_start3A_279] : memref<2x4992xi32, #tpu.memory_space<vmem>> -> memref<1x128xi32, #tpu.memory_space<vmem>>
      %dma_start3A_281 = tpu.memref_squeeze %dma_start3A_280 : memref<1x128xi32, #tpu.memory_space<vmem>> -> memref<128xi32, #tpu.memory_space<vmem>>
      %dma_start3A_282 = arith.constant 0 : i32
      %dma_start3A_283 = tpu.memref_slice %arg12[%dma_start3A_282] : memref<50176xf32, #tpu.memory_space<vmem_shared>> -> memref<50176xf32, #tpu.memory_space<vmem_shared>>
      tpu.enqueue_indirect_dma source(%dma_start3A_278 : memref<128xf32, #tpu.memory_space<vmem>>) target(%dma_start3A_283 : memref<50176xf32, #tpu.memory_space<vmem_shared>>) offsets(%dma_start3A_281 : memref<128xi32, #tpu.memory_space<vmem>>) semaphore(%arg15 : memref<!tpu.dma_semaphore, #tpu.memory_space<semaphore_mem>>) {add = true}
      %dma_start3A_284 = arith.constant 1 : i32
      %dma_start3A_285 = arith.constant 3456 : i32
      %dma_start3A_286 = tpu.memref_slice %arg6[%dma_start3A_285] : memref<4992xf32, #tpu.memory_space<vmem>> -> memref<128xf32, #tpu.memory_space<vmem>>
      %dma_start3A_287 = arith.constant 3456 : i32
      %dma_start3A_288 = tpu.memref_slice %arg5[%dma_start3A_284, %dma_start3A_287] : memref<2x4992xi32, #tpu.memory_space<vmem>> -> memref<1x128xi32, #tpu.memory_space<vmem>>
      %dma_start3A_289 = tpu.memref_squeeze %dma_start3A_288 : memref<1x128xi32, #tpu.memory_space<vmem>> -> memref<128xi32, #tpu.memory_space<vmem>>
      %dma_start3A_290 = arith.constant 0 : i32
      %dma_start3A_291 = tpu.memref_slice %arg12[%dma_start3A_290] : memref<50176xf32, #tpu.memory_space<vmem_shared>> -> memref<50176xf32, #tpu.memory_space<vmem_shared>>
      tpu.enqueue_indirect_dma source(%dma_start3A_286 : memref<128xf32, #tpu.memory_space<vmem>>) target(%dma_start3A_291 : memref<50176xf32, #tpu.memory_space<vmem_shared>>) offsets(%dma_start3A_289 : memref<128xi32, #tpu.memory_space<vmem>>) semaphore(%arg15 : memref<!tpu.dma_semaphore, #tpu.memory_space<semaphore_mem>>) {add = true}
      %dma_start3A_292 = arith.constant 1 : i32
      %dma_start3A_293 = arith.constant 3584 : i32
      %dma_start3A_294 = tpu.memref_slice %arg6[%dma_start3A_293] : memref<4992xf32, #tpu.memory_space<vmem>> -> memref<128xf32, #tpu.memory_space<vmem>>
      %dma_start3A_295 = arith.constant 3584 : i32
      %dma_start3A_296 = tpu.memref_slice %arg5[%dma_start3A_292, %dma_start3A_295] : memref<2x4992xi32, #tpu.memory_space<vmem>> -> memref<1x128xi32, #tpu.memory_space<vmem>>
      %dma_start3A_297 = tpu.memref_squeeze %dma_start3A_296 : memref<1x128xi32, #tpu.memory_space<vmem>> -> memref<128xi32, #tpu.memory_space<vmem>>
      %dma_start3A_298 = arith.constant 0 : i32
      %dma_start3A_299 = tpu.memref_slice %arg12[%dma_start3A_298] : memref<50176xf32, #tpu.memory_space<vmem_shared>> -> memref<50176xf32, #tpu.memory_space<vmem_shared>>
      tpu.enqueue_indirect_dma source(%dma_start3A_294 : memref<128xf32, #tpu.memory_space<vmem>>) target(%dma_start3A_299 : memref<50176xf32, #tpu.memory_space<vmem_shared>>) offsets(%dma_start3A_297 : memref<128xi32, #tpu.memory_space<vmem>>) semaphore(%arg15 : memref<!tpu.dma_semaphore, #tpu.memory_space<semaphore_mem>>) {add = true}
      %dma_start3A_300 = arith.constant 1 : i32
      %dma_start3A_301 = arith.constant 3712 : i32
      %dma_start3A_302 = tpu.memref_slice %arg6[%dma_start3A_301] : memref<4992xf32, #tpu.memory_space<vmem>> -> memref<128xf32, #tpu.memory_space<vmem>>
      %dma_start3A_303 = arith.constant 3712 : i32
      %dma_start3A_304 = tpu.memref_slice %arg5[%dma_start3A_300, %dma_start3A_303] : memref<2x4992xi32, #tpu.memory_space<vmem>> -> memref<1x128xi32, #tpu.memory_space<vmem>>
      %dma_start3A_305 = tpu.memref_squeeze %dma_start3A_304 : memref<1x128xi32, #tpu.memory_space<vmem>> -> memref<128xi32, #tpu.memory_space<vmem>>
      %dma_start3A_306 = arith.constant 0 : i32
      %dma_start3A_307 = tpu.memref_slice %arg12[%dma_start3A_306] : memref<50176xf32, #tpu.memory_space<vmem_shared>> -> memref<50176xf32, #tpu.memory_space<vmem_shared>>
      tpu.enqueue_indirect_dma source(%dma_start3A_302 : memref<128xf32, #tpu.memory_space<vmem>>) target(%dma_start3A_307 : memref<50176xf32, #tpu.memory_space<vmem_shared>>) offsets(%dma_start3A_305 : memref<128xi32, #tpu.memory_space<vmem>>) semaphore(%arg15 : memref<!tpu.dma_semaphore, #tpu.memory_space<semaphore_mem>>) {add = true}
      %dma_start3A_308 = arith.constant 1 : i32
      %dma_start3A_309 = arith.constant 3840 : i32
      %dma_start3A_310 = tpu.memref_slice %arg6[%dma_start3A_309] : memref<4992xf32, #tpu.memory_space<vmem>> -> memref<128xf32, #tpu.memory_space<vmem>>
      %dma_start3A_311 = arith.constant 3840 : i32
      %dma_start3A_312 = tpu.memref_slice %arg5[%dma_start3A_308, %dma_start3A_311] : memref<2x4992xi32, #tpu.memory_space<vmem>> -> memref<1x128xi32, #tpu.memory_space<vmem>>
      %dma_start3A_313 = tpu.memref_squeeze %dma_start3A_312 : memref<1x128xi32, #tpu.memory_space<vmem>> -> memref<128xi32, #tpu.memory_space<vmem>>
      %dma_start3A_314 = arith.constant 0 : i32
      %dma_start3A_315 = tpu.memref_slice %arg12[%dma_start3A_314] : memref<50176xf32, #tpu.memory_space<vmem_shared>> -> memref<50176xf32, #tpu.memory_space<vmem_shared>>
      tpu.enqueue_indirect_dma source(%dma_start3A_310 : memref<128xf32, #tpu.memory_space<vmem>>) target(%dma_start3A_315 : memref<50176xf32, #tpu.memory_space<vmem_shared>>) offsets(%dma_start3A_313 : memref<128xi32, #tpu.memory_space<vmem>>) semaphore(%arg15 : memref<!tpu.dma_semaphore, #tpu.memory_space<semaphore_mem>>) {add = true}
      %dma_start3A_316 = arith.constant 1 : i32
      %dma_start3A_317 = arith.constant 3968 : i32
      %dma_start3A_318 = tpu.memref_slice %arg6[%dma_start3A_317] : memref<4992xf32, #tpu.memory_space<vmem>> -> memref<128xf32, #tpu.memory_space<vmem>>
      %dma_start3A_319 = arith.constant 3968 : i32
      %dma_start3A_320 = tpu.memref_slice %arg5[%dma_start3A_316, %dma_start3A_319] : memref<2x4992xi32, #tpu.memory_space<vmem>> -> memref<1x128xi32, #tpu.memory_space<vmem>>
      %dma_start3A_321 = tpu.memref_squeeze %dma_start3A_320 : memref<1x128xi32, #tpu.memory_space<vmem>> -> memref<128xi32, #tpu.memory_space<vmem>>
      %dma_start3A_322 = arith.constant 0 : i32
      %dma_start3A_323 = tpu.memref_slice %arg12[%dma_start3A_322] : memref<50176xf32, #tpu.memory_space<vmem_shared>> -> memref<50176xf32, #tpu.memory_space<vmem_shared>>
      tpu.enqueue_indirect_dma source(%dma_start3A_318 : memref<128xf32, #tpu.memory_space<vmem>>) target(%dma_start3A_323 : memref<50176xf32, #tpu.memory_space<vmem_shared>>) offsets(%dma_start3A_321 : memref<128xi32, #tpu.memory_space<vmem>>) semaphore(%arg15 : memref<!tpu.dma_semaphore, #tpu.memory_space<semaphore_mem>>) {add = true}
      %dma_start3A_324 = arith.constant 1 : i32
      %dma_start3A_325 = arith.constant 4096 : i32
      %dma_start3A_326 = tpu.memref_slice %arg6[%dma_start3A_325] : memref<4992xf32, #tpu.memory_space<vmem>> -> memref<128xf32, #tpu.memory_space<vmem>>
      %dma_start3A_327 = arith.constant 4096 : i32
      %dma_start3A_328 = tpu.memref_slice %arg5[%dma_start3A_324, %dma_start3A_327] : memref<2x4992xi32, #tpu.memory_space<vmem>> -> memref<1x128xi32, #tpu.memory_space<vmem>>
      %dma_start3A_329 = tpu.memref_squeeze %dma_start3A_328 : memref<1x128xi32, #tpu.memory_space<vmem>> -> memref<128xi32, #tpu.memory_space<vmem>>
      %dma_start3A_330 = arith.constant 0 : i32
      %dma_start3A_331 = tpu.memref_slice %arg12[%dma_start3A_330] : memref<50176xf32, #tpu.memory_space<vmem_shared>> -> memref<50176xf32, #tpu.memory_space<vmem_shared>>
      tpu.enqueue_indirect_dma source(%dma_start3A_326 : memref<128xf32, #tpu.memory_space<vmem>>) target(%dma_start3A_331 : memref<50176xf32, #tpu.memory_space<vmem_shared>>) offsets(%dma_start3A_329 : memref<128xi32, #tpu.memory_space<vmem>>) semaphore(%arg15 : memref<!tpu.dma_semaphore, #tpu.memory_space<semaphore_mem>>) {add = true}
      %dma_start3A_332 = arith.constant 1 : i32
      %dma_start3A_333 = arith.constant 4224 : i32
      %dma_start3A_334 = tpu.memref_slice %arg6[%dma_start3A_333] : memref<4992xf32, #tpu.memory_space<vmem>> -> memref<128xf32, #tpu.memory_space<vmem>>
      %dma_start3A_335 = arith.constant 4224 : i32
      %dma_start3A_336 = tpu.memref_slice %arg5[%dma_start3A_332, %dma_start3A_335] : memref<2x4992xi32, #tpu.memory_space<vmem>> -> memref<1x128xi32, #tpu.memory_space<vmem>>
      %dma_start3A_337 = tpu.memref_squeeze %dma_start3A_336 : memref<1x128xi32, #tpu.memory_space<vmem>> -> memref<128xi32, #tpu.memory_space<vmem>>
      %dma_start3A_338 = arith.constant 0 : i32
      %dma_start3A_339 = tpu.memref_slice %arg12[%dma_start3A_338] : memref<50176xf32, #tpu.memory_space<vmem_shared>> -> memref<50176xf32, #tpu.memory_space<vmem_shared>>
      tpu.enqueue_indirect_dma source(%dma_start3A_334 : memref<128xf32, #tpu.memory_space<vmem>>) target(%dma_start3A_339 : memref<50176xf32, #tpu.memory_space<vmem_shared>>) offsets(%dma_start3A_337 : memref<128xi32, #tpu.memory_space<vmem>>) semaphore(%arg15 : memref<!tpu.dma_semaphore, #tpu.memory_space<semaphore_mem>>) {add = true}
      %dma_start3A_340 = arith.constant 1 : i32
      %dma_start3A_341 = arith.constant 4352 : i32
      %dma_start3A_342 = tpu.memref_slice %arg6[%dma_start3A_341] : memref<4992xf32, #tpu.memory_space<vmem>> -> memref<128xf32, #tpu.memory_space<vmem>>
      %dma_start3A_343 = arith.constant 4352 : i32
      %dma_start3A_344 = tpu.memref_slice %arg5[%dma_start3A_340, %dma_start3A_343] : memref<2x4992xi32, #tpu.memory_space<vmem>> -> memref<1x128xi32, #tpu.memory_space<vmem>>
      %dma_start3A_345 = tpu.memref_squeeze %dma_start3A_344 : memref<1x128xi32, #tpu.memory_space<vmem>> -> memref<128xi32, #tpu.memory_space<vmem>>
      %dma_start3A_346 = arith.constant 0 : i32
      %dma_start3A_347 = tpu.memref_slice %arg12[%dma_start3A_346] : memref<50176xf32, #tpu.memory_space<vmem_shared>> -> memref<50176xf32, #tpu.memory_space<vmem_shared>>
      tpu.enqueue_indirect_dma source(%dma_start3A_342 : memref<128xf32, #tpu.memory_space<vmem>>) target(%dma_start3A_347 : memref<50176xf32, #tpu.memory_space<vmem_shared>>) offsets(%dma_start3A_345 : memref<128xi32, #tpu.memory_space<vmem>>) semaphore(%arg15 : memref<!tpu.dma_semaphore, #tpu.memory_space<semaphore_mem>>) {add = true}
      %dma_start3A_348 = arith.constant 1 : i32
      %dma_start3A_349 = arith.constant 4480 : i32
      %dma_start3A_350 = tpu.memref_slice %arg6[%dma_start3A_349] : memref<4992xf32, #tpu.memory_space<vmem>> -> memref<128xf32, #tpu.memory_space<vmem>>
      %dma_start3A_351 = arith.constant 4480 : i32
      %dma_start3A_352 = tpu.memref_slice %arg5[%dma_start3A_348, %dma_start3A_351] : memref<2x4992xi32, #tpu.memory_space<vmem>> -> memref<1x128xi32, #tpu.memory_space<vmem>>
      %dma_start3A_353 = tpu.memref_squeeze %dma_start3A_352 : memref<1x128xi32, #tpu.memory_space<vmem>> -> memref<128xi32, #tpu.memory_space<vmem>>
      %dma_start3A_354 = arith.constant 0 : i32
      %dma_start3A_355 = tpu.memref_slice %arg12[%dma_start3A_354] : memref<50176xf32, #tpu.memory_space<vmem_shared>> -> memref<50176xf32, #tpu.memory_space<vmem_shared>>
      tpu.enqueue_indirect_dma source(%dma_start3A_350 : memref<128xf32, #tpu.memory_space<vmem>>) target(%dma_start3A_355 : memref<50176xf32, #tpu.memory_space<vmem_shared>>) offsets(%dma_start3A_353 : memref<128xi32, #tpu.memory_space<vmem>>) semaphore(%arg15 : memref<!tpu.dma_semaphore, #tpu.memory_space<semaphore_mem>>) {add = true}
      %dma_start3A_356 = arith.constant 1 : i32
      %dma_start3A_357 = arith.constant 4608 : i32
      %dma_start3A_358 = tpu.memref_slice %arg6[%dma_start3A_357] : memref<4992xf32, #tpu.memory_space<vmem>> -> memref<128xf32, #tpu.memory_space<vmem>>
      %dma_start3A_359 = arith.constant 4608 : i32
      %dma_start3A_360 = tpu.memref_slice %arg5[%dma_start3A_356, %dma_start3A_359] : memref<2x4992xi32, #tpu.memory_space<vmem>> -> memref<1x128xi32, #tpu.memory_space<vmem>>
      %dma_start3A_361 = tpu.memref_squeeze %dma_start3A_360 : memref<1x128xi32, #tpu.memory_space<vmem>> -> memref<128xi32, #tpu.memory_space<vmem>>
      %dma_start3A_362 = arith.constant 0 : i32
      %dma_start3A_363 = tpu.memref_slice %arg12[%dma_start3A_362] : memref<50176xf32, #tpu.memory_space<vmem_shared>> -> memref<50176xf32, #tpu.memory_space<vmem_shared>>
      tpu.enqueue_indirect_dma source(%dma_start3A_358 : memref<128xf32, #tpu.memory_space<vmem>>) target(%dma_start3A_363 : memref<50176xf32, #tpu.memory_space<vmem_shared>>) offsets(%dma_start3A_361 : memref<128xi32, #tpu.memory_space<vmem>>) semaphore(%arg15 : memref<!tpu.dma_semaphore, #tpu.memory_space<semaphore_mem>>) {add = true}
      %dma_start3A_364 = arith.constant 1 : i32
      %dma_start3A_365 = arith.constant 4736 : i32
      %dma_start3A_366 = tpu.memref_slice %arg6[%dma_start3A_365] : memref<4992xf32, #tpu.memory_space<vmem>> -> memref<128xf32, #tpu.memory_space<vmem>>
      %dma_start3A_367 = arith.constant 4736 : i32
      %dma_start3A_368 = tpu.memref_slice %arg5[%dma_start3A_364, %dma_start3A_367] : memref<2x4992xi32, #tpu.memory_space<vmem>> -> memref<1x128xi32, #tpu.memory_space<vmem>>
      %dma_start3A_369 = tpu.memref_squeeze %dma_start3A_368 : memref<1x128xi32, #tpu.memory_space<vmem>> -> memref<128xi32, #tpu.memory_space<vmem>>
      %dma_start3A_370 = arith.constant 0 : i32
      %dma_start3A_371 = tpu.memref_slice %arg12[%dma_start3A_370] : memref<50176xf32, #tpu.memory_space<vmem_shared>> -> memref<50176xf32, #tpu.memory_space<vmem_shared>>
      tpu.enqueue_indirect_dma source(%dma_start3A_366 : memref<128xf32, #tpu.memory_space<vmem>>) target(%dma_start3A_371 : memref<50176xf32, #tpu.memory_space<vmem_shared>>) offsets(%dma_start3A_369 : memref<128xi32, #tpu.memory_space<vmem>>) semaphore(%arg15 : memref<!tpu.dma_semaphore, #tpu.memory_space<semaphore_mem>>) {add = true}
      %dma_start3A_372 = arith.constant 1 : i32
      %dma_start3A_373 = arith.constant 4864 : i32
      %dma_start3A_374 = tpu.memref_slice %arg6[%dma_start3A_373] : memref<4992xf32, #tpu.memory_space<vmem>> -> memref<128xf32, #tpu.memory_space<vmem>>
      %dma_start3A_375 = arith.constant 4864 : i32
      %dma_start3A_376 = tpu.memref_slice %arg5[%dma_start3A_372, %dma_start3A_375] : memref<2x4992xi32, #tpu.memory_space<vmem>> -> memref<1x128xi32, #tpu.memory_space<vmem>>
      %dma_start3A_377 = tpu.memref_squeeze %dma_start3A_376 : memref<1x128xi32, #tpu.memory_space<vmem>> -> memref<128xi32, #tpu.memory_space<vmem>>
      %dma_start3A_378 = arith.constant 0 : i32
      %dma_start3A_379 = tpu.memref_slice %arg12[%dma_start3A_378] : memref<50176xf32, #tpu.memory_space<vmem_shared>> -> memref<50176xf32, #tpu.memory_space<vmem_shared>>
      tpu.enqueue_indirect_dma source(%dma_start3A_374 : memref<128xf32, #tpu.memory_space<vmem>>) target(%dma_start3A_379 : memref<50176xf32, #tpu.memory_space<vmem_shared>>) offsets(%dma_start3A_377 : memref<128xi32, #tpu.memory_space<vmem>>) semaphore(%arg15 : memref<!tpu.dma_semaphore, #tpu.memory_space<semaphore_mem>>) {add = true}
      %dma_wait3A_380 = arith.constant 1 : i32
      %dma_wait3A_381 = arith.constant 0 : i32
      %dma_wait3A_382 = tpu.memref_slice %arg6[%dma_wait3A_381] : memref<4992xf32, #tpu.memory_space<vmem>> -> memref<128xf32, #tpu.memory_space<vmem>>
      %dma_wait3A_383 = arith.constant 0 : i32
      %dma_wait3A_384 = tpu.memref_slice %arg5[%dma_wait3A_380, %dma_wait3A_383] : memref<2x4992xi32, #tpu.memory_space<vmem>> -> memref<1x128xi32, #tpu.memory_space<vmem>>
      %dma_wait3A_385 = tpu.memref_squeeze %dma_wait3A_384 : memref<1x128xi32, #tpu.memory_space<vmem>> -> memref<128xi32, #tpu.memory_space<vmem>>
      %dma_wait3A_386 = arith.constant 0 : i32
      %dma_wait3A_387 = tpu.memref_slice %arg12[%dma_wait3A_386] : memref<50176xf32, #tpu.memory_space<vmem_shared>> -> memref<50176xf32, #tpu.memory_space<vmem_shared>>
      tpu.wait_indirect_dma semaphore(%arg15 : memref<!tpu.dma_semaphore, #tpu.memory_space<semaphore_mem>>) src(%dma_wait3A_382 : memref<128xf32, #tpu.memory_space<vmem>>) dst(%dma_wait3A_387 : memref<50176xf32, #tpu.memory_space<vmem_shared>>)
      %dma_wait3A_388 = arith.constant 1 : i32
      %dma_wait3A_389 = arith.constant 128 : i32
      %dma_wait3A_390 = tpu.memref_slice %arg6[%dma_wait3A_389] : memref<4992xf32, #tpu.memory_space<vmem>> -> memref<128xf32, #tpu.memory_space<vmem>>
      %dma_wait3A_391 = arith.constant 128 : i32
      %dma_wait3A_392 = tpu.memref_slice %arg5[%dma_wait3A_388, %dma_wait3A_391] : memref<2x4992xi32, #tpu.memory_space<vmem>> -> memref<1x128xi32, #tpu.memory_space<vmem>>
      %dma_wait3A_393 = tpu.memref_squeeze %dma_wait3A_392 : memref<1x128xi32, #tpu.memory_space<vmem>> -> memref<128xi32, #tpu.memory_space<vmem>>
      %dma_wait3A_394 = arith.constant 0 : i32
      %dma_wait3A_395 = tpu.memref_slice %arg12[%dma_wait3A_394] : memref<50176xf32, #tpu.memory_space<vmem_shared>> -> memref<50176xf32, #tpu.memory_space<vmem_shared>>
      tpu.wait_indirect_dma semaphore(%arg15 : memref<!tpu.dma_semaphore, #tpu.memory_space<semaphore_mem>>) src(%dma_wait3A_390 : memref<128xf32, #tpu.memory_space<vmem>>) dst(%dma_wait3A_395 : memref<50176xf32, #tpu.memory_space<vmem_shared>>)
      %dma_wait3A_396 = arith.constant 1 : i32
      %dma_wait3A_397 = arith.constant 256 : i32
      %dma_wait3A_398 = tpu.memref_slice %arg6[%dma_wait3A_397] : memref<4992xf32, #tpu.memory_space<vmem>> -> memref<128xf32, #tpu.memory_space<vmem>>
      %dma_wait3A_399 = arith.constant 256 : i32
      %dma_wait3A_400 = tpu.memref_slice %arg5[%dma_wait3A_396, %dma_wait3A_399] : memref<2x4992xi32, #tpu.memory_space<vmem>> -> memref<1x128xi32, #tpu.memory_space<vmem>>
      %dma_wait3A_401 = tpu.memref_squeeze %dma_wait3A_400 : memref<1x128xi32, #tpu.memory_space<vmem>> -> memref<128xi32, #tpu.memory_space<vmem>>
      %dma_wait3A_402 = arith.constant 0 : i32
      %dma_wait3A_403 = tpu.memref_slice %arg12[%dma_wait3A_402] : memref<50176xf32, #tpu.memory_space<vmem_shared>> -> memref<50176xf32, #tpu.memory_space<vmem_shared>>
      tpu.wait_indirect_dma semaphore(%arg15 : memref<!tpu.dma_semaphore, #tpu.memory_space<semaphore_mem>>) src(%dma_wait3A_398 : memref<128xf32, #tpu.memory_space<vmem>>) dst(%dma_wait3A_403 : memref<50176xf32, #tpu.memory_space<vmem_shared>>)
      %dma_wait3A_404 = arith.constant 1 : i32
      %dma_wait3A_405 = arith.constant 384 : i32
      %dma_wait3A_406 = tpu.memref_slice %arg6[%dma_wait3A_405] : memref<4992xf32, #tpu.memory_space<vmem>> -> memref<128xf32, #tpu.memory_space<vmem>>
      %dma_wait3A_407 = arith.constant 384 : i32
      %dma_wait3A_408 = tpu.memref_slice %arg5[%dma_wait3A_404, %dma_wait3A_407] : memref<2x4992xi32, #tpu.memory_space<vmem>> -> memref<1x128xi32, #tpu.memory_space<vmem>>
      %dma_wait3A_409 = tpu.memref_squeeze %dma_wait3A_408 : memref<1x128xi32, #tpu.memory_space<vmem>> -> memref<128xi32, #tpu.memory_space<vmem>>
      %dma_wait3A_410 = arith.constant 0 : i32
      %dma_wait3A_411 = tpu.memref_slice %arg12[%dma_wait3A_410] : memref<50176xf32, #tpu.memory_space<vmem_shared>> -> memref<50176xf32, #tpu.memory_space<vmem_shared>>
      tpu.wait_indirect_dma semaphore(%arg15 : memref<!tpu.dma_semaphore, #tpu.memory_space<semaphore_mem>>) src(%dma_wait3A_406 : memref<128xf32, #tpu.memory_space<vmem>>) dst(%dma_wait3A_411 : memref<50176xf32, #tpu.memory_space<vmem_shared>>)
      %dma_wait3A_412 = arith.constant 1 : i32
      %dma_wait3A_413 = arith.constant 512 : i32
      %dma_wait3A_414 = tpu.memref_slice %arg6[%dma_wait3A_413] : memref<4992xf32, #tpu.memory_space<vmem>> -> memref<128xf32, #tpu.memory_space<vmem>>
      %dma_wait3A_415 = arith.constant 512 : i32
      %dma_wait3A_416 = tpu.memref_slice %arg5[%dma_wait3A_412, %dma_wait3A_415] : memref<2x4992xi32, #tpu.memory_space<vmem>> -> memref<1x128xi32, #tpu.memory_space<vmem>>
      %dma_wait3A_417 = tpu.memref_squeeze %dma_wait3A_416 : memref<1x128xi32, #tpu.memory_space<vmem>> -> memref<128xi32, #tpu.memory_space<vmem>>
      %dma_wait3A_418 = arith.constant 0 : i32
      %dma_wait3A_419 = tpu.memref_slice %arg12[%dma_wait3A_418] : memref<50176xf32, #tpu.memory_space<vmem_shared>> -> memref<50176xf32, #tpu.memory_space<vmem_shared>>
      tpu.wait_indirect_dma semaphore(%arg15 : memref<!tpu.dma_semaphore, #tpu.memory_space<semaphore_mem>>) src(%dma_wait3A_414 : memref<128xf32, #tpu.memory_space<vmem>>) dst(%dma_wait3A_419 : memref<50176xf32, #tpu.memory_space<vmem_shared>>)
      %dma_wait3A_420 = arith.constant 1 : i32
      %dma_wait3A_421 = arith.constant 640 : i32
      %dma_wait3A_422 = tpu.memref_slice %arg6[%dma_wait3A_421] : memref<4992xf32, #tpu.memory_space<vmem>> -> memref<128xf32, #tpu.memory_space<vmem>>
      %dma_wait3A_423 = arith.constant 640 : i32
      %dma_wait3A_424 = tpu.memref_slice %arg5[%dma_wait3A_420, %dma_wait3A_423] : memref<2x4992xi32, #tpu.memory_space<vmem>> -> memref<1x128xi32, #tpu.memory_space<vmem>>
      %dma_wait3A_425 = tpu.memref_squeeze %dma_wait3A_424 : memref<1x128xi32, #tpu.memory_space<vmem>> -> memref<128xi32, #tpu.memory_space<vmem>>
      %dma_wait3A_426 = arith.constant 0 : i32
      %dma_wait3A_427 = tpu.memref_slice %arg12[%dma_wait3A_426] : memref<50176xf32, #tpu.memory_space<vmem_shared>> -> memref<50176xf32, #tpu.memory_space<vmem_shared>>
      tpu.wait_indirect_dma semaphore(%arg15 : memref<!tpu.dma_semaphore, #tpu.memory_space<semaphore_mem>>) src(%dma_wait3A_422 : memref<128xf32, #tpu.memory_space<vmem>>) dst(%dma_wait3A_427 : memref<50176xf32, #tpu.memory_space<vmem_shared>>)
      %dma_wait3A_428 = arith.constant 1 : i32
      %dma_wait3A_429 = arith.constant 768 : i32
      %dma_wait3A_430 = tpu.memref_slice %arg6[%dma_wait3A_429] : memref<4992xf32, #tpu.memory_space<vmem>> -> memref<128xf32, #tpu.memory_space<vmem>>
      %dma_wait3A_431 = arith.constant 768 : i32
      %dma_wait3A_432 = tpu.memref_slice %arg5[%dma_wait3A_428, %dma_wait3A_431] : memref<2x4992xi32, #tpu.memory_space<vmem>> -> memref<1x128xi32, #tpu.memory_space<vmem>>
      %dma_wait3A_433 = tpu.memref_squeeze %dma_wait3A_432 : memref<1x128xi32, #tpu.memory_space<vmem>> -> memref<128xi32, #tpu.memory_space<vmem>>
      %dma_wait3A_434 = arith.constant 0 : i32
      %dma_wait3A_435 = tpu.memref_slice %arg12[%dma_wait3A_434] : memref<50176xf32, #tpu.memory_space<vmem_shared>> -> memref<50176xf32, #tpu.memory_space<vmem_shared>>
      tpu.wait_indirect_dma semaphore(%arg15 : memref<!tpu.dma_semaphore, #tpu.memory_space<semaphore_mem>>) src(%dma_wait3A_430 : memref<128xf32, #tpu.memory_space<vmem>>) dst(%dma_wait3A_435 : memref<50176xf32, #tpu.memory_space<vmem_shared>>)
      %dma_wait3A_436 = arith.constant 1 : i32
      %dma_wait3A_437 = arith.constant 896 : i32
      %dma_wait3A_438 = tpu.memref_slice %arg6[%dma_wait3A_437] : memref<4992xf32, #tpu.memory_space<vmem>> -> memref<128xf32, #tpu.memory_space<vmem>>
      %dma_wait3A_439 = arith.constant 896 : i32
      %dma_wait3A_440 = tpu.memref_slice %arg5[%dma_wait3A_436, %dma_wait3A_439] : memref<2x4992xi32, #tpu.memory_space<vmem>> -> memref<1x128xi32, #tpu.memory_space<vmem>>
      %dma_wait3A_441 = tpu.memref_squeeze %dma_wait3A_440 : memref<1x128xi32, #tpu.memory_space<vmem>> -> memref<128xi32, #tpu.memory_space<vmem>>
      %dma_wait3A_442 = arith.constant 0 : i32
      %dma_wait3A_443 = tpu.memref_slice %arg12[%dma_wait3A_442] : memref<50176xf32, #tpu.memory_space<vmem_shared>> -> memref<50176xf32, #tpu.memory_space<vmem_shared>>
      tpu.wait_indirect_dma semaphore(%arg15 : memref<!tpu.dma_semaphore, #tpu.memory_space<semaphore_mem>>) src(%dma_wait3A_438 : memref<128xf32, #tpu.memory_space<vmem>>) dst(%dma_wait3A_443 : memref<50176xf32, #tpu.memory_space<vmem_shared>>)
      %dma_wait3A_444 = arith.constant 1 : i32
      %dma_wait3A_445 = arith.constant 1024 : i32
      %dma_wait3A_446 = tpu.memref_slice %arg6[%dma_wait3A_445] : memref<4992xf32, #tpu.memory_space<vmem>> -> memref<128xf32, #tpu.memory_space<vmem>>
      %dma_wait3A_447 = arith.constant 1024 : i32
      %dma_wait3A_448 = tpu.memref_slice %arg5[%dma_wait3A_444, %dma_wait3A_447] : memref<2x4992xi32, #tpu.memory_space<vmem>> -> memref<1x128xi32, #tpu.memory_space<vmem>>
      %dma_wait3A_449 = tpu.memref_squeeze %dma_wait3A_448 : memref<1x128xi32, #tpu.memory_space<vmem>> -> memref<128xi32, #tpu.memory_space<vmem>>
      %dma_wait3A_450 = arith.constant 0 : i32
      %dma_wait3A_451 = tpu.memref_slice %arg12[%dma_wait3A_450] : memref<50176xf32, #tpu.memory_space<vmem_shared>> -> memref<50176xf32, #tpu.memory_space<vmem_shared>>
      tpu.wait_indirect_dma semaphore(%arg15 : memref<!tpu.dma_semaphore, #tpu.memory_space<semaphore_mem>>) src(%dma_wait3A_446 : memref<128xf32, #tpu.memory_space<vmem>>) dst(%dma_wait3A_451 : memref<50176xf32, #tpu.memory_space<vmem_shared>>)
      %dma_wait3A_452 = arith.constant 1 : i32
      %dma_wait3A_453 = arith.constant 1152 : i32
      %dma_wait3A_454 = tpu.memref_slice %arg6[%dma_wait3A_453] : memref<4992xf32, #tpu.memory_space<vmem>> -> memref<128xf32, #tpu.memory_space<vmem>>
      %dma_wait3A_455 = arith.constant 1152 : i32
      %dma_wait3A_456 = tpu.memref_slice %arg5[%dma_wait3A_452, %dma_wait3A_455] : memref<2x4992xi32, #tpu.memory_space<vmem>> -> memref<1x128xi32, #tpu.memory_space<vmem>>
      %dma_wait3A_457 = tpu.memref_squeeze %dma_wait3A_456 : memref<1x128xi32, #tpu.memory_space<vmem>> -> memref<128xi32, #tpu.memory_space<vmem>>
      %dma_wait3A_458 = arith.constant 0 : i32
      %dma_wait3A_459 = tpu.memref_slice %arg12[%dma_wait3A_458] : memref<50176xf32, #tpu.memory_space<vmem_shared>> -> memref<50176xf32, #tpu.memory_space<vmem_shared>>
      tpu.wait_indirect_dma semaphore(%arg15 : memref<!tpu.dma_semaphore, #tpu.memory_space<semaphore_mem>>) src(%dma_wait3A_454 : memref<128xf32, #tpu.memory_space<vmem>>) dst(%dma_wait3A_459 : memref<50176xf32, #tpu.memory_space<vmem_shared>>)
      %dma_wait3A_460 = arith.constant 1 : i32
      %dma_wait3A_461 = arith.constant 1280 : i32
      %dma_wait3A_462 = tpu.memref_slice %arg6[%dma_wait3A_461] : memref<4992xf32, #tpu.memory_space<vmem>> -> memref<128xf32, #tpu.memory_space<vmem>>
      %dma_wait3A_463 = arith.constant 1280 : i32
      %dma_wait3A_464 = tpu.memref_slice %arg5[%dma_wait3A_460, %dma_wait3A_463] : memref<2x4992xi32, #tpu.memory_space<vmem>> -> memref<1x128xi32, #tpu.memory_space<vmem>>
      %dma_wait3A_465 = tpu.memref_squeeze %dma_wait3A_464 : memref<1x128xi32, #tpu.memory_space<vmem>> -> memref<128xi32, #tpu.memory_space<vmem>>
      %dma_wait3A_466 = arith.constant 0 : i32
      %dma_wait3A_467 = tpu.memref_slice %arg12[%dma_wait3A_466] : memref<50176xf32, #tpu.memory_space<vmem_shared>> -> memref<50176xf32, #tpu.memory_space<vmem_shared>>
      tpu.wait_indirect_dma semaphore(%arg15 : memref<!tpu.dma_semaphore, #tpu.memory_space<semaphore_mem>>) src(%dma_wait3A_462 : memref<128xf32, #tpu.memory_space<vmem>>) dst(%dma_wait3A_467 : memref<50176xf32, #tpu.memory_space<vmem_shared>>)
      %dma_wait3A_468 = arith.constant 1 : i32
      %dma_wait3A_469 = arith.constant 1408 : i32
      %dma_wait3A_470 = tpu.memref_slice %arg6[%dma_wait3A_469] : memref<4992xf32, #tpu.memory_space<vmem>> -> memref<128xf32, #tpu.memory_space<vmem>>
      %dma_wait3A_471 = arith.constant 1408 : i32
      %dma_wait3A_472 = tpu.memref_slice %arg5[%dma_wait3A_468, %dma_wait3A_471] : memref<2x4992xi32, #tpu.memory_space<vmem>> -> memref<1x128xi32, #tpu.memory_space<vmem>>
      %dma_wait3A_473 = tpu.memref_squeeze %dma_wait3A_472 : memref<1x128xi32, #tpu.memory_space<vmem>> -> memref<128xi32, #tpu.memory_space<vmem>>
      %dma_wait3A_474 = arith.constant 0 : i32
      %dma_wait3A_475 = tpu.memref_slice %arg12[%dma_wait3A_474] : memref<50176xf32, #tpu.memory_space<vmem_shared>> -> memref<50176xf32, #tpu.memory_space<vmem_shared>>
      tpu.wait_indirect_dma semaphore(%arg15 : memref<!tpu.dma_semaphore, #tpu.memory_space<semaphore_mem>>) src(%dma_wait3A_470 : memref<128xf32, #tpu.memory_space<vmem>>) dst(%dma_wait3A_475 : memref<50176xf32, #tpu.memory_space<vmem_shared>>)
      %dma_wait3A_476 = arith.constant 1 : i32
      %dma_wait3A_477 = arith.constant 1536 : i32
      %dma_wait3A_478 = tpu.memref_slice %arg6[%dma_wait3A_477] : memref<4992xf32, #tpu.memory_space<vmem>> -> memref<128xf32, #tpu.memory_space<vmem>>
      %dma_wait3A_479 = arith.constant 1536 : i32
      %dma_wait3A_480 = tpu.memref_slice %arg5[%dma_wait3A_476, %dma_wait3A_479] : memref<2x4992xi32, #tpu.memory_space<vmem>> -> memref<1x128xi32, #tpu.memory_space<vmem>>
      %dma_wait3A_481 = tpu.memref_squeeze %dma_wait3A_480 : memref<1x128xi32, #tpu.memory_space<vmem>> -> memref<128xi32, #tpu.memory_space<vmem>>
      %dma_wait3A_482 = arith.constant 0 : i32
      %dma_wait3A_483 = tpu.memref_slice %arg12[%dma_wait3A_482] : memref<50176xf32, #tpu.memory_space<vmem_shared>> -> memref<50176xf32, #tpu.memory_space<vmem_shared>>
      tpu.wait_indirect_dma semaphore(%arg15 : memref<!tpu.dma_semaphore, #tpu.memory_space<semaphore_mem>>) src(%dma_wait3A_478 : memref<128xf32, #tpu.memory_space<vmem>>) dst(%dma_wait3A_483 : memref<50176xf32, #tpu.memory_space<vmem_shared>>)
      %dma_wait3A_484 = arith.constant 1 : i32
      %dma_wait3A_485 = arith.constant 1664 : i32
      %dma_wait3A_486 = tpu.memref_slice %arg6[%dma_wait3A_485] : memref<4992xf32, #tpu.memory_space<vmem>> -> memref<128xf32, #tpu.memory_space<vmem>>
      %dma_wait3A_487 = arith.constant 1664 : i32
      %dma_wait3A_488 = tpu.memref_slice %arg5[%dma_wait3A_484, %dma_wait3A_487] : memref<2x4992xi32, #tpu.memory_space<vmem>> -> memref<1x128xi32, #tpu.memory_space<vmem>>
      %dma_wait3A_489 = tpu.memref_squeeze %dma_wait3A_488 : memref<1x128xi32, #tpu.memory_space<vmem>> -> memref<128xi32, #tpu.memory_space<vmem>>
      %dma_wait3A_490 = arith.constant 0 : i32
      %dma_wait3A_491 = tpu.memref_slice %arg12[%dma_wait3A_490] : memref<50176xf32, #tpu.memory_space<vmem_shared>> -> memref<50176xf32, #tpu.memory_space<vmem_shared>>
      tpu.wait_indirect_dma semaphore(%arg15 : memref<!tpu.dma_semaphore, #tpu.memory_space<semaphore_mem>>) src(%dma_wait3A_486 : memref<128xf32, #tpu.memory_space<vmem>>) dst(%dma_wait3A_491 : memref<50176xf32, #tpu.memory_space<vmem_shared>>)
      %dma_wait3A_492 = arith.constant 1 : i32
      %dma_wait3A_493 = arith.constant 1792 : i32
      %dma_wait3A_494 = tpu.memref_slice %arg6[%dma_wait3A_493] : memref<4992xf32, #tpu.memory_space<vmem>> -> memref<128xf32, #tpu.memory_space<vmem>>
      %dma_wait3A_495 = arith.constant 1792 : i32
      %dma_wait3A_496 = tpu.memref_slice %arg5[%dma_wait3A_492, %dma_wait3A_495] : memref<2x4992xi32, #tpu.memory_space<vmem>> -> memref<1x128xi32, #tpu.memory_space<vmem>>
      %dma_wait3A_497 = tpu.memref_squeeze %dma_wait3A_496 : memref<1x128xi32, #tpu.memory_space<vmem>> -> memref<128xi32, #tpu.memory_space<vmem>>
      %dma_wait3A_498 = arith.constant 0 : i32
      %dma_wait3A_499 = tpu.memref_slice %arg12[%dma_wait3A_498] : memref<50176xf32, #tpu.memory_space<vmem_shared>> -> memref<50176xf32, #tpu.memory_space<vmem_shared>>
      tpu.wait_indirect_dma semaphore(%arg15 : memref<!tpu.dma_semaphore, #tpu.memory_space<semaphore_mem>>) src(%dma_wait3A_494 : memref<128xf32, #tpu.memory_space<vmem>>) dst(%dma_wait3A_499 : memref<50176xf32, #tpu.memory_space<vmem_shared>>)
      %dma_wait3A_500 = arith.constant 1 : i32
      %dma_wait3A_501 = arith.constant 1920 : i32
      %dma_wait3A_502 = tpu.memref_slice %arg6[%dma_wait3A_501] : memref<4992xf32, #tpu.memory_space<vmem>> -> memref<128xf32, #tpu.memory_space<vmem>>
      %dma_wait3A_503 = arith.constant 1920 : i32
      %dma_wait3A_504 = tpu.memref_slice %arg5[%dma_wait3A_500, %dma_wait3A_503] : memref<2x4992xi32, #tpu.memory_space<vmem>> -> memref<1x128xi32, #tpu.memory_space<vmem>>
      %dma_wait3A_505 = tpu.memref_squeeze %dma_wait3A_504 : memref<1x128xi32, #tpu.memory_space<vmem>> -> memref<128xi32, #tpu.memory_space<vmem>>
      %dma_wait3A_506 = arith.constant 0 : i32
      %dma_wait3A_507 = tpu.memref_slice %arg12[%dma_wait3A_506] : memref<50176xf32, #tpu.memory_space<vmem_shared>> -> memref<50176xf32, #tpu.memory_space<vmem_shared>>
      tpu.wait_indirect_dma semaphore(%arg15 : memref<!tpu.dma_semaphore, #tpu.memory_space<semaphore_mem>>) src(%dma_wait3A_502 : memref<128xf32, #tpu.memory_space<vmem>>) dst(%dma_wait3A_507 : memref<50176xf32, #tpu.memory_space<vmem_shared>>)
      %dma_wait3A_508 = arith.constant 1 : i32
      %dma_wait3A_509 = arith.constant 2048 : i32
      %dma_wait3A_510 = tpu.memref_slice %arg6[%dma_wait3A_509] : memref<4992xf32, #tpu.memory_space<vmem>> -> memref<128xf32, #tpu.memory_space<vmem>>
      %dma_wait3A_511 = arith.constant 2048 : i32
      %dma_wait3A_512 = tpu.memref_slice %arg5[%dma_wait3A_508, %dma_wait3A_511] : memref<2x4992xi32, #tpu.memory_space<vmem>> -> memref<1x128xi32, #tpu.memory_space<vmem>>
      %dma_wait3A_513 = tpu.memref_squeeze %dma_wait3A_512 : memref<1x128xi32, #tpu.memory_space<vmem>> -> memref<128xi32, #tpu.memory_space<vmem>>
      %dma_wait3A_514 = arith.constant 0 : i32
      %dma_wait3A_515 = tpu.memref_slice %arg12[%dma_wait3A_514] : memref<50176xf32, #tpu.memory_space<vmem_shared>> -> memref<50176xf32, #tpu.memory_space<vmem_shared>>
      tpu.wait_indirect_dma semaphore(%arg15 : memref<!tpu.dma_semaphore, #tpu.memory_space<semaphore_mem>>) src(%dma_wait3A_510 : memref<128xf32, #tpu.memory_space<vmem>>) dst(%dma_wait3A_515 : memref<50176xf32, #tpu.memory_space<vmem_shared>>)
      %dma_wait3A_516 = arith.constant 1 : i32
      %dma_wait3A_517 = arith.constant 2176 : i32
      %dma_wait3A_518 = tpu.memref_slice %arg6[%dma_wait3A_517] : memref<4992xf32, #tpu.memory_space<vmem>> -> memref<128xf32, #tpu.memory_space<vmem>>
      %dma_wait3A_519 = arith.constant 2176 : i32
      %dma_wait3A_520 = tpu.memref_slice %arg5[%dma_wait3A_516, %dma_wait3A_519] : memref<2x4992xi32, #tpu.memory_space<vmem>> -> memref<1x128xi32, #tpu.memory_space<vmem>>
      %dma_wait3A_521 = tpu.memref_squeeze %dma_wait3A_520 : memref<1x128xi32, #tpu.memory_space<vmem>> -> memref<128xi32, #tpu.memory_space<vmem>>
      %dma_wait3A_522 = arith.constant 0 : i32
      %dma_wait3A_523 = tpu.memref_slice %arg12[%dma_wait3A_522] : memref<50176xf32, #tpu.memory_space<vmem_shared>> -> memref<50176xf32, #tpu.memory_space<vmem_shared>>
      tpu.wait_indirect_dma semaphore(%arg15 : memref<!tpu.dma_semaphore, #tpu.memory_space<semaphore_mem>>) src(%dma_wait3A_518 : memref<128xf32, #tpu.memory_space<vmem>>) dst(%dma_wait3A_523 : memref<50176xf32, #tpu.memory_space<vmem_shared>>)
      %dma_wait3A_524 = arith.constant 1 : i32
      %dma_wait3A_525 = arith.constant 2304 : i32
      %dma_wait3A_526 = tpu.memref_slice %arg6[%dma_wait3A_525] : memref<4992xf32, #tpu.memory_space<vmem>> -> memref<128xf32, #tpu.memory_space<vmem>>
      %dma_wait3A_527 = arith.constant 2304 : i32
      %dma_wait3A_528 = tpu.memref_slice %arg5[%dma_wait3A_524, %dma_wait3A_527] : memref<2x4992xi32, #tpu.memory_space<vmem>> -> memref<1x128xi32, #tpu.memory_space<vmem>>
      %dma_wait3A_529 = tpu.memref_squeeze %dma_wait3A_528 : memref<1x128xi32, #tpu.memory_space<vmem>> -> memref<128xi32, #tpu.memory_space<vmem>>
      %dma_wait3A_530 = arith.constant 0 : i32
      %dma_wait3A_531 = tpu.memref_slice %arg12[%dma_wait3A_530] : memref<50176xf32, #tpu.memory_space<vmem_shared>> -> memref<50176xf32, #tpu.memory_space<vmem_shared>>
      tpu.wait_indirect_dma semaphore(%arg15 : memref<!tpu.dma_semaphore, #tpu.memory_space<semaphore_mem>>) src(%dma_wait3A_526 : memref<128xf32, #tpu.memory_space<vmem>>) dst(%dma_wait3A_531 : memref<50176xf32, #tpu.memory_space<vmem_shared>>)
      %dma_wait3A_532 = arith.constant 1 : i32
      %dma_wait3A_533 = arith.constant 2432 : i32
      %dma_wait3A_534 = tpu.memref_slice %arg6[%dma_wait3A_533] : memref<4992xf32, #tpu.memory_space<vmem>> -> memref<128xf32, #tpu.memory_space<vmem>>
      %dma_wait3A_535 = arith.constant 2432 : i32
      %dma_wait3A_536 = tpu.memref_slice %arg5[%dma_wait3A_532, %dma_wait3A_535] : memref<2x4992xi32, #tpu.memory_space<vmem>> -> memref<1x128xi32, #tpu.memory_space<vmem>>
      %dma_wait3A_537 = tpu.memref_squeeze %dma_wait3A_536 : memref<1x128xi32, #tpu.memory_space<vmem>> -> memref<128xi32, #tpu.memory_space<vmem>>
      %dma_wait3A_538 = arith.constant 0 : i32
      %dma_wait3A_539 = tpu.memref_slice %arg12[%dma_wait3A_538] : memref<50176xf32, #tpu.memory_space<vmem_shared>> -> memref<50176xf32, #tpu.memory_space<vmem_shared>>
      tpu.wait_indirect_dma semaphore(%arg15 : memref<!tpu.dma_semaphore, #tpu.memory_space<semaphore_mem>>) src(%dma_wait3A_534 : memref<128xf32, #tpu.memory_space<vmem>>) dst(%dma_wait3A_539 : memref<50176xf32, #tpu.memory_space<vmem_shared>>)
      %dma_wait3A_540 = arith.constant 1 : i32
      %dma_wait3A_541 = arith.constant 2560 : i32
      %dma_wait3A_542 = tpu.memref_slice %arg6[%dma_wait3A_541] : memref<4992xf32, #tpu.memory_space<vmem>> -> memref<128xf32, #tpu.memory_space<vmem>>
      %dma_wait3A_543 = arith.constant 2560 : i32
      %dma_wait3A_544 = tpu.memref_slice %arg5[%dma_wait3A_540, %dma_wait3A_543] : memref<2x4992xi32, #tpu.memory_space<vmem>> -> memref<1x128xi32, #tpu.memory_space<vmem>>
      %dma_wait3A_545 = tpu.memref_squeeze %dma_wait3A_544 : memref<1x128xi32, #tpu.memory_space<vmem>> -> memref<128xi32, #tpu.memory_space<vmem>>
      %dma_wait3A_546 = arith.constant 0 : i32
      %dma_wait3A_547 = tpu.memref_slice %arg12[%dma_wait3A_546] : memref<50176xf32, #tpu.memory_space<vmem_shared>> -> memref<50176xf32, #tpu.memory_space<vmem_shared>>
      tpu.wait_indirect_dma semaphore(%arg15 : memref<!tpu.dma_semaphore, #tpu.memory_space<semaphore_mem>>) src(%dma_wait3A_542 : memref<128xf32, #tpu.memory_space<vmem>>) dst(%dma_wait3A_547 : memref<50176xf32, #tpu.memory_space<vmem_shared>>)
      %dma_wait3A_548 = arith.constant 1 : i32
      %dma_wait3A_549 = arith.constant 2688 : i32
      %dma_wait3A_550 = tpu.memref_slice %arg6[%dma_wait3A_549] : memref<4992xf32, #tpu.memory_space<vmem>> -> memref<128xf32, #tpu.memory_space<vmem>>
      %dma_wait3A_551 = arith.constant 2688 : i32
      %dma_wait3A_552 = tpu.memref_slice %arg5[%dma_wait3A_548, %dma_wait3A_551] : memref<2x4992xi32, #tpu.memory_space<vmem>> -> memref<1x128xi32, #tpu.memory_space<vmem>>
      %dma_wait3A_553 = tpu.memref_squeeze %dma_wait3A_552 : memref<1x128xi32, #tpu.memory_space<vmem>> -> memref<128xi32, #tpu.memory_space<vmem>>
      %dma_wait3A_554 = arith.constant 0 : i32
      %dma_wait3A_555 = tpu.memref_slice %arg12[%dma_wait3A_554] : memref<50176xf32, #tpu.memory_space<vmem_shared>> -> memref<50176xf32, #tpu.memory_space<vmem_shared>>
      tpu.wait_indirect_dma semaphore(%arg15 : memref<!tpu.dma_semaphore, #tpu.memory_space<semaphore_mem>>) src(%dma_wait3A_550 : memref<128xf32, #tpu.memory_space<vmem>>) dst(%dma_wait3A_555 : memref<50176xf32, #tpu.memory_space<vmem_shared>>)
      %dma_wait3A_556 = arith.constant 1 : i32
      %dma_wait3A_557 = arith.constant 2816 : i32
      %dma_wait3A_558 = tpu.memref_slice %arg6[%dma_wait3A_557] : memref<4992xf32, #tpu.memory_space<vmem>> -> memref<128xf32, #tpu.memory_space<vmem>>
      %dma_wait3A_559 = arith.constant 2816 : i32
      %dma_wait3A_560 = tpu.memref_slice %arg5[%dma_wait3A_556, %dma_wait3A_559] : memref<2x4992xi32, #tpu.memory_space<vmem>> -> memref<1x128xi32, #tpu.memory_space<vmem>>
      %dma_wait3A_561 = tpu.memref_squeeze %dma_wait3A_560 : memref<1x128xi32, #tpu.memory_space<vmem>> -> memref<128xi32, #tpu.memory_space<vmem>>
      %dma_wait3A_562 = arith.constant 0 : i32
      %dma_wait3A_563 = tpu.memref_slice %arg12[%dma_wait3A_562] : memref<50176xf32, #tpu.memory_space<vmem_shared>> -> memref<50176xf32, #tpu.memory_space<vmem_shared>>
      tpu.wait_indirect_dma semaphore(%arg15 : memref<!tpu.dma_semaphore, #tpu.memory_space<semaphore_mem>>) src(%dma_wait3A_558 : memref<128xf32, #tpu.memory_space<vmem>>) dst(%dma_wait3A_563 : memref<50176xf32, #tpu.memory_space<vmem_shared>>)
      %dma_wait3A_564 = arith.constant 1 : i32
      %dma_wait3A_565 = arith.constant 2944 : i32
      %dma_wait3A_566 = tpu.memref_slice %arg6[%dma_wait3A_565] : memref<4992xf32, #tpu.memory_space<vmem>> -> memref<128xf32, #tpu.memory_space<vmem>>
      %dma_wait3A_567 = arith.constant 2944 : i32
      %dma_wait3A_568 = tpu.memref_slice %arg5[%dma_wait3A_564, %dma_wait3A_567] : memref<2x4992xi32, #tpu.memory_space<vmem>> -> memref<1x128xi32, #tpu.memory_space<vmem>>
      %dma_wait3A_569 = tpu.memref_squeeze %dma_wait3A_568 : memref<1x128xi32, #tpu.memory_space<vmem>> -> memref<128xi32, #tpu.memory_space<vmem>>
      %dma_wait3A_570 = arith.constant 0 : i32
      %dma_wait3A_571 = tpu.memref_slice %arg12[%dma_wait3A_570] : memref<50176xf32, #tpu.memory_space<vmem_shared>> -> memref<50176xf32, #tpu.memory_space<vmem_shared>>
      tpu.wait_indirect_dma semaphore(%arg15 : memref<!tpu.dma_semaphore, #tpu.memory_space<semaphore_mem>>) src(%dma_wait3A_566 : memref<128xf32, #tpu.memory_space<vmem>>) dst(%dma_wait3A_571 : memref<50176xf32, #tpu.memory_space<vmem_shared>>)
      %dma_wait3A_572 = arith.constant 1 : i32
      %dma_wait3A_573 = arith.constant 3072 : i32
      %dma_wait3A_574 = tpu.memref_slice %arg6[%dma_wait3A_573] : memref<4992xf32, #tpu.memory_space<vmem>> -> memref<128xf32, #tpu.memory_space<vmem>>
      %dma_wait3A_575 = arith.constant 3072 : i32
      %dma_wait3A_576 = tpu.memref_slice %arg5[%dma_wait3A_572, %dma_wait3A_575] : memref<2x4992xi32, #tpu.memory_space<vmem>> -> memref<1x128xi32, #tpu.memory_space<vmem>>
      %dma_wait3A_577 = tpu.memref_squeeze %dma_wait3A_576 : memref<1x128xi32, #tpu.memory_space<vmem>> -> memref<128xi32, #tpu.memory_space<vmem>>
      %dma_wait3A_578 = arith.constant 0 : i32
      %dma_wait3A_579 = tpu.memref_slice %arg12[%dma_wait3A_578] : memref<50176xf32, #tpu.memory_space<vmem_shared>> -> memref<50176xf32, #tpu.memory_space<vmem_shared>>
      tpu.wait_indirect_dma semaphore(%arg15 : memref<!tpu.dma_semaphore, #tpu.memory_space<semaphore_mem>>) src(%dma_wait3A_574 : memref<128xf32, #tpu.memory_space<vmem>>) dst(%dma_wait3A_579 : memref<50176xf32, #tpu.memory_space<vmem_shared>>)
      %dma_wait3A_580 = arith.constant 1 : i32
      %dma_wait3A_581 = arith.constant 3200 : i32
      %dma_wait3A_582 = tpu.memref_slice %arg6[%dma_wait3A_581] : memref<4992xf32, #tpu.memory_space<vmem>> -> memref<128xf32, #tpu.memory_space<vmem>>
      %dma_wait3A_583 = arith.constant 3200 : i32
      %dma_wait3A_584 = tpu.memref_slice %arg5[%dma_wait3A_580, %dma_wait3A_583] : memref<2x4992xi32, #tpu.memory_space<vmem>> -> memref<1x128xi32, #tpu.memory_space<vmem>>
      %dma_wait3A_585 = tpu.memref_squeeze %dma_wait3A_584 : memref<1x128xi32, #tpu.memory_space<vmem>> -> memref<128xi32, #tpu.memory_space<vmem>>
      %dma_wait3A_586 = arith.constant 0 : i32
      %dma_wait3A_587 = tpu.memref_slice %arg12[%dma_wait3A_586] : memref<50176xf32, #tpu.memory_space<vmem_shared>> -> memref<50176xf32, #tpu.memory_space<vmem_shared>>
      tpu.wait_indirect_dma semaphore(%arg15 : memref<!tpu.dma_semaphore, #tpu.memory_space<semaphore_mem>>) src(%dma_wait3A_582 : memref<128xf32, #tpu.memory_space<vmem>>) dst(%dma_wait3A_587 : memref<50176xf32, #tpu.memory_space<vmem_shared>>)
      %dma_wait3A_588 = arith.constant 1 : i32
      %dma_wait3A_589 = arith.constant 3328 : i32
      %dma_wait3A_590 = tpu.memref_slice %arg6[%dma_wait3A_589] : memref<4992xf32, #tpu.memory_space<vmem>> -> memref<128xf32, #tpu.memory_space<vmem>>
      %dma_wait3A_591 = arith.constant 3328 : i32
      %dma_wait3A_592 = tpu.memref_slice %arg5[%dma_wait3A_588, %dma_wait3A_591] : memref<2x4992xi32, #tpu.memory_space<vmem>> -> memref<1x128xi32, #tpu.memory_space<vmem>>
      %dma_wait3A_593 = tpu.memref_squeeze %dma_wait3A_592 : memref<1x128xi32, #tpu.memory_space<vmem>> -> memref<128xi32, #tpu.memory_space<vmem>>
      %dma_wait3A_594 = arith.constant 0 : i32
      %dma_wait3A_595 = tpu.memref_slice %arg12[%dma_wait3A_594] : memref<50176xf32, #tpu.memory_space<vmem_shared>> -> memref<50176xf32, #tpu.memory_space<vmem_shared>>
      tpu.wait_indirect_dma semaphore(%arg15 : memref<!tpu.dma_semaphore, #tpu.memory_space<semaphore_mem>>) src(%dma_wait3A_590 : memref<128xf32, #tpu.memory_space<vmem>>) dst(%dma_wait3A_595 : memref<50176xf32, #tpu.memory_space<vmem_shared>>)
      %dma_wait3A_596 = arith.constant 1 : i32
      %dma_wait3A_597 = arith.constant 3456 : i32
      %dma_wait3A_598 = tpu.memref_slice %arg6[%dma_wait3A_597] : memref<4992xf32, #tpu.memory_space<vmem>> -> memref<128xf32, #tpu.memory_space<vmem>>
      %dma_wait3A_599 = arith.constant 3456 : i32
      %dma_wait3A_600 = tpu.memref_slice %arg5[%dma_wait3A_596, %dma_wait3A_599] : memref<2x4992xi32, #tpu.memory_space<vmem>> -> memref<1x128xi32, #tpu.memory_space<vmem>>
      %dma_wait3A_601 = tpu.memref_squeeze %dma_wait3A_600 : memref<1x128xi32, #tpu.memory_space<vmem>> -> memref<128xi32, #tpu.memory_space<vmem>>
      %dma_wait3A_602 = arith.constant 0 : i32
      %dma_wait3A_603 = tpu.memref_slice %arg12[%dma_wait3A_602] : memref<50176xf32, #tpu.memory_space<vmem_shared>> -> memref<50176xf32, #tpu.memory_space<vmem_shared>>
      tpu.wait_indirect_dma semaphore(%arg15 : memref<!tpu.dma_semaphore, #tpu.memory_space<semaphore_mem>>) src(%dma_wait3A_598 : memref<128xf32, #tpu.memory_space<vmem>>) dst(%dma_wait3A_603 : memref<50176xf32, #tpu.memory_space<vmem_shared>>)
      %dma_wait3A_604 = arith.constant 1 : i32
      %dma_wait3A_605 = arith.constant 3584 : i32
      %dma_wait3A_606 = tpu.memref_slice %arg6[%dma_wait3A_605] : memref<4992xf32, #tpu.memory_space<vmem>> -> memref<128xf32, #tpu.memory_space<vmem>>
      %dma_wait3A_607 = arith.constant 3584 : i32
      %dma_wait3A_608 = tpu.memref_slice %arg5[%dma_wait3A_604, %dma_wait3A_607] : memref<2x4992xi32, #tpu.memory_space<vmem>> -> memref<1x128xi32, #tpu.memory_space<vmem>>
      %dma_wait3A_609 = tpu.memref_squeeze %dma_wait3A_608 : memref<1x128xi32, #tpu.memory_space<vmem>> -> memref<128xi32, #tpu.memory_space<vmem>>
      %dma_wait3A_610 = arith.constant 0 : i32
      %dma_wait3A_611 = tpu.memref_slice %arg12[%dma_wait3A_610] : memref<50176xf32, #tpu.memory_space<vmem_shared>> -> memref<50176xf32, #tpu.memory_space<vmem_shared>>
      tpu.wait_indirect_dma semaphore(%arg15 : memref<!tpu.dma_semaphore, #tpu.memory_space<semaphore_mem>>) src(%dma_wait3A_606 : memref<128xf32, #tpu.memory_space<vmem>>) dst(%dma_wait3A_611 : memref<50176xf32, #tpu.memory_space<vmem_shared>>)
      %dma_wait3A_612 = arith.constant 1 : i32
      %dma_wait3A_613 = arith.constant 3712 : i32
      %dma_wait3A_614 = tpu.memref_slice %arg6[%dma_wait3A_613] : memref<4992xf32, #tpu.memory_space<vmem>> -> memref<128xf32, #tpu.memory_space<vmem>>
      %dma_wait3A_615 = arith.constant 3712 : i32
      %dma_wait3A_616 = tpu.memref_slice %arg5[%dma_wait3A_612, %dma_wait3A_615] : memref<2x4992xi32, #tpu.memory_space<vmem>> -> memref<1x128xi32, #tpu.memory_space<vmem>>
      %dma_wait3A_617 = tpu.memref_squeeze %dma_wait3A_616 : memref<1x128xi32, #tpu.memory_space<vmem>> -> memref<128xi32, #tpu.memory_space<vmem>>
      %dma_wait3A_618 = arith.constant 0 : i32
      %dma_wait3A_619 = tpu.memref_slice %arg12[%dma_wait3A_618] : memref<50176xf32, #tpu.memory_space<vmem_shared>> -> memref<50176xf32, #tpu.memory_space<vmem_shared>>
      tpu.wait_indirect_dma semaphore(%arg15 : memref<!tpu.dma_semaphore, #tpu.memory_space<semaphore_mem>>) src(%dma_wait3A_614 : memref<128xf32, #tpu.memory_space<vmem>>) dst(%dma_wait3A_619 : memref<50176xf32, #tpu.memory_space<vmem_shared>>)
      %dma_wait3A_620 = arith.constant 1 : i32
      %dma_wait3A_621 = arith.constant 3840 : i32
      %dma_wait3A_622 = tpu.memref_slice %arg6[%dma_wait3A_621] : memref<4992xf32, #tpu.memory_space<vmem>> -> memref<128xf32, #tpu.memory_space<vmem>>
      %dma_wait3A_623 = arith.constant 3840 : i32
      %dma_wait3A_624 = tpu.memref_slice %arg5[%dma_wait3A_620, %dma_wait3A_623] : memref<2x4992xi32, #tpu.memory_space<vmem>> -> memref<1x128xi32, #tpu.memory_space<vmem>>
      %dma_wait3A_625 = tpu.memref_squeeze %dma_wait3A_624 : memref<1x128xi32, #tpu.memory_space<vmem>> -> memref<128xi32, #tpu.memory_space<vmem>>
      %dma_wait3A_626 = arith.constant 0 : i32
      %dma_wait3A_627 = tpu.memref_slice %arg12[%dma_wait3A_626] : memref<50176xf32, #tpu.memory_space<vmem_shared>> -> memref<50176xf32, #tpu.memory_space<vmem_shared>>
      tpu.wait_indirect_dma semaphore(%arg15 : memref<!tpu.dma_semaphore, #tpu.memory_space<semaphore_mem>>) src(%dma_wait3A_622 : memref<128xf32, #tpu.memory_space<vmem>>) dst(%dma_wait3A_627 : memref<50176xf32, #tpu.memory_space<vmem_shared>>)
      %dma_wait3A_628 = arith.constant 1 : i32
      %dma_wait3A_629 = arith.constant 3968 : i32
      %dma_wait3A_630 = tpu.memref_slice %arg6[%dma_wait3A_629] : memref<4992xf32, #tpu.memory_space<vmem>> -> memref<128xf32, #tpu.memory_space<vmem>>
      %dma_wait3A_631 = arith.constant 3968 : i32
      %dma_wait3A_632 = tpu.memref_slice %arg5[%dma_wait3A_628, %dma_wait3A_631] : memref<2x4992xi32, #tpu.memory_space<vmem>> -> memref<1x128xi32, #tpu.memory_space<vmem>>
      %dma_wait3A_633 = tpu.memref_squeeze %dma_wait3A_632 : memref<1x128xi32, #tpu.memory_space<vmem>> -> memref<128xi32, #tpu.memory_space<vmem>>
      %dma_wait3A_634 = arith.constant 0 : i32
      %dma_wait3A_635 = tpu.memref_slice %arg12[%dma_wait3A_634] : memref<50176xf32, #tpu.memory_space<vmem_shared>> -> memref<50176xf32, #tpu.memory_space<vmem_shared>>
      tpu.wait_indirect_dma semaphore(%arg15 : memref<!tpu.dma_semaphore, #tpu.memory_space<semaphore_mem>>) src(%dma_wait3A_630 : memref<128xf32, #tpu.memory_space<vmem>>) dst(%dma_wait3A_635 : memref<50176xf32, #tpu.memory_space<vmem_shared>>)
      %dma_wait3A_636 = arith.constant 1 : i32
      %dma_wait3A_637 = arith.constant 4096 : i32
      %dma_wait3A_638 = tpu.memref_slice %arg6[%dma_wait3A_637] : memref<4992xf32, #tpu.memory_space<vmem>> -> memref<128xf32, #tpu.memory_space<vmem>>
      %dma_wait3A_639 = arith.constant 4096 : i32
      %dma_wait3A_640 = tpu.memref_slice %arg5[%dma_wait3A_636, %dma_wait3A_639] : memref<2x4992xi32, #tpu.memory_space<vmem>> -> memref<1x128xi32, #tpu.memory_space<vmem>>
      %dma_wait3A_641 = tpu.memref_squeeze %dma_wait3A_640 : memref<1x128xi32, #tpu.memory_space<vmem>> -> memref<128xi32, #tpu.memory_space<vmem>>
      %dma_wait3A_642 = arith.constant 0 : i32
      %dma_wait3A_643 = tpu.memref_slice %arg12[%dma_wait3A_642] : memref<50176xf32, #tpu.memory_space<vmem_shared>> -> memref<50176xf32, #tpu.memory_space<vmem_shared>>
      tpu.wait_indirect_dma semaphore(%arg15 : memref<!tpu.dma_semaphore, #tpu.memory_space<semaphore_mem>>) src(%dma_wait3A_638 : memref<128xf32, #tpu.memory_space<vmem>>) dst(%dma_wait3A_643 : memref<50176xf32, #tpu.memory_space<vmem_shared>>)
      %dma_wait3A_644 = arith.constant 1 : i32
      %dma_wait3A_645 = arith.constant 4224 : i32
      %dma_wait3A_646 = tpu.memref_slice %arg6[%dma_wait3A_645] : memref<4992xf32, #tpu.memory_space<vmem>> -> memref<128xf32, #tpu.memory_space<vmem>>
      %dma_wait3A_647 = arith.constant 4224 : i32
      %dma_wait3A_648 = tpu.memref_slice %arg5[%dma_wait3A_644, %dma_wait3A_647] : memref<2x4992xi32, #tpu.memory_space<vmem>> -> memref<1x128xi32, #tpu.memory_space<vmem>>
      %dma_wait3A_649 = tpu.memref_squeeze %dma_wait3A_648 : memref<1x128xi32, #tpu.memory_space<vmem>> -> memref<128xi32, #tpu.memory_space<vmem>>
      %dma_wait3A_650 = arith.constant 0 : i32
      %dma_wait3A_651 = tpu.memref_slice %arg12[%dma_wait3A_650] : memref<50176xf32, #tpu.memory_space<vmem_shared>> -> memref<50176xf32, #tpu.memory_space<vmem_shared>>
      tpu.wait_indirect_dma semaphore(%arg15 : memref<!tpu.dma_semaphore, #tpu.memory_space<semaphore_mem>>) src(%dma_wait3A_646 : memref<128xf32, #tpu.memory_space<vmem>>) dst(%dma_wait3A_651 : memref<50176xf32, #tpu.memory_space<vmem_shared>>)
      %dma_wait3A_652 = arith.constant 1 : i32
      %dma_wait3A_653 = arith.constant 4352 : i32
      %dma_wait3A_654 = tpu.memref_slice %arg6[%dma_wait3A_653] : memref<4992xf32, #tpu.memory_space<vmem>> -> memref<128xf32, #tpu.memory_space<vmem>>
      %dma_wait3A_655 = arith.constant 4352 : i32
      %dma_wait3A_656 = tpu.memref_slice %arg5[%dma_wait3A_652, %dma_wait3A_655] : memref<2x4992xi32, #tpu.memory_space<vmem>> -> memref<1x128xi32, #tpu.memory_space<vmem>>
      %dma_wait3A_657 = tpu.memref_squeeze %dma_wait3A_656 : memref<1x128xi32, #tpu.memory_space<vmem>> -> memref<128xi32, #tpu.memory_space<vmem>>
      %dma_wait3A_658 = arith.constant 0 : i32
      %dma_wait3A_659 = tpu.memref_slice %arg12[%dma_wait3A_658] : memref<50176xf32, #tpu.memory_space<vmem_shared>> -> memref<50176xf32, #tpu.memory_space<vmem_shared>>
      tpu.wait_indirect_dma semaphore(%arg15 : memref<!tpu.dma_semaphore, #tpu.memory_space<semaphore_mem>>) src(%dma_wait3A_654 : memref<128xf32, #tpu.memory_space<vmem>>) dst(%dma_wait3A_659 : memref<50176xf32, #tpu.memory_space<vmem_shared>>)
      %dma_wait3A_660 = arith.constant 1 : i32
      %dma_wait3A_661 = arith.constant 4480 : i32
      %dma_wait3A_662 = tpu.memref_slice %arg6[%dma_wait3A_661] : memref<4992xf32, #tpu.memory_space<vmem>> -> memref<128xf32, #tpu.memory_space<vmem>>
      %dma_wait3A_663 = arith.constant 4480 : i32
      %dma_wait3A_664 = tpu.memref_slice %arg5[%dma_wait3A_660, %dma_wait3A_663] : memref<2x4992xi32, #tpu.memory_space<vmem>> -> memref<1x128xi32, #tpu.memory_space<vmem>>
      %dma_wait3A_665 = tpu.memref_squeeze %dma_wait3A_664 : memref<1x128xi32, #tpu.memory_space<vmem>> -> memref<128xi32, #tpu.memory_space<vmem>>
      %dma_wait3A_666 = arith.constant 0 : i32
      %dma_wait3A_667 = tpu.memref_slice %arg12[%dma_wait3A_666] : memref<50176xf32, #tpu.memory_space<vmem_shared>> -> memref<50176xf32, #tpu.memory_space<vmem_shared>>
      tpu.wait_indirect_dma semaphore(%arg15 : memref<!tpu.dma_semaphore, #tpu.memory_space<semaphore_mem>>) src(%dma_wait3A_662 : memref<128xf32, #tpu.memory_space<vmem>>) dst(%dma_wait3A_667 : memref<50176xf32, #tpu.memory_space<vmem_shared>>)
      %dma_wait3A_668 = arith.constant 1 : i32
      %dma_wait3A_669 = arith.constant 4608 : i32
      %dma_wait3A_670 = tpu.memref_slice %arg6[%dma_wait3A_669] : memref<4992xf32, #tpu.memory_space<vmem>> -> memref<128xf32, #tpu.memory_space<vmem>>
      %dma_wait3A_671 = arith.constant 4608 : i32
      %dma_wait3A_672 = tpu.memref_slice %arg5[%dma_wait3A_668, %dma_wait3A_671] : memref<2x4992xi32, #tpu.memory_space<vmem>> -> memref<1x128xi32, #tpu.memory_space<vmem>>
      %dma_wait3A_673 = tpu.memref_squeeze %dma_wait3A_672 : memref<1x128xi32, #tpu.memory_space<vmem>> -> memref<128xi32, #tpu.memory_space<vmem>>
      %dma_wait3A_674 = arith.constant 0 : i32
      %dma_wait3A_675 = tpu.memref_slice %arg12[%dma_wait3A_674] : memref<50176xf32, #tpu.memory_space<vmem_shared>> -> memref<50176xf32, #tpu.memory_space<vmem_shared>>
      tpu.wait_indirect_dma semaphore(%arg15 : memref<!tpu.dma_semaphore, #tpu.memory_space<semaphore_mem>>) src(%dma_wait3A_670 : memref<128xf32, #tpu.memory_space<vmem>>) dst(%dma_wait3A_675 : memref<50176xf32, #tpu.memory_space<vmem_shared>>)
      %dma_wait3A_676 = arith.constant 1 : i32
      %dma_wait3A_677 = arith.constant 4736 : i32
      %dma_wait3A_678 = tpu.memref_slice %arg6[%dma_wait3A_677] : memref<4992xf32, #tpu.memory_space<vmem>> -> memref<128xf32, #tpu.memory_space<vmem>>
      %dma_wait3A_679 = arith.constant 4736 : i32
      %dma_wait3A_680 = tpu.memref_slice %arg5[%dma_wait3A_676, %dma_wait3A_679] : memref<2x4992xi32, #tpu.memory_space<vmem>> -> memref<1x128xi32, #tpu.memory_space<vmem>>
      %dma_wait3A_681 = tpu.memref_squeeze %dma_wait3A_680 : memref<1x128xi32, #tpu.memory_space<vmem>> -> memref<128xi32, #tpu.memory_space<vmem>>
      %dma_wait3A_682 = arith.constant 0 : i32
      %dma_wait3A_683 = tpu.memref_slice %arg12[%dma_wait3A_682] : memref<50176xf32, #tpu.memory_space<vmem_shared>> -> memref<50176xf32, #tpu.memory_space<vmem_shared>>
      tpu.wait_indirect_dma semaphore(%arg15 : memref<!tpu.dma_semaphore, #tpu.memory_space<semaphore_mem>>) src(%dma_wait3A_678 : memref<128xf32, #tpu.memory_space<vmem>>) dst(%dma_wait3A_683 : memref<50176xf32, #tpu.memory_space<vmem_shared>>)
      %dma_wait3A_684 = arith.constant 1 : i32
      %dma_wait3A_685 = arith.constant 4864 : i32
      %dma_wait3A_686 = tpu.memref_slice %arg6[%dma_wait3A_685] : memref<4992xf32, #tpu.memory_space<vmem>> -> memref<128xf32, #tpu.memory_space<vmem>>
      %dma_wait3A_687 = arith.constant 4864 : i32
      %dma_wait3A_688 = tpu.memref_slice %arg5[%dma_wait3A_684, %dma_wait3A_687] : memref<2x4992xi32, #tpu.memory_space<vmem>> -> memref<1x128xi32, #tpu.memory_space<vmem>>
      %dma_wait3A_689 = tpu.memref_squeeze %dma_wait3A_688 : memref<1x128xi32, #tpu.memory_space<vmem>> -> memref<128xi32, #tpu.memory_space<vmem>>
      %dma_wait3A_690 = arith.constant 0 : i32
      %dma_wait3A_691 = tpu.memref_slice %arg12[%dma_wait3A_690] : memref<50176xf32, #tpu.memory_space<vmem_shared>> -> memref<50176xf32, #tpu.memory_space<vmem_shared>>
      tpu.wait_indirect_dma semaphore(%arg15 : memref<!tpu.dma_semaphore, #tpu.memory_space<semaphore_mem>>) src(%dma_wait3A_686 : memref<128xf32, #tpu.memory_space<vmem>>) dst(%dma_wait3A_691 : memref<50176xf32, #tpu.memory_space<vmem_shared>>)
      %add3A_692 = arith.constant 2 : i32
      %add3A_693 = arith.addi %add3A_59, %add3A_692 : i32
      %lt3A_694 = arith.constant 10 : i32
      %lt3A_695 = arith.cmpi slt, %add3A_693, %lt3A_694 : i32
      %convert_element_type3A_696 = arith.extui %lt3A_695 : i1 to i32
      %cond3A_697 = arith.constant 0 : i32
      %cond3A_698 = arith.cmpi ne, %convert_element_type3A_696, %cond3A_697 : i32
      scf.if %cond3A_698 {
        %add3A_1343 = arith.constant 2 : i32
        %add3A_1344 = arith.addi %add3A_59, %add3A_1343 : i32
        %mul3A_1345 = arith.constant 4992 : i32
        %mul3A_1346 = arith.muli %add3A_1344, %mul3A_1345 : i32
        %add3A_1347 = arith.addi %mul3A_6, %mul3A_1346 : i32
        %dma_start3A_1348 = arith.constant 0 : i32
        %dma_start3A_1349 = tpu.memref_slice %arg2[%dma_start3A_1348, %add3A_1347] : memref<2x1600000xi32, #tpu.memory_space<hbm>> -> memref<2x4992xi32, #tpu.memory_space<hbm>>
        %dma_start3A_1350 = arith.constant 0 : i32
        %dma_start3A_1351 = tpu.memref_slice %arg2[%dma_start3A_1350, %add3A_1347] : memref<2x1600000xi32, #tpu.memory_space<hbm>> -> memref<2x4992xi32, #tpu.memory_space<hbm>>
        tpu.enqueue_dma source(%dma_start3A_1351 : memref<2x4992xi32, #tpu.memory_space<hbm>>) target(%arg5 : memref<2x4992xi32, #tpu.memory_space<vmem>>) target_semaphore(%arg13 : memref<!tpu.dma_semaphore, #tpu.memory_space<semaphore_mem>>)
        %dma_start3A_1352 = tpu.memref_slice %arg3[%add3A_1347] : memref<1600000xf32, #tpu.memory_space<hbm>> -> memref<4992xf32, #tpu.memory_space<hbm>>
        %dma_start3A_1353 = tpu.memref_slice %arg3[%add3A_1347] : memref<1600000xf32, #tpu.memory_space<hbm>> -> memref<4992xf32, #tpu.memory_space<hbm>>
        tpu.enqueue_dma source(%dma_start3A_1353 : memref<4992xf32, #tpu.memory_space<hbm>>) target(%arg6 : memref<4992xf32, #tpu.memory_space<vmem>>) target_semaphore(%arg13 : memref<!tpu.dma_semaphore, #tpu.memory_space<semaphore_mem>>)
      } else {
      }
      %mul3A_699 = arith.constant 2 : i32
      %mul3A_700 = arith.muli %mul3A_699, %scan3A_55 : i32
      %add3A_701 = arith.constant 1 : i32
      %add3A_702 = arith.addi %mul3A_700, %add3A_701 : i32
      %mul3A_703 = arith.constant 4992 : i32
      %mul3A_704 = arith.muli %add3A_702, %mul3A_703 : i32
      %add3A_705 = arith.addi %mul3A_6, %mul3A_704 : i32
      %dma_wait3A_706 = arith.constant 0 : i32
      %dma_wait3A_707 = tpu.memref_slice %arg2[%dma_wait3A_706, %add3A_705] : memref<2x1600000xi32, #tpu.memory_space<hbm>> -> memref<2x4992xi32, #tpu.memory_space<hbm>>
      %dma_wait3A_708 = arith.constant 0 : i32
      %dma_wait3A_709 = tpu.memref_slice %arg2[%dma_wait3A_708, %add3A_705] : memref<2x1600000xi32, #tpu.memory_space<hbm>> -> memref<2x4992xi32, #tpu.memory_space<hbm>>
      tpu.wait_dma2 semaphore(%arg14 : memref<!tpu.dma_semaphore, #tpu.memory_space<semaphore_mem>>) src(%dma_wait3A_709 : memref<2x4992xi32, #tpu.memory_space<hbm>>) dst(%arg7 : memref<2x4992xi32, #tpu.memory_space<vmem>>)
      %dma_wait3A_710 = tpu.memref_slice %arg3[%add3A_705] : memref<1600000xf32, #tpu.memory_space<hbm>> -> memref<4992xf32, #tpu.memory_space<hbm>>
      %dma_wait3A_711 = tpu.memref_slice %arg3[%add3A_705] : memref<1600000xf32, #tpu.memory_space<hbm>> -> memref<4992xf32, #tpu.memory_space<hbm>>
      tpu.wait_dma2 semaphore(%arg14 : memref<!tpu.dma_semaphore, #tpu.memory_space<semaphore_mem>>) src(%dma_wait3A_711 : memref<4992xf32, #tpu.memory_space<hbm>>) dst(%arg8 : memref<4992xf32, #tpu.memory_space<vmem>>)
      %dma_start3A_712 = arith.constant 1 : i32
      %dma_start3A_713 = arith.constant 0 : i32
      %dma_start3A_714 = tpu.memref_slice %arg8[%dma_start3A_713] : memref<4992xf32, #tpu.memory_space<vmem>> -> memref<128xf32, #tpu.memory_space<vmem>>
      %dma_start3A_715 = arith.constant 0 : i32
      %dma_start3A_716 = tpu.memref_slice %arg7[%dma_start3A_712, %dma_start3A_715] : memref<2x4992xi32, #tpu.memory_space<vmem>> -> memref<1x128xi32, #tpu.memory_space<vmem>>
      %dma_start3A_717 = tpu.memref_squeeze %dma_start3A_716 : memref<1x128xi32, #tpu.memory_space<vmem>> -> memref<128xi32, #tpu.memory_space<vmem>>
      %dma_start3A_718 = arith.constant 0 : i32
      %dma_start3A_719 = tpu.memref_slice %arg12[%dma_start3A_718] : memref<50176xf32, #tpu.memory_space<vmem_shared>> -> memref<50176xf32, #tpu.memory_space<vmem_shared>>
      tpu.enqueue_indirect_dma source(%dma_start3A_714 : memref<128xf32, #tpu.memory_space<vmem>>) target(%dma_start3A_719 : memref<50176xf32, #tpu.memory_space<vmem_shared>>) offsets(%dma_start3A_717 : memref<128xi32, #tpu.memory_space<vmem>>) semaphore(%arg15 : memref<!tpu.dma_semaphore, #tpu.memory_space<semaphore_mem>>) {add = true}
      %dma_start3A_720 = arith.constant 1 : i32
      %dma_start3A_721 = arith.constant 128 : i32
      %dma_start3A_722 = tpu.memref_slice %arg8[%dma_start3A_721] : memref<4992xf32, #tpu.memory_space<vmem>> -> memref<128xf32, #tpu.memory_space<vmem>>
      %dma_start3A_723 = arith.constant 128 : i32
      %dma_start3A_724 = tpu.memref_slice %arg7[%dma_start3A_720, %dma_start3A_723] : memref<2x4992xi32, #tpu.memory_space<vmem>> -> memref<1x128xi32, #tpu.memory_space<vmem>>
      %dma_start3A_725 = tpu.memref_squeeze %dma_start3A_724 : memref<1x128xi32, #tpu.memory_space<vmem>> -> memref<128xi32, #tpu.memory_space<vmem>>
      %dma_start3A_726 = arith.constant 0 : i32
      %dma_start3A_727 = tpu.memref_slice %arg12[%dma_start3A_726] : memref<50176xf32, #tpu.memory_space<vmem_shared>> -> memref<50176xf32, #tpu.memory_space<vmem_shared>>
      tpu.enqueue_indirect_dma source(%dma_start3A_722 : memref<128xf32, #tpu.memory_space<vmem>>) target(%dma_start3A_727 : memref<50176xf32, #tpu.memory_space<vmem_shared>>) offsets(%dma_start3A_725 : memref<128xi32, #tpu.memory_space<vmem>>) semaphore(%arg15 : memref<!tpu.dma_semaphore, #tpu.memory_space<semaphore_mem>>) {add = true}
      %dma_start3A_728 = arith.constant 1 : i32
      %dma_start3A_729 = arith.constant 256 : i32
      %dma_start3A_730 = tpu.memref_slice %arg8[%dma_start3A_729] : memref<4992xf32, #tpu.memory_space<vmem>> -> memref<128xf32, #tpu.memory_space<vmem>>
      %dma_start3A_731 = arith.constant 256 : i32
      %dma_start3A_732 = tpu.memref_slice %arg7[%dma_start3A_728, %dma_start3A_731] : memref<2x4992xi32, #tpu.memory_space<vmem>> -> memref<1x128xi32, #tpu.memory_space<vmem>>
      %dma_start3A_733 = tpu.memref_squeeze %dma_start3A_732 : memref<1x128xi32, #tpu.memory_space<vmem>> -> memref<128xi32, #tpu.memory_space<vmem>>
      %dma_start3A_734 = arith.constant 0 : i32
      %dma_start3A_735 = tpu.memref_slice %arg12[%dma_start3A_734] : memref<50176xf32, #tpu.memory_space<vmem_shared>> -> memref<50176xf32, #tpu.memory_space<vmem_shared>>
      tpu.enqueue_indirect_dma source(%dma_start3A_730 : memref<128xf32, #tpu.memory_space<vmem>>) target(%dma_start3A_735 : memref<50176xf32, #tpu.memory_space<vmem_shared>>) offsets(%dma_start3A_733 : memref<128xi32, #tpu.memory_space<vmem>>) semaphore(%arg15 : memref<!tpu.dma_semaphore, #tpu.memory_space<semaphore_mem>>) {add = true}
      %dma_start3A_736 = arith.constant 1 : i32
      %dma_start3A_737 = arith.constant 384 : i32
      %dma_start3A_738 = tpu.memref_slice %arg8[%dma_start3A_737] : memref<4992xf32, #tpu.memory_space<vmem>> -> memref<128xf32, #tpu.memory_space<vmem>>
      %dma_start3A_739 = arith.constant 384 : i32
      %dma_start3A_740 = tpu.memref_slice %arg7[%dma_start3A_736, %dma_start3A_739] : memref<2x4992xi32, #tpu.memory_space<vmem>> -> memref<1x128xi32, #tpu.memory_space<vmem>>
      %dma_start3A_741 = tpu.memref_squeeze %dma_start3A_740 : memref<1x128xi32, #tpu.memory_space<vmem>> -> memref<128xi32, #tpu.memory_space<vmem>>
      %dma_start3A_742 = arith.constant 0 : i32
      %dma_start3A_743 = tpu.memref_slice %arg12[%dma_start3A_742] : memref<50176xf32, #tpu.memory_space<vmem_shared>> -> memref<50176xf32, #tpu.memory_space<vmem_shared>>
      tpu.enqueue_indirect_dma source(%dma_start3A_738 : memref<128xf32, #tpu.memory_space<vmem>>) target(%dma_start3A_743 : memref<50176xf32, #tpu.memory_space<vmem_shared>>) offsets(%dma_start3A_741 : memref<128xi32, #tpu.memory_space<vmem>>) semaphore(%arg15 : memref<!tpu.dma_semaphore, #tpu.memory_space<semaphore_mem>>) {add = true}
      %dma_start3A_744 = arith.constant 1 : i32
      %dma_start3A_745 = arith.constant 512 : i32
      %dma_start3A_746 = tpu.memref_slice %arg8[%dma_start3A_745] : memref<4992xf32, #tpu.memory_space<vmem>> -> memref<128xf32, #tpu.memory_space<vmem>>
      %dma_start3A_747 = arith.constant 512 : i32
      %dma_start3A_748 = tpu.memref_slice %arg7[%dma_start3A_744, %dma_start3A_747] : memref<2x4992xi32, #tpu.memory_space<vmem>> -> memref<1x128xi32, #tpu.memory_space<vmem>>
      %dma_start3A_749 = tpu.memref_squeeze %dma_start3A_748 : memref<1x128xi32, #tpu.memory_space<vmem>> -> memref<128xi32, #tpu.memory_space<vmem>>
      %dma_start3A_750 = arith.constant 0 : i32
      %dma_start3A_751 = tpu.memref_slice %arg12[%dma_start3A_750] : memref<50176xf32, #tpu.memory_space<vmem_shared>> -> memref<50176xf32, #tpu.memory_space<vmem_shared>>
      tpu.enqueue_indirect_dma source(%dma_start3A_746 : memref<128xf32, #tpu.memory_space<vmem>>) target(%dma_start3A_751 : memref<50176xf32, #tpu.memory_space<vmem_shared>>) offsets(%dma_start3A_749 : memref<128xi32, #tpu.memory_space<vmem>>) semaphore(%arg15 : memref<!tpu.dma_semaphore, #tpu.memory_space<semaphore_mem>>) {add = true}
      %dma_start3A_752 = arith.constant 1 : i32
      %dma_start3A_753 = arith.constant 640 : i32
      %dma_start3A_754 = tpu.memref_slice %arg8[%dma_start3A_753] : memref<4992xf32, #tpu.memory_space<vmem>> -> memref<128xf32, #tpu.memory_space<vmem>>
      %dma_start3A_755 = arith.constant 640 : i32
      %dma_start3A_756 = tpu.memref_slice %arg7[%dma_start3A_752, %dma_start3A_755] : memref<2x4992xi32, #tpu.memory_space<vmem>> -> memref<1x128xi32, #tpu.memory_space<vmem>>
      %dma_start3A_757 = tpu.memref_squeeze %dma_start3A_756 : memref<1x128xi32, #tpu.memory_space<vmem>> -> memref<128xi32, #tpu.memory_space<vmem>>
      %dma_start3A_758 = arith.constant 0 : i32
      %dma_start3A_759 = tpu.memref_slice %arg12[%dma_start3A_758] : memref<50176xf32, #tpu.memory_space<vmem_shared>> -> memref<50176xf32, #tpu.memory_space<vmem_shared>>
      tpu.enqueue_indirect_dma source(%dma_start3A_754 : memref<128xf32, #tpu.memory_space<vmem>>) target(%dma_start3A_759 : memref<50176xf32, #tpu.memory_space<vmem_shared>>) offsets(%dma_start3A_757 : memref<128xi32, #tpu.memory_space<vmem>>) semaphore(%arg15 : memref<!tpu.dma_semaphore, #tpu.memory_space<semaphore_mem>>) {add = true}
      %dma_start3A_760 = arith.constant 1 : i32
      %dma_start3A_761 = arith.constant 768 : i32
      %dma_start3A_762 = tpu.memref_slice %arg8[%dma_start3A_761] : memref<4992xf32, #tpu.memory_space<vmem>> -> memref<128xf32, #tpu.memory_space<vmem>>
      %dma_start3A_763 = arith.constant 768 : i32
      %dma_start3A_764 = tpu.memref_slice %arg7[%dma_start3A_760, %dma_start3A_763] : memref<2x4992xi32, #tpu.memory_space<vmem>> -> memref<1x128xi32, #tpu.memory_space<vmem>>
      %dma_start3A_765 = tpu.memref_squeeze %dma_start3A_764 : memref<1x128xi32, #tpu.memory_space<vmem>> -> memref<128xi32, #tpu.memory_space<vmem>>
      %dma_start3A_766 = arith.constant 0 : i32
      %dma_start3A_767 = tpu.memref_slice %arg12[%dma_start3A_766] : memref<50176xf32, #tpu.memory_space<vmem_shared>> -> memref<50176xf32, #tpu.memory_space<vmem_shared>>
      tpu.enqueue_indirect_dma source(%dma_start3A_762 : memref<128xf32, #tpu.memory_space<vmem>>) target(%dma_start3A_767 : memref<50176xf32, #tpu.memory_space<vmem_shared>>) offsets(%dma_start3A_765 : memref<128xi32, #tpu.memory_space<vmem>>) semaphore(%arg15 : memref<!tpu.dma_semaphore, #tpu.memory_space<semaphore_mem>>) {add = true}
      %dma_start3A_768 = arith.constant 1 : i32
      %dma_start3A_769 = arith.constant 896 : i32
      %dma_start3A_770 = tpu.memref_slice %arg8[%dma_start3A_769] : memref<4992xf32, #tpu.memory_space<vmem>> -> memref<128xf32, #tpu.memory_space<vmem>>
      %dma_start3A_771 = arith.constant 896 : i32
      %dma_start3A_772 = tpu.memref_slice %arg7[%dma_start3A_768, %dma_start3A_771] : memref<2x4992xi32, #tpu.memory_space<vmem>> -> memref<1x128xi32, #tpu.memory_space<vmem>>
      %dma_start3A_773 = tpu.memref_squeeze %dma_start3A_772 : memref<1x128xi32, #tpu.memory_space<vmem>> -> memref<128xi32, #tpu.memory_space<vmem>>
      %dma_start3A_774 = arith.constant 0 : i32
      %dma_start3A_775 = tpu.memref_slice %arg12[%dma_start3A_774] : memref<50176xf32, #tpu.memory_space<vmem_shared>> -> memref<50176xf32, #tpu.memory_space<vmem_shared>>
      tpu.enqueue_indirect_dma source(%dma_start3A_770 : memref<128xf32, #tpu.memory_space<vmem>>) target(%dma_start3A_775 : memref<50176xf32, #tpu.memory_space<vmem_shared>>) offsets(%dma_start3A_773 : memref<128xi32, #tpu.memory_space<vmem>>) semaphore(%arg15 : memref<!tpu.dma_semaphore, #tpu.memory_space<semaphore_mem>>) {add = true}
      %dma_start3A_776 = arith.constant 1 : i32
      %dma_start3A_777 = arith.constant 1024 : i32
      %dma_start3A_778 = tpu.memref_slice %arg8[%dma_start3A_777] : memref<4992xf32, #tpu.memory_space<vmem>> -> memref<128xf32, #tpu.memory_space<vmem>>
      %dma_start3A_779 = arith.constant 1024 : i32
      %dma_start3A_780 = tpu.memref_slice %arg7[%dma_start3A_776, %dma_start3A_779] : memref<2x4992xi32, #tpu.memory_space<vmem>> -> memref<1x128xi32, #tpu.memory_space<vmem>>
      %dma_start3A_781 = tpu.memref_squeeze %dma_start3A_780 : memref<1x128xi32, #tpu.memory_space<vmem>> -> memref<128xi32, #tpu.memory_space<vmem>>
      %dma_start3A_782 = arith.constant 0 : i32
      %dma_start3A_783 = tpu.memref_slice %arg12[%dma_start3A_782] : memref<50176xf32, #tpu.memory_space<vmem_shared>> -> memref<50176xf32, #tpu.memory_space<vmem_shared>>
      tpu.enqueue_indirect_dma source(%dma_start3A_778 : memref<128xf32, #tpu.memory_space<vmem>>) target(%dma_start3A_783 : memref<50176xf32, #tpu.memory_space<vmem_shared>>) offsets(%dma_start3A_781 : memref<128xi32, #tpu.memory_space<vmem>>) semaphore(%arg15 : memref<!tpu.dma_semaphore, #tpu.memory_space<semaphore_mem>>) {add = true}
      %dma_start3A_784 = arith.constant 1 : i32
      %dma_start3A_785 = arith.constant 1152 : i32
      %dma_start3A_786 = tpu.memref_slice %arg8[%dma_start3A_785] : memref<4992xf32, #tpu.memory_space<vmem>> -> memref<128xf32, #tpu.memory_space<vmem>>
      %dma_start3A_787 = arith.constant 1152 : i32
      %dma_start3A_788 = tpu.memref_slice %arg7[%dma_start3A_784, %dma_start3A_787] : memref<2x4992xi32, #tpu.memory_space<vmem>> -> memref<1x128xi32, #tpu.memory_space<vmem>>
      %dma_start3A_789 = tpu.memref_squeeze %dma_start3A_788 : memref<1x128xi32, #tpu.memory_space<vmem>> -> memref<128xi32, #tpu.memory_space<vmem>>
      %dma_start3A_790 = arith.constant 0 : i32
      %dma_start3A_791 = tpu.memref_slice %arg12[%dma_start3A_790] : memref<50176xf32, #tpu.memory_space<vmem_shared>> -> memref<50176xf32, #tpu.memory_space<vmem_shared>>
      tpu.enqueue_indirect_dma source(%dma_start3A_786 : memref<128xf32, #tpu.memory_space<vmem>>) target(%dma_start3A_791 : memref<50176xf32, #tpu.memory_space<vmem_shared>>) offsets(%dma_start3A_789 : memref<128xi32, #tpu.memory_space<vmem>>) semaphore(%arg15 : memref<!tpu.dma_semaphore, #tpu.memory_space<semaphore_mem>>) {add = true}
      %dma_start3A_792 = arith.constant 1 : i32
      %dma_start3A_793 = arith.constant 1280 : i32
      %dma_start3A_794 = tpu.memref_slice %arg8[%dma_start3A_793] : memref<4992xf32, #tpu.memory_space<vmem>> -> memref<128xf32, #tpu.memory_space<vmem>>
      %dma_start3A_795 = arith.constant 1280 : i32
      %dma_start3A_796 = tpu.memref_slice %arg7[%dma_start3A_792, %dma_start3A_795] : memref<2x4992xi32, #tpu.memory_space<vmem>> -> memref<1x128xi32, #tpu.memory_space<vmem>>
      %dma_start3A_797 = tpu.memref_squeeze %dma_start3A_796 : memref<1x128xi32, #tpu.memory_space<vmem>> -> memref<128xi32, #tpu.memory_space<vmem>>
      %dma_start3A_798 = arith.constant 0 : i32
      %dma_start3A_799 = tpu.memref_slice %arg12[%dma_start3A_798] : memref<50176xf32, #tpu.memory_space<vmem_shared>> -> memref<50176xf32, #tpu.memory_space<vmem_shared>>
      tpu.enqueue_indirect_dma source(%dma_start3A_794 : memref<128xf32, #tpu.memory_space<vmem>>) target(%dma_start3A_799 : memref<50176xf32, #tpu.memory_space<vmem_shared>>) offsets(%dma_start3A_797 : memref<128xi32, #tpu.memory_space<vmem>>) semaphore(%arg15 : memref<!tpu.dma_semaphore, #tpu.memory_space<semaphore_mem>>) {add = true}
      %dma_start3A_800 = arith.constant 1 : i32
      %dma_start3A_801 = arith.constant 1408 : i32
      %dma_start3A_802 = tpu.memref_slice %arg8[%dma_start3A_801] : memref<4992xf32, #tpu.memory_space<vmem>> -> memref<128xf32, #tpu.memory_space<vmem>>
      %dma_start3A_803 = arith.constant 1408 : i32
      %dma_start3A_804 = tpu.memref_slice %arg7[%dma_start3A_800, %dma_start3A_803] : memref<2x4992xi32, #tpu.memory_space<vmem>> -> memref<1x128xi32, #tpu.memory_space<vmem>>
      %dma_start3A_805 = tpu.memref_squeeze %dma_start3A_804 : memref<1x128xi32, #tpu.memory_space<vmem>> -> memref<128xi32, #tpu.memory_space<vmem>>
      %dma_start3A_806 = arith.constant 0 : i32
      %dma_start3A_807 = tpu.memref_slice %arg12[%dma_start3A_806] : memref<50176xf32, #tpu.memory_space<vmem_shared>> -> memref<50176xf32, #tpu.memory_space<vmem_shared>>
      tpu.enqueue_indirect_dma source(%dma_start3A_802 : memref<128xf32, #tpu.memory_space<vmem>>) target(%dma_start3A_807 : memref<50176xf32, #tpu.memory_space<vmem_shared>>) offsets(%dma_start3A_805 : memref<128xi32, #tpu.memory_space<vmem>>) semaphore(%arg15 : memref<!tpu.dma_semaphore, #tpu.memory_space<semaphore_mem>>) {add = true}
      %dma_start3A_808 = arith.constant 1 : i32
      %dma_start3A_809 = arith.constant 1536 : i32
      %dma_start3A_810 = tpu.memref_slice %arg8[%dma_start3A_809] : memref<4992xf32, #tpu.memory_space<vmem>> -> memref<128xf32, #tpu.memory_space<vmem>>
      %dma_start3A_811 = arith.constant 1536 : i32
      %dma_start3A_812 = tpu.memref_slice %arg7[%dma_start3A_808, %dma_start3A_811] : memref<2x4992xi32, #tpu.memory_space<vmem>> -> memref<1x128xi32, #tpu.memory_space<vmem>>
      %dma_start3A_813 = tpu.memref_squeeze %dma_start3A_812 : memref<1x128xi32, #tpu.memory_space<vmem>> -> memref<128xi32, #tpu.memory_space<vmem>>
      %dma_start3A_814 = arith.constant 0 : i32
      %dma_start3A_815 = tpu.memref_slice %arg12[%dma_start3A_814] : memref<50176xf32, #tpu.memory_space<vmem_shared>> -> memref<50176xf32, #tpu.memory_space<vmem_shared>>
      tpu.enqueue_indirect_dma source(%dma_start3A_810 : memref<128xf32, #tpu.memory_space<vmem>>) target(%dma_start3A_815 : memref<50176xf32, #tpu.memory_space<vmem_shared>>) offsets(%dma_start3A_813 : memref<128xi32, #tpu.memory_space<vmem>>) semaphore(%arg15 : memref<!tpu.dma_semaphore, #tpu.memory_space<semaphore_mem>>) {add = true}
      %dma_start3A_816 = arith.constant 1 : i32
      %dma_start3A_817 = arith.constant 1664 : i32
      %dma_start3A_818 = tpu.memref_slice %arg8[%dma_start3A_817] : memref<4992xf32, #tpu.memory_space<vmem>> -> memref<128xf32, #tpu.memory_space<vmem>>
      %dma_start3A_819 = arith.constant 1664 : i32
      %dma_start3A_820 = tpu.memref_slice %arg7[%dma_start3A_816, %dma_start3A_819] : memref<2x4992xi32, #tpu.memory_space<vmem>> -> memref<1x128xi32, #tpu.memory_space<vmem>>
      %dma_start3A_821 = tpu.memref_squeeze %dma_start3A_820 : memref<1x128xi32, #tpu.memory_space<vmem>> -> memref<128xi32, #tpu.memory_space<vmem>>
      %dma_start3A_822 = arith.constant 0 : i32
      %dma_start3A_823 = tpu.memref_slice %arg12[%dma_start3A_822] : memref<50176xf32, #tpu.memory_space<vmem_shared>> -> memref<50176xf32, #tpu.memory_space<vmem_shared>>
      tpu.enqueue_indirect_dma source(%dma_start3A_818 : memref<128xf32, #tpu.memory_space<vmem>>) target(%dma_start3A_823 : memref<50176xf32, #tpu.memory_space<vmem_shared>>) offsets(%dma_start3A_821 : memref<128xi32, #tpu.memory_space<vmem>>) semaphore(%arg15 : memref<!tpu.dma_semaphore, #tpu.memory_space<semaphore_mem>>) {add = true}
      %dma_start3A_824 = arith.constant 1 : i32
      %dma_start3A_825 = arith.constant 1792 : i32
      %dma_start3A_826 = tpu.memref_slice %arg8[%dma_start3A_825] : memref<4992xf32, #tpu.memory_space<vmem>> -> memref<128xf32, #tpu.memory_space<vmem>>
      %dma_start3A_827 = arith.constant 1792 : i32
      %dma_start3A_828 = tpu.memref_slice %arg7[%dma_start3A_824, %dma_start3A_827] : memref<2x4992xi32, #tpu.memory_space<vmem>> -> memref<1x128xi32, #tpu.memory_space<vmem>>
      %dma_start3A_829 = tpu.memref_squeeze %dma_start3A_828 : memref<1x128xi32, #tpu.memory_space<vmem>> -> memref<128xi32, #tpu.memory_space<vmem>>
      %dma_start3A_830 = arith.constant 0 : i32
      %dma_start3A_831 = tpu.memref_slice %arg12[%dma_start3A_830] : memref<50176xf32, #tpu.memory_space<vmem_shared>> -> memref<50176xf32, #tpu.memory_space<vmem_shared>>
      tpu.enqueue_indirect_dma source(%dma_start3A_826 : memref<128xf32, #tpu.memory_space<vmem>>) target(%dma_start3A_831 : memref<50176xf32, #tpu.memory_space<vmem_shared>>) offsets(%dma_start3A_829 : memref<128xi32, #tpu.memory_space<vmem>>) semaphore(%arg15 : memref<!tpu.dma_semaphore, #tpu.memory_space<semaphore_mem>>) {add = true}
      %dma_start3A_832 = arith.constant 1 : i32
      %dma_start3A_833 = arith.constant 1920 : i32
      %dma_start3A_834 = tpu.memref_slice %arg8[%dma_start3A_833] : memref<4992xf32, #tpu.memory_space<vmem>> -> memref<128xf32, #tpu.memory_space<vmem>>
      %dma_start3A_835 = arith.constant 1920 : i32
      %dma_start3A_836 = tpu.memref_slice %arg7[%dma_start3A_832, %dma_start3A_835] : memref<2x4992xi32, #tpu.memory_space<vmem>> -> memref<1x128xi32, #tpu.memory_space<vmem>>
      %dma_start3A_837 = tpu.memref_squeeze %dma_start3A_836 : memref<1x128xi32, #tpu.memory_space<vmem>> -> memref<128xi32, #tpu.memory_space<vmem>>
      %dma_start3A_838 = arith.constant 0 : i32
      %dma_start3A_839 = tpu.memref_slice %arg12[%dma_start3A_838] : memref<50176xf32, #tpu.memory_space<vmem_shared>> -> memref<50176xf32, #tpu.memory_space<vmem_shared>>
      tpu.enqueue_indirect_dma source(%dma_start3A_834 : memref<128xf32, #tpu.memory_space<vmem>>) target(%dma_start3A_839 : memref<50176xf32, #tpu.memory_space<vmem_shared>>) offsets(%dma_start3A_837 : memref<128xi32, #tpu.memory_space<vmem>>) semaphore(%arg15 : memref<!tpu.dma_semaphore, #tpu.memory_space<semaphore_mem>>) {add = true}
      %dma_start3A_840 = arith.constant 1 : i32
      %dma_start3A_841 = arith.constant 2048 : i32
      %dma_start3A_842 = tpu.memref_slice %arg8[%dma_start3A_841] : memref<4992xf32, #tpu.memory_space<vmem>> -> memref<128xf32, #tpu.memory_space<vmem>>
      %dma_start3A_843 = arith.constant 2048 : i32
      %dma_start3A_844 = tpu.memref_slice %arg7[%dma_start3A_840, %dma_start3A_843] : memref<2x4992xi32, #tpu.memory_space<vmem>> -> memref<1x128xi32, #tpu.memory_space<vmem>>
      %dma_start3A_845 = tpu.memref_squeeze %dma_start3A_844 : memref<1x128xi32, #tpu.memory_space<vmem>> -> memref<128xi32, #tpu.memory_space<vmem>>
      %dma_start3A_846 = arith.constant 0 : i32
      %dma_start3A_847 = tpu.memref_slice %arg12[%dma_start3A_846] : memref<50176xf32, #tpu.memory_space<vmem_shared>> -> memref<50176xf32, #tpu.memory_space<vmem_shared>>
      tpu.enqueue_indirect_dma source(%dma_start3A_842 : memref<128xf32, #tpu.memory_space<vmem>>) target(%dma_start3A_847 : memref<50176xf32, #tpu.memory_space<vmem_shared>>) offsets(%dma_start3A_845 : memref<128xi32, #tpu.memory_space<vmem>>) semaphore(%arg15 : memref<!tpu.dma_semaphore, #tpu.memory_space<semaphore_mem>>) {add = true}
      %dma_start3A_848 = arith.constant 1 : i32
      %dma_start3A_849 = arith.constant 2176 : i32
      %dma_start3A_850 = tpu.memref_slice %arg8[%dma_start3A_849] : memref<4992xf32, #tpu.memory_space<vmem>> -> memref<128xf32, #tpu.memory_space<vmem>>
      %dma_start3A_851 = arith.constant 2176 : i32
      %dma_start3A_852 = tpu.memref_slice %arg7[%dma_start3A_848, %dma_start3A_851] : memref<2x4992xi32, #tpu.memory_space<vmem>> -> memref<1x128xi32, #tpu.memory_space<vmem>>
      %dma_start3A_853 = tpu.memref_squeeze %dma_start3A_852 : memref<1x128xi32, #tpu.memory_space<vmem>> -> memref<128xi32, #tpu.memory_space<vmem>>
      %dma_start3A_854 = arith.constant 0 : i32
      %dma_start3A_855 = tpu.memref_slice %arg12[%dma_start3A_854] : memref<50176xf32, #tpu.memory_space<vmem_shared>> -> memref<50176xf32, #tpu.memory_space<vmem_shared>>
      tpu.enqueue_indirect_dma source(%dma_start3A_850 : memref<128xf32, #tpu.memory_space<vmem>>) target(%dma_start3A_855 : memref<50176xf32, #tpu.memory_space<vmem_shared>>) offsets(%dma_start3A_853 : memref<128xi32, #tpu.memory_space<vmem>>) semaphore(%arg15 : memref<!tpu.dma_semaphore, #tpu.memory_space<semaphore_mem>>) {add = true}
      %dma_start3A_856 = arith.constant 1 : i32
      %dma_start3A_857 = arith.constant 2304 : i32
      %dma_start3A_858 = tpu.memref_slice %arg8[%dma_start3A_857] : memref<4992xf32, #tpu.memory_space<vmem>> -> memref<128xf32, #tpu.memory_space<vmem>>
      %dma_start3A_859 = arith.constant 2304 : i32
      %dma_start3A_860 = tpu.memref_slice %arg7[%dma_start3A_856, %dma_start3A_859] : memref<2x4992xi32, #tpu.memory_space<vmem>> -> memref<1x128xi32, #tpu.memory_space<vmem>>
      %dma_start3A_861 = tpu.memref_squeeze %dma_start3A_860 : memref<1x128xi32, #tpu.memory_space<vmem>> -> memref<128xi32, #tpu.memory_space<vmem>>
      %dma_start3A_862 = arith.constant 0 : i32
      %dma_start3A_863 = tpu.memref_slice %arg12[%dma_start3A_862] : memref<50176xf32, #tpu.memory_space<vmem_shared>> -> memref<50176xf32, #tpu.memory_space<vmem_shared>>
      tpu.enqueue_indirect_dma source(%dma_start3A_858 : memref<128xf32, #tpu.memory_space<vmem>>) target(%dma_start3A_863 : memref<50176xf32, #tpu.memory_space<vmem_shared>>) offsets(%dma_start3A_861 : memref<128xi32, #tpu.memory_space<vmem>>) semaphore(%arg15 : memref<!tpu.dma_semaphore, #tpu.memory_space<semaphore_mem>>) {add = true}
      %dma_start3A_864 = arith.constant 1 : i32
      %dma_start3A_865 = arith.constant 2432 : i32
      %dma_start3A_866 = tpu.memref_slice %arg8[%dma_start3A_865] : memref<4992xf32, #tpu.memory_space<vmem>> -> memref<128xf32, #tpu.memory_space<vmem>>
      %dma_start3A_867 = arith.constant 2432 : i32
      %dma_start3A_868 = tpu.memref_slice %arg7[%dma_start3A_864, %dma_start3A_867] : memref<2x4992xi32, #tpu.memory_space<vmem>> -> memref<1x128xi32, #tpu.memory_space<vmem>>
      %dma_start3A_869 = tpu.memref_squeeze %dma_start3A_868 : memref<1x128xi32, #tpu.memory_space<vmem>> -> memref<128xi32, #tpu.memory_space<vmem>>
      %dma_start3A_870 = arith.constant 0 : i32
      %dma_start3A_871 = tpu.memref_slice %arg12[%dma_start3A_870] : memref<50176xf32, #tpu.memory_space<vmem_shared>> -> memref<50176xf32, #tpu.memory_space<vmem_shared>>
      tpu.enqueue_indirect_dma source(%dma_start3A_866 : memref<128xf32, #tpu.memory_space<vmem>>) target(%dma_start3A_871 : memref<50176xf32, #tpu.memory_space<vmem_shared>>) offsets(%dma_start3A_869 : memref<128xi32, #tpu.memory_space<vmem>>) semaphore(%arg15 : memref<!tpu.dma_semaphore, #tpu.memory_space<semaphore_mem>>) {add = true}
      %dma_start3A_872 = arith.constant 1 : i32
      %dma_start3A_873 = arith.constant 2560 : i32
      %dma_start3A_874 = tpu.memref_slice %arg8[%dma_start3A_873] : memref<4992xf32, #tpu.memory_space<vmem>> -> memref<128xf32, #tpu.memory_space<vmem>>
      %dma_start3A_875 = arith.constant 2560 : i32
      %dma_start3A_876 = tpu.memref_slice %arg7[%dma_start3A_872, %dma_start3A_875] : memref<2x4992xi32, #tpu.memory_space<vmem>> -> memref<1x128xi32, #tpu.memory_space<vmem>>
      %dma_start3A_877 = tpu.memref_squeeze %dma_start3A_876 : memref<1x128xi32, #tpu.memory_space<vmem>> -> memref<128xi32, #tpu.memory_space<vmem>>
      %dma_start3A_878 = arith.constant 0 : i32
      %dma_start3A_879 = tpu.memref_slice %arg12[%dma_start3A_878] : memref<50176xf32, #tpu.memory_space<vmem_shared>> -> memref<50176xf32, #tpu.memory_space<vmem_shared>>
      tpu.enqueue_indirect_dma source(%dma_start3A_874 : memref<128xf32, #tpu.memory_space<vmem>>) target(%dma_start3A_879 : memref<50176xf32, #tpu.memory_space<vmem_shared>>) offsets(%dma_start3A_877 : memref<128xi32, #tpu.memory_space<vmem>>) semaphore(%arg15 : memref<!tpu.dma_semaphore, #tpu.memory_space<semaphore_mem>>) {add = true}
      %dma_start3A_880 = arith.constant 1 : i32
      %dma_start3A_881 = arith.constant 2688 : i32
      %dma_start3A_882 = tpu.memref_slice %arg8[%dma_start3A_881] : memref<4992xf32, #tpu.memory_space<vmem>> -> memref<128xf32, #tpu.memory_space<vmem>>
      %dma_start3A_883 = arith.constant 2688 : i32
      %dma_start3A_884 = tpu.memref_slice %arg7[%dma_start3A_880, %dma_start3A_883] : memref<2x4992xi32, #tpu.memory_space<vmem>> -> memref<1x128xi32, #tpu.memory_space<vmem>>
      %dma_start3A_885 = tpu.memref_squeeze %dma_start3A_884 : memref<1x128xi32, #tpu.memory_space<vmem>> -> memref<128xi32, #tpu.memory_space<vmem>>
      %dma_start3A_886 = arith.constant 0 : i32
      %dma_start3A_887 = tpu.memref_slice %arg12[%dma_start3A_886] : memref<50176xf32, #tpu.memory_space<vmem_shared>> -> memref<50176xf32, #tpu.memory_space<vmem_shared>>
      tpu.enqueue_indirect_dma source(%dma_start3A_882 : memref<128xf32, #tpu.memory_space<vmem>>) target(%dma_start3A_887 : memref<50176xf32, #tpu.memory_space<vmem_shared>>) offsets(%dma_start3A_885 : memref<128xi32, #tpu.memory_space<vmem>>) semaphore(%arg15 : memref<!tpu.dma_semaphore, #tpu.memory_space<semaphore_mem>>) {add = true}
      %dma_start3A_888 = arith.constant 1 : i32
      %dma_start3A_889 = arith.constant 2816 : i32
      %dma_start3A_890 = tpu.memref_slice %arg8[%dma_start3A_889] : memref<4992xf32, #tpu.memory_space<vmem>> -> memref<128xf32, #tpu.memory_space<vmem>>
      %dma_start3A_891 = arith.constant 2816 : i32
      %dma_start3A_892 = tpu.memref_slice %arg7[%dma_start3A_888, %dma_start3A_891] : memref<2x4992xi32, #tpu.memory_space<vmem>> -> memref<1x128xi32, #tpu.memory_space<vmem>>
      %dma_start3A_893 = tpu.memref_squeeze %dma_start3A_892 : memref<1x128xi32, #tpu.memory_space<vmem>> -> memref<128xi32, #tpu.memory_space<vmem>>
      %dma_start3A_894 = arith.constant 0 : i32
      %dma_start3A_895 = tpu.memref_slice %arg12[%dma_start3A_894] : memref<50176xf32, #tpu.memory_space<vmem_shared>> -> memref<50176xf32, #tpu.memory_space<vmem_shared>>
      tpu.enqueue_indirect_dma source(%dma_start3A_890 : memref<128xf32, #tpu.memory_space<vmem>>) target(%dma_start3A_895 : memref<50176xf32, #tpu.memory_space<vmem_shared>>) offsets(%dma_start3A_893 : memref<128xi32, #tpu.memory_space<vmem>>) semaphore(%arg15 : memref<!tpu.dma_semaphore, #tpu.memory_space<semaphore_mem>>) {add = true}
      %dma_start3A_896 = arith.constant 1 : i32
      %dma_start3A_897 = arith.constant 2944 : i32
      %dma_start3A_898 = tpu.memref_slice %arg8[%dma_start3A_897] : memref<4992xf32, #tpu.memory_space<vmem>> -> memref<128xf32, #tpu.memory_space<vmem>>
      %dma_start3A_899 = arith.constant 2944 : i32
      %dma_start3A_900 = tpu.memref_slice %arg7[%dma_start3A_896, %dma_start3A_899] : memref<2x4992xi32, #tpu.memory_space<vmem>> -> memref<1x128xi32, #tpu.memory_space<vmem>>
      %dma_start3A_901 = tpu.memref_squeeze %dma_start3A_900 : memref<1x128xi32, #tpu.memory_space<vmem>> -> memref<128xi32, #tpu.memory_space<vmem>>
      %dma_start3A_902 = arith.constant 0 : i32
      %dma_start3A_903 = tpu.memref_slice %arg12[%dma_start3A_902] : memref<50176xf32, #tpu.memory_space<vmem_shared>> -> memref<50176xf32, #tpu.memory_space<vmem_shared>>
      tpu.enqueue_indirect_dma source(%dma_start3A_898 : memref<128xf32, #tpu.memory_space<vmem>>) target(%dma_start3A_903 : memref<50176xf32, #tpu.memory_space<vmem_shared>>) offsets(%dma_start3A_901 : memref<128xi32, #tpu.memory_space<vmem>>) semaphore(%arg15 : memref<!tpu.dma_semaphore, #tpu.memory_space<semaphore_mem>>) {add = true}
      %dma_start3A_904 = arith.constant 1 : i32
      %dma_start3A_905 = arith.constant 3072 : i32
      %dma_start3A_906 = tpu.memref_slice %arg8[%dma_start3A_905] : memref<4992xf32, #tpu.memory_space<vmem>> -> memref<128xf32, #tpu.memory_space<vmem>>
      %dma_start3A_907 = arith.constant 3072 : i32
      %dma_start3A_908 = tpu.memref_slice %arg7[%dma_start3A_904, %dma_start3A_907] : memref<2x4992xi32, #tpu.memory_space<vmem>> -> memref<1x128xi32, #tpu.memory_space<vmem>>
      %dma_start3A_909 = tpu.memref_squeeze %dma_start3A_908 : memref<1x128xi32, #tpu.memory_space<vmem>> -> memref<128xi32, #tpu.memory_space<vmem>>
      %dma_start3A_910 = arith.constant 0 : i32
      %dma_start3A_911 = tpu.memref_slice %arg12[%dma_start3A_910] : memref<50176xf32, #tpu.memory_space<vmem_shared>> -> memref<50176xf32, #tpu.memory_space<vmem_shared>>
      tpu.enqueue_indirect_dma source(%dma_start3A_906 : memref<128xf32, #tpu.memory_space<vmem>>) target(%dma_start3A_911 : memref<50176xf32, #tpu.memory_space<vmem_shared>>) offsets(%dma_start3A_909 : memref<128xi32, #tpu.memory_space<vmem>>) semaphore(%arg15 : memref<!tpu.dma_semaphore, #tpu.memory_space<semaphore_mem>>) {add = true}
      %dma_start3A_912 = arith.constant 1 : i32
      %dma_start3A_913 = arith.constant 3200 : i32
      %dma_start3A_914 = tpu.memref_slice %arg8[%dma_start3A_913] : memref<4992xf32, #tpu.memory_space<vmem>> -> memref<128xf32, #tpu.memory_space<vmem>>
      %dma_start3A_915 = arith.constant 3200 : i32
      %dma_start3A_916 = tpu.memref_slice %arg7[%dma_start3A_912, %dma_start3A_915] : memref<2x4992xi32, #tpu.memory_space<vmem>> -> memref<1x128xi32, #tpu.memory_space<vmem>>
      %dma_start3A_917 = tpu.memref_squeeze %dma_start3A_916 : memref<1x128xi32, #tpu.memory_space<vmem>> -> memref<128xi32, #tpu.memory_space<vmem>>
      %dma_start3A_918 = arith.constant 0 : i32
      %dma_start3A_919 = tpu.memref_slice %arg12[%dma_start3A_918] : memref<50176xf32, #tpu.memory_space<vmem_shared>> -> memref<50176xf32, #tpu.memory_space<vmem_shared>>
      tpu.enqueue_indirect_dma source(%dma_start3A_914 : memref<128xf32, #tpu.memory_space<vmem>>) target(%dma_start3A_919 : memref<50176xf32, #tpu.memory_space<vmem_shared>>) offsets(%dma_start3A_917 : memref<128xi32, #tpu.memory_space<vmem>>) semaphore(%arg15 : memref<!tpu.dma_semaphore, #tpu.memory_space<semaphore_mem>>) {add = true}
      %dma_start3A_920 = arith.constant 1 : i32
      %dma_start3A_921 = arith.constant 3328 : i32
      %dma_start3A_922 = tpu.memref_slice %arg8[%dma_start3A_921] : memref<4992xf32, #tpu.memory_space<vmem>> -> memref<128xf32, #tpu.memory_space<vmem>>
      %dma_start3A_923 = arith.constant 3328 : i32
      %dma_start3A_924 = tpu.memref_slice %arg7[%dma_start3A_920, %dma_start3A_923] : memref<2x4992xi32, #tpu.memory_space<vmem>> -> memref<1x128xi32, #tpu.memory_space<vmem>>
      %dma_start3A_925 = tpu.memref_squeeze %dma_start3A_924 : memref<1x128xi32, #tpu.memory_space<vmem>> -> memref<128xi32, #tpu.memory_space<vmem>>
      %dma_start3A_926 = arith.constant 0 : i32
      %dma_start3A_927 = tpu.memref_slice %arg12[%dma_start3A_926] : memref<50176xf32, #tpu.memory_space<vmem_shared>> -> memref<50176xf32, #tpu.memory_space<vmem_shared>>
      tpu.enqueue_indirect_dma source(%dma_start3A_922 : memref<128xf32, #tpu.memory_space<vmem>>) target(%dma_start3A_927 : memref<50176xf32, #tpu.memory_space<vmem_shared>>) offsets(%dma_start3A_925 : memref<128xi32, #tpu.memory_space<vmem>>) semaphore(%arg15 : memref<!tpu.dma_semaphore, #tpu.memory_space<semaphore_mem>>) {add = true}
      %dma_start3A_928 = arith.constant 1 : i32
      %dma_start3A_929 = arith.constant 3456 : i32
      %dma_start3A_930 = tpu.memref_slice %arg8[%dma_start3A_929] : memref<4992xf32, #tpu.memory_space<vmem>> -> memref<128xf32, #tpu.memory_space<vmem>>
      %dma_start3A_931 = arith.constant 3456 : i32
      %dma_start3A_932 = tpu.memref_slice %arg7[%dma_start3A_928, %dma_start3A_931] : memref<2x4992xi32, #tpu.memory_space<vmem>> -> memref<1x128xi32, #tpu.memory_space<vmem>>
      %dma_start3A_933 = tpu.memref_squeeze %dma_start3A_932 : memref<1x128xi32, #tpu.memory_space<vmem>> -> memref<128xi32, #tpu.memory_space<vmem>>
      %dma_start3A_934 = arith.constant 0 : i32
      %dma_start3A_935 = tpu.memref_slice %arg12[%dma_start3A_934] : memref<50176xf32, #tpu.memory_space<vmem_shared>> -> memref<50176xf32, #tpu.memory_space<vmem_shared>>
      tpu.enqueue_indirect_dma source(%dma_start3A_930 : memref<128xf32, #tpu.memory_space<vmem>>) target(%dma_start3A_935 : memref<50176xf32, #tpu.memory_space<vmem_shared>>) offsets(%dma_start3A_933 : memref<128xi32, #tpu.memory_space<vmem>>) semaphore(%arg15 : memref<!tpu.dma_semaphore, #tpu.memory_space<semaphore_mem>>) {add = true}
      %dma_start3A_936 = arith.constant 1 : i32
      %dma_start3A_937 = arith.constant 3584 : i32
      %dma_start3A_938 = tpu.memref_slice %arg8[%dma_start3A_937] : memref<4992xf32, #tpu.memory_space<vmem>> -> memref<128xf32, #tpu.memory_space<vmem>>
      %dma_start3A_939 = arith.constant 3584 : i32
      %dma_start3A_940 = tpu.memref_slice %arg7[%dma_start3A_936, %dma_start3A_939] : memref<2x4992xi32, #tpu.memory_space<vmem>> -> memref<1x128xi32, #tpu.memory_space<vmem>>
      %dma_start3A_941 = tpu.memref_squeeze %dma_start3A_940 : memref<1x128xi32, #tpu.memory_space<vmem>> -> memref<128xi32, #tpu.memory_space<vmem>>
      %dma_start3A_942 = arith.constant 0 : i32
      %dma_start3A_943 = tpu.memref_slice %arg12[%dma_start3A_942] : memref<50176xf32, #tpu.memory_space<vmem_shared>> -> memref<50176xf32, #tpu.memory_space<vmem_shared>>
      tpu.enqueue_indirect_dma source(%dma_start3A_938 : memref<128xf32, #tpu.memory_space<vmem>>) target(%dma_start3A_943 : memref<50176xf32, #tpu.memory_space<vmem_shared>>) offsets(%dma_start3A_941 : memref<128xi32, #tpu.memory_space<vmem>>) semaphore(%arg15 : memref<!tpu.dma_semaphore, #tpu.memory_space<semaphore_mem>>) {add = true}
      %dma_start3A_944 = arith.constant 1 : i32
      %dma_start3A_945 = arith.constant 3712 : i32
      %dma_start3A_946 = tpu.memref_slice %arg8[%dma_start3A_945] : memref<4992xf32, #tpu.memory_space<vmem>> -> memref<128xf32, #tpu.memory_space<vmem>>
      %dma_start3A_947 = arith.constant 3712 : i32
      %dma_start3A_948 = tpu.memref_slice %arg7[%dma_start3A_944, %dma_start3A_947] : memref<2x4992xi32, #tpu.memory_space<vmem>> -> memref<1x128xi32, #tpu.memory_space<vmem>>
      %dma_start3A_949 = tpu.memref_squeeze %dma_start3A_948 : memref<1x128xi32, #tpu.memory_space<vmem>> -> memref<128xi32, #tpu.memory_space<vmem>>
      %dma_start3A_950 = arith.constant 0 : i32
      %dma_start3A_951 = tpu.memref_slice %arg12[%dma_start3A_950] : memref<50176xf32, #tpu.memory_space<vmem_shared>> -> memref<50176xf32, #tpu.memory_space<vmem_shared>>
      tpu.enqueue_indirect_dma source(%dma_start3A_946 : memref<128xf32, #tpu.memory_space<vmem>>) target(%dma_start3A_951 : memref<50176xf32, #tpu.memory_space<vmem_shared>>) offsets(%dma_start3A_949 : memref<128xi32, #tpu.memory_space<vmem>>) semaphore(%arg15 : memref<!tpu.dma_semaphore, #tpu.memory_space<semaphore_mem>>) {add = true}
      %dma_start3A_952 = arith.constant 1 : i32
      %dma_start3A_953 = arith.constant 3840 : i32
      %dma_start3A_954 = tpu.memref_slice %arg8[%dma_start3A_953] : memref<4992xf32, #tpu.memory_space<vmem>> -> memref<128xf32, #tpu.memory_space<vmem>>
      %dma_start3A_955 = arith.constant 3840 : i32
      %dma_start3A_956 = tpu.memref_slice %arg7[%dma_start3A_952, %dma_start3A_955] : memref<2x4992xi32, #tpu.memory_space<vmem>> -> memref<1x128xi32, #tpu.memory_space<vmem>>
      %dma_start3A_957 = tpu.memref_squeeze %dma_start3A_956 : memref<1x128xi32, #tpu.memory_space<vmem>> -> memref<128xi32, #tpu.memory_space<vmem>>
      %dma_start3A_958 = arith.constant 0 : i32
      %dma_start3A_959 = tpu.memref_slice %arg12[%dma_start3A_958] : memref<50176xf32, #tpu.memory_space<vmem_shared>> -> memref<50176xf32, #tpu.memory_space<vmem_shared>>
      tpu.enqueue_indirect_dma source(%dma_start3A_954 : memref<128xf32, #tpu.memory_space<vmem>>) target(%dma_start3A_959 : memref<50176xf32, #tpu.memory_space<vmem_shared>>) offsets(%dma_start3A_957 : memref<128xi32, #tpu.memory_space<vmem>>) semaphore(%arg15 : memref<!tpu.dma_semaphore, #tpu.memory_space<semaphore_mem>>) {add = true}
      %dma_start3A_960 = arith.constant 1 : i32
      %dma_start3A_961 = arith.constant 3968 : i32
      %dma_start3A_962 = tpu.memref_slice %arg8[%dma_start3A_961] : memref<4992xf32, #tpu.memory_space<vmem>> -> memref<128xf32, #tpu.memory_space<vmem>>
      %dma_start3A_963 = arith.constant 3968 : i32
      %dma_start3A_964 = tpu.memref_slice %arg7[%dma_start3A_960, %dma_start3A_963] : memref<2x4992xi32, #tpu.memory_space<vmem>> -> memref<1x128xi32, #tpu.memory_space<vmem>>
      %dma_start3A_965 = tpu.memref_squeeze %dma_start3A_964 : memref<1x128xi32, #tpu.memory_space<vmem>> -> memref<128xi32, #tpu.memory_space<vmem>>
      %dma_start3A_966 = arith.constant 0 : i32
      %dma_start3A_967 = tpu.memref_slice %arg12[%dma_start3A_966] : memref<50176xf32, #tpu.memory_space<vmem_shared>> -> memref<50176xf32, #tpu.memory_space<vmem_shared>>
      tpu.enqueue_indirect_dma source(%dma_start3A_962 : memref<128xf32, #tpu.memory_space<vmem>>) target(%dma_start3A_967 : memref<50176xf32, #tpu.memory_space<vmem_shared>>) offsets(%dma_start3A_965 : memref<128xi32, #tpu.memory_space<vmem>>) semaphore(%arg15 : memref<!tpu.dma_semaphore, #tpu.memory_space<semaphore_mem>>) {add = true}
      %dma_start3A_968 = arith.constant 1 : i32
      %dma_start3A_969 = arith.constant 4096 : i32
      %dma_start3A_970 = tpu.memref_slice %arg8[%dma_start3A_969] : memref<4992xf32, #tpu.memory_space<vmem>> -> memref<128xf32, #tpu.memory_space<vmem>>
      %dma_start3A_971 = arith.constant 4096 : i32
      %dma_start3A_972 = tpu.memref_slice %arg7[%dma_start3A_968, %dma_start3A_971] : memref<2x4992xi32, #tpu.memory_space<vmem>> -> memref<1x128xi32, #tpu.memory_space<vmem>>
      %dma_start3A_973 = tpu.memref_squeeze %dma_start3A_972 : memref<1x128xi32, #tpu.memory_space<vmem>> -> memref<128xi32, #tpu.memory_space<vmem>>
      %dma_start3A_974 = arith.constant 0 : i32
      %dma_start3A_975 = tpu.memref_slice %arg12[%dma_start3A_974] : memref<50176xf32, #tpu.memory_space<vmem_shared>> -> memref<50176xf32, #tpu.memory_space<vmem_shared>>
      tpu.enqueue_indirect_dma source(%dma_start3A_970 : memref<128xf32, #tpu.memory_space<vmem>>) target(%dma_start3A_975 : memref<50176xf32, #tpu.memory_space<vmem_shared>>) offsets(%dma_start3A_973 : memref<128xi32, #tpu.memory_space<vmem>>) semaphore(%arg15 : memref<!tpu.dma_semaphore, #tpu.memory_space<semaphore_mem>>) {add = true}
      %dma_start3A_976 = arith.constant 1 : i32
      %dma_start3A_977 = arith.constant 4224 : i32
      %dma_start3A_978 = tpu.memref_slice %arg8[%dma_start3A_977] : memref<4992xf32, #tpu.memory_space<vmem>> -> memref<128xf32, #tpu.memory_space<vmem>>
      %dma_start3A_979 = arith.constant 4224 : i32
      %dma_start3A_980 = tpu.memref_slice %arg7[%dma_start3A_976, %dma_start3A_979] : memref<2x4992xi32, #tpu.memory_space<vmem>> -> memref<1x128xi32, #tpu.memory_space<vmem>>
      %dma_start3A_981 = tpu.memref_squeeze %dma_start3A_980 : memref<1x128xi32, #tpu.memory_space<vmem>> -> memref<128xi32, #tpu.memory_space<vmem>>
      %dma_start3A_982 = arith.constant 0 : i32
      %dma_start3A_983 = tpu.memref_slice %arg12[%dma_start3A_982] : memref<50176xf32, #tpu.memory_space<vmem_shared>> -> memref<50176xf32, #tpu.memory_space<vmem_shared>>
      tpu.enqueue_indirect_dma source(%dma_start3A_978 : memref<128xf32, #tpu.memory_space<vmem>>) target(%dma_start3A_983 : memref<50176xf32, #tpu.memory_space<vmem_shared>>) offsets(%dma_start3A_981 : memref<128xi32, #tpu.memory_space<vmem>>) semaphore(%arg15 : memref<!tpu.dma_semaphore, #tpu.memory_space<semaphore_mem>>) {add = true}
      %dma_start3A_984 = arith.constant 1 : i32
      %dma_start3A_985 = arith.constant 4352 : i32
      %dma_start3A_986 = tpu.memref_slice %arg8[%dma_start3A_985] : memref<4992xf32, #tpu.memory_space<vmem>> -> memref<128xf32, #tpu.memory_space<vmem>>
      %dma_start3A_987 = arith.constant 4352 : i32
      %dma_start3A_988 = tpu.memref_slice %arg7[%dma_start3A_984, %dma_start3A_987] : memref<2x4992xi32, #tpu.memory_space<vmem>> -> memref<1x128xi32, #tpu.memory_space<vmem>>
      %dma_start3A_989 = tpu.memref_squeeze %dma_start3A_988 : memref<1x128xi32, #tpu.memory_space<vmem>> -> memref<128xi32, #tpu.memory_space<vmem>>
      %dma_start3A_990 = arith.constant 0 : i32
      %dma_start3A_991 = tpu.memref_slice %arg12[%dma_start3A_990] : memref<50176xf32, #tpu.memory_space<vmem_shared>> -> memref<50176xf32, #tpu.memory_space<vmem_shared>>
      tpu.enqueue_indirect_dma source(%dma_start3A_986 : memref<128xf32, #tpu.memory_space<vmem>>) target(%dma_start3A_991 : memref<50176xf32, #tpu.memory_space<vmem_shared>>) offsets(%dma_start3A_989 : memref<128xi32, #tpu.memory_space<vmem>>) semaphore(%arg15 : memref<!tpu.dma_semaphore, #tpu.memory_space<semaphore_mem>>) {add = true}
      %dma_start3A_992 = arith.constant 1 : i32
      %dma_start3A_993 = arith.constant 4480 : i32
      %dma_start3A_994 = tpu.memref_slice %arg8[%dma_start3A_993] : memref<4992xf32, #tpu.memory_space<vmem>> -> memref<128xf32, #tpu.memory_space<vmem>>
      %dma_start3A_995 = arith.constant 4480 : i32
      %dma_start3A_996 = tpu.memref_slice %arg7[%dma_start3A_992, %dma_start3A_995] : memref<2x4992xi32, #tpu.memory_space<vmem>> -> memref<1x128xi32, #tpu.memory_space<vmem>>
      %dma_start3A_997 = tpu.memref_squeeze %dma_start3A_996 : memref<1x128xi32, #tpu.memory_space<vmem>> -> memref<128xi32, #tpu.memory_space<vmem>>
      %dma_start3A_998 = arith.constant 0 : i32
      %dma_start3A_999 = tpu.memref_slice %arg12[%dma_start3A_998] : memref<50176xf32, #tpu.memory_space<vmem_shared>> -> memref<50176xf32, #tpu.memory_space<vmem_shared>>
      tpu.enqueue_indirect_dma source(%dma_start3A_994 : memref<128xf32, #tpu.memory_space<vmem>>) target(%dma_start3A_999 : memref<50176xf32, #tpu.memory_space<vmem_shared>>) offsets(%dma_start3A_997 : memref<128xi32, #tpu.memory_space<vmem>>) semaphore(%arg15 : memref<!tpu.dma_semaphore, #tpu.memory_space<semaphore_mem>>) {add = true}
      %dma_start3A_1000 = arith.constant 1 : i32
      %dma_start3A_1001 = arith.constant 4608 : i32
      %dma_start3A_1002 = tpu.memref_slice %arg8[%dma_start3A_1001] : memref<4992xf32, #tpu.memory_space<vmem>> -> memref<128xf32, #tpu.memory_space<vmem>>
      %dma_start3A_1003 = arith.constant 4608 : i32
      %dma_start3A_1004 = tpu.memref_slice %arg7[%dma_start3A_1000, %dma_start3A_1003] : memref<2x4992xi32, #tpu.memory_space<vmem>> -> memref<1x128xi32, #tpu.memory_space<vmem>>
      %dma_start3A_1005 = tpu.memref_squeeze %dma_start3A_1004 : memref<1x128xi32, #tpu.memory_space<vmem>> -> memref<128xi32, #tpu.memory_space<vmem>>
      %dma_start3A_1006 = arith.constant 0 : i32
      %dma_start3A_1007 = tpu.memref_slice %arg12[%dma_start3A_1006] : memref<50176xf32, #tpu.memory_space<vmem_shared>> -> memref<50176xf32, #tpu.memory_space<vmem_shared>>
      tpu.enqueue_indirect_dma source(%dma_start3A_1002 : memref<128xf32, #tpu.memory_space<vmem>>) target(%dma_start3A_1007 : memref<50176xf32, #tpu.memory_space<vmem_shared>>) offsets(%dma_start3A_1005 : memref<128xi32, #tpu.memory_space<vmem>>) semaphore(%arg15 : memref<!tpu.dma_semaphore, #tpu.memory_space<semaphore_mem>>) {add = true}
      %dma_start3A_1008 = arith.constant 1 : i32
      %dma_start3A_1009 = arith.constant 4736 : i32
      %dma_start3A_1010 = tpu.memref_slice %arg8[%dma_start3A_1009] : memref<4992xf32, #tpu.memory_space<vmem>> -> memref<128xf32, #tpu.memory_space<vmem>>
      %dma_start3A_1011 = arith.constant 4736 : i32
      %dma_start3A_1012 = tpu.memref_slice %arg7[%dma_start3A_1008, %dma_start3A_1011] : memref<2x4992xi32, #tpu.memory_space<vmem>> -> memref<1x128xi32, #tpu.memory_space<vmem>>
      %dma_start3A_1013 = tpu.memref_squeeze %dma_start3A_1012 : memref<1x128xi32, #tpu.memory_space<vmem>> -> memref<128xi32, #tpu.memory_space<vmem>>
      %dma_start3A_1014 = arith.constant 0 : i32
      %dma_start3A_1015 = tpu.memref_slice %arg12[%dma_start3A_1014] : memref<50176xf32, #tpu.memory_space<vmem_shared>> -> memref<50176xf32, #tpu.memory_space<vmem_shared>>
      tpu.enqueue_indirect_dma source(%dma_start3A_1010 : memref<128xf32, #tpu.memory_space<vmem>>) target(%dma_start3A_1015 : memref<50176xf32, #tpu.memory_space<vmem_shared>>) offsets(%dma_start3A_1013 : memref<128xi32, #tpu.memory_space<vmem>>) semaphore(%arg15 : memref<!tpu.dma_semaphore, #tpu.memory_space<semaphore_mem>>) {add = true}
      %dma_start3A_1016 = arith.constant 1 : i32
      %dma_start3A_1017 = arith.constant 4864 : i32
      %dma_start3A_1018 = tpu.memref_slice %arg8[%dma_start3A_1017] : memref<4992xf32, #tpu.memory_space<vmem>> -> memref<128xf32, #tpu.memory_space<vmem>>
      %dma_start3A_1019 = arith.constant 4864 : i32
      %dma_start3A_1020 = tpu.memref_slice %arg7[%dma_start3A_1016, %dma_start3A_1019] : memref<2x4992xi32, #tpu.memory_space<vmem>> -> memref<1x128xi32, #tpu.memory_space<vmem>>
      %dma_start3A_1021 = tpu.memref_squeeze %dma_start3A_1020 : memref<1x128xi32, #tpu.memory_space<vmem>> -> memref<128xi32, #tpu.memory_space<vmem>>
      %dma_start3A_1022 = arith.constant 0 : i32
      %dma_start3A_1023 = tpu.memref_slice %arg12[%dma_start3A_1022] : memref<50176xf32, #tpu.memory_space<vmem_shared>> -> memref<50176xf32, #tpu.memory_space<vmem_shared>>
      tpu.enqueue_indirect_dma source(%dma_start3A_1018 : memref<128xf32, #tpu.memory_space<vmem>>) target(%dma_start3A_1023 : memref<50176xf32, #tpu.memory_space<vmem_shared>>) offsets(%dma_start3A_1021 : memref<128xi32, #tpu.memory_space<vmem>>) semaphore(%arg15 : memref<!tpu.dma_semaphore, #tpu.memory_space<semaphore_mem>>) {add = true}
      %dma_wait3A_1024 = arith.constant 1 : i32
      %dma_wait3A_1025 = arith.constant 0 : i32
      %dma_wait3A_1026 = tpu.memref_slice %arg8[%dma_wait3A_1025] : memref<4992xf32, #tpu.memory_space<vmem>> -> memref<128xf32, #tpu.memory_space<vmem>>
      %dma_wait3A_1027 = arith.constant 0 : i32
      %dma_wait3A_1028 = tpu.memref_slice %arg7[%dma_wait3A_1024, %dma_wait3A_1027] : memref<2x4992xi32, #tpu.memory_space<vmem>> -> memref<1x128xi32, #tpu.memory_space<vmem>>
      %dma_wait3A_1029 = tpu.memref_squeeze %dma_wait3A_1028 : memref<1x128xi32, #tpu.memory_space<vmem>> -> memref<128xi32, #tpu.memory_space<vmem>>
      %dma_wait3A_1030 = arith.constant 0 : i32
      %dma_wait3A_1031 = tpu.memref_slice %arg12[%dma_wait3A_1030] : memref<50176xf32, #tpu.memory_space<vmem_shared>> -> memref<50176xf32, #tpu.memory_space<vmem_shared>>
      tpu.wait_indirect_dma semaphore(%arg15 : memref<!tpu.dma_semaphore, #tpu.memory_space<semaphore_mem>>) src(%dma_wait3A_1026 : memref<128xf32, #tpu.memory_space<vmem>>) dst(%dma_wait3A_1031 : memref<50176xf32, #tpu.memory_space<vmem_shared>>)
      %dma_wait3A_1032 = arith.constant 1 : i32
      %dma_wait3A_1033 = arith.constant 128 : i32
      %dma_wait3A_1034 = tpu.memref_slice %arg8[%dma_wait3A_1033] : memref<4992xf32, #tpu.memory_space<vmem>> -> memref<128xf32, #tpu.memory_space<vmem>>
      %dma_wait3A_1035 = arith.constant 128 : i32
      %dma_wait3A_1036 = tpu.memref_slice %arg7[%dma_wait3A_1032, %dma_wait3A_1035] : memref<2x4992xi32, #tpu.memory_space<vmem>> -> memref<1x128xi32, #tpu.memory_space<vmem>>
      %dma_wait3A_1037 = tpu.memref_squeeze %dma_wait3A_1036 : memref<1x128xi32, #tpu.memory_space<vmem>> -> memref<128xi32, #tpu.memory_space<vmem>>
      %dma_wait3A_1038 = arith.constant 0 : i32
      %dma_wait3A_1039 = tpu.memref_slice %arg12[%dma_wait3A_1038] : memref<50176xf32, #tpu.memory_space<vmem_shared>> -> memref<50176xf32, #tpu.memory_space<vmem_shared>>
      tpu.wait_indirect_dma semaphore(%arg15 : memref<!tpu.dma_semaphore, #tpu.memory_space<semaphore_mem>>) src(%dma_wait3A_1034 : memref<128xf32, #tpu.memory_space<vmem>>) dst(%dma_wait3A_1039 : memref<50176xf32, #tpu.memory_space<vmem_shared>>)
      %dma_wait3A_1040 = arith.constant 1 : i32
      %dma_wait3A_1041 = arith.constant 256 : i32
      %dma_wait3A_1042 = tpu.memref_slice %arg8[%dma_wait3A_1041] : memref<4992xf32, #tpu.memory_space<vmem>> -> memref<128xf32, #tpu.memory_space<vmem>>
      %dma_wait3A_1043 = arith.constant 256 : i32
      %dma_wait3A_1044 = tpu.memref_slice %arg7[%dma_wait3A_1040, %dma_wait3A_1043] : memref<2x4992xi32, #tpu.memory_space<vmem>> -> memref<1x128xi32, #tpu.memory_space<vmem>>
      %dma_wait3A_1045 = tpu.memref_squeeze %dma_wait3A_1044 : memref<1x128xi32, #tpu.memory_space<vmem>> -> memref<128xi32, #tpu.memory_space<vmem>>
      %dma_wait3A_1046 = arith.constant 0 : i32
      %dma_wait3A_1047 = tpu.memref_slice %arg12[%dma_wait3A_1046] : memref<50176xf32, #tpu.memory_space<vmem_shared>> -> memref<50176xf32, #tpu.memory_space<vmem_shared>>
      tpu.wait_indirect_dma semaphore(%arg15 : memref<!tpu.dma_semaphore, #tpu.memory_space<semaphore_mem>>) src(%dma_wait3A_1042 : memref<128xf32, #tpu.memory_space<vmem>>) dst(%dma_wait3A_1047 : memref<50176xf32, #tpu.memory_space<vmem_shared>>)
      %dma_wait3A_1048 = arith.constant 1 : i32
      %dma_wait3A_1049 = arith.constant 384 : i32
      %dma_wait3A_1050 = tpu.memref_slice %arg8[%dma_wait3A_1049] : memref<4992xf32, #tpu.memory_space<vmem>> -> memref<128xf32, #tpu.memory_space<vmem>>
      %dma_wait3A_1051 = arith.constant 384 : i32
      %dma_wait3A_1052 = tpu.memref_slice %arg7[%dma_wait3A_1048, %dma_wait3A_1051] : memref<2x4992xi32, #tpu.memory_space<vmem>> -> memref<1x128xi32, #tpu.memory_space<vmem>>
      %dma_wait3A_1053 = tpu.memref_squeeze %dma_wait3A_1052 : memref<1x128xi32, #tpu.memory_space<vmem>> -> memref<128xi32, #tpu.memory_space<vmem>>
      %dma_wait3A_1054 = arith.constant 0 : i32
      %dma_wait3A_1055 = tpu.memref_slice %arg12[%dma_wait3A_1054] : memref<50176xf32, #tpu.memory_space<vmem_shared>> -> memref<50176xf32, #tpu.memory_space<vmem_shared>>
      tpu.wait_indirect_dma semaphore(%arg15 : memref<!tpu.dma_semaphore, #tpu.memory_space<semaphore_mem>>) src(%dma_wait3A_1050 : memref<128xf32, #tpu.memory_space<vmem>>) dst(%dma_wait3A_1055 : memref<50176xf32, #tpu.memory_space<vmem_shared>>)
      %dma_wait3A_1056 = arith.constant 1 : i32
      %dma_wait3A_1057 = arith.constant 512 : i32
      %dma_wait3A_1058 = tpu.memref_slice %arg8[%dma_wait3A_1057] : memref<4992xf32, #tpu.memory_space<vmem>> -> memref<128xf32, #tpu.memory_space<vmem>>
      %dma_wait3A_1059 = arith.constant 512 : i32
      %dma_wait3A_1060 = tpu.memref_slice %arg7[%dma_wait3A_1056, %dma_wait3A_1059] : memref<2x4992xi32, #tpu.memory_space<vmem>> -> memref<1x128xi32, #tpu.memory_space<vmem>>
      %dma_wait3A_1061 = tpu.memref_squeeze %dma_wait3A_1060 : memref<1x128xi32, #tpu.memory_space<vmem>> -> memref<128xi32, #tpu.memory_space<vmem>>
      %dma_wait3A_1062 = arith.constant 0 : i32
      %dma_wait3A_1063 = tpu.memref_slice %arg12[%dma_wait3A_1062] : memref<50176xf32, #tpu.memory_space<vmem_shared>> -> memref<50176xf32, #tpu.memory_space<vmem_shared>>
      tpu.wait_indirect_dma semaphore(%arg15 : memref<!tpu.dma_semaphore, #tpu.memory_space<semaphore_mem>>) src(%dma_wait3A_1058 : memref<128xf32, #tpu.memory_space<vmem>>) dst(%dma_wait3A_1063 : memref<50176xf32, #tpu.memory_space<vmem_shared>>)
      %dma_wait3A_1064 = arith.constant 1 : i32
      %dma_wait3A_1065 = arith.constant 640 : i32
      %dma_wait3A_1066 = tpu.memref_slice %arg8[%dma_wait3A_1065] : memref<4992xf32, #tpu.memory_space<vmem>> -> memref<128xf32, #tpu.memory_space<vmem>>
      %dma_wait3A_1067 = arith.constant 640 : i32
      %dma_wait3A_1068 = tpu.memref_slice %arg7[%dma_wait3A_1064, %dma_wait3A_1067] : memref<2x4992xi32, #tpu.memory_space<vmem>> -> memref<1x128xi32, #tpu.memory_space<vmem>>
      %dma_wait3A_1069 = tpu.memref_squeeze %dma_wait3A_1068 : memref<1x128xi32, #tpu.memory_space<vmem>> -> memref<128xi32, #tpu.memory_space<vmem>>
      %dma_wait3A_1070 = arith.constant 0 : i32
      %dma_wait3A_1071 = tpu.memref_slice %arg12[%dma_wait3A_1070] : memref<50176xf32, #tpu.memory_space<vmem_shared>> -> memref<50176xf32, #tpu.memory_space<vmem_shared>>
      tpu.wait_indirect_dma semaphore(%arg15 : memref<!tpu.dma_semaphore, #tpu.memory_space<semaphore_mem>>) src(%dma_wait3A_1066 : memref<128xf32, #tpu.memory_space<vmem>>) dst(%dma_wait3A_1071 : memref<50176xf32, #tpu.memory_space<vmem_shared>>)
      %dma_wait3A_1072 = arith.constant 1 : i32
      %dma_wait3A_1073 = arith.constant 768 : i32
      %dma_wait3A_1074 = tpu.memref_slice %arg8[%dma_wait3A_1073] : memref<4992xf32, #tpu.memory_space<vmem>> -> memref<128xf32, #tpu.memory_space<vmem>>
      %dma_wait3A_1075 = arith.constant 768 : i32
      %dma_wait3A_1076 = tpu.memref_slice %arg7[%dma_wait3A_1072, %dma_wait3A_1075] : memref<2x4992xi32, #tpu.memory_space<vmem>> -> memref<1x128xi32, #tpu.memory_space<vmem>>
      %dma_wait3A_1077 = tpu.memref_squeeze %dma_wait3A_1076 : memref<1x128xi32, #tpu.memory_space<vmem>> -> memref<128xi32, #tpu.memory_space<vmem>>
      %dma_wait3A_1078 = arith.constant 0 : i32
      %dma_wait3A_1079 = tpu.memref_slice %arg12[%dma_wait3A_1078] : memref<50176xf32, #tpu.memory_space<vmem_shared>> -> memref<50176xf32, #tpu.memory_space<vmem_shared>>
      tpu.wait_indirect_dma semaphore(%arg15 : memref<!tpu.dma_semaphore, #tpu.memory_space<semaphore_mem>>) src(%dma_wait3A_1074 : memref<128xf32, #tpu.memory_space<vmem>>) dst(%dma_wait3A_1079 : memref<50176xf32, #tpu.memory_space<vmem_shared>>)
      %dma_wait3A_1080 = arith.constant 1 : i32
      %dma_wait3A_1081 = arith.constant 896 : i32
      %dma_wait3A_1082 = tpu.memref_slice %arg8[%dma_wait3A_1081] : memref<4992xf32, #tpu.memory_space<vmem>> -> memref<128xf32, #tpu.memory_space<vmem>>
      %dma_wait3A_1083 = arith.constant 896 : i32
      %dma_wait3A_1084 = tpu.memref_slice %arg7[%dma_wait3A_1080, %dma_wait3A_1083] : memref<2x4992xi32, #tpu.memory_space<vmem>> -> memref<1x128xi32, #tpu.memory_space<vmem>>
      %dma_wait3A_1085 = tpu.memref_squeeze %dma_wait3A_1084 : memref<1x128xi32, #tpu.memory_space<vmem>> -> memref<128xi32, #tpu.memory_space<vmem>>
      %dma_wait3A_1086 = arith.constant 0 : i32
      %dma_wait3A_1087 = tpu.memref_slice %arg12[%dma_wait3A_1086] : memref<50176xf32, #tpu.memory_space<vmem_shared>> -> memref<50176xf32, #tpu.memory_space<vmem_shared>>
      tpu.wait_indirect_dma semaphore(%arg15 : memref<!tpu.dma_semaphore, #tpu.memory_space<semaphore_mem>>) src(%dma_wait3A_1082 : memref<128xf32, #tpu.memory_space<vmem>>) dst(%dma_wait3A_1087 : memref<50176xf32, #tpu.memory_space<vmem_shared>>)
      %dma_wait3A_1088 = arith.constant 1 : i32
      %dma_wait3A_1089 = arith.constant 1024 : i32
      %dma_wait3A_1090 = tpu.memref_slice %arg8[%dma_wait3A_1089] : memref<4992xf32, #tpu.memory_space<vmem>> -> memref<128xf32, #tpu.memory_space<vmem>>
      %dma_wait3A_1091 = arith.constant 1024 : i32
      %dma_wait3A_1092 = tpu.memref_slice %arg7[%dma_wait3A_1088, %dma_wait3A_1091] : memref<2x4992xi32, #tpu.memory_space<vmem>> -> memref<1x128xi32, #tpu.memory_space<vmem>>
      %dma_wait3A_1093 = tpu.memref_squeeze %dma_wait3A_1092 : memref<1x128xi32, #tpu.memory_space<vmem>> -> memref<128xi32, #tpu.memory_space<vmem>>
      %dma_wait3A_1094 = arith.constant 0 : i32
      %dma_wait3A_1095 = tpu.memref_slice %arg12[%dma_wait3A_1094] : memref<50176xf32, #tpu.memory_space<vmem_shared>> -> memref<50176xf32, #tpu.memory_space<vmem_shared>>
      tpu.wait_indirect_dma semaphore(%arg15 : memref<!tpu.dma_semaphore, #tpu.memory_space<semaphore_mem>>) src(%dma_wait3A_1090 : memref<128xf32, #tpu.memory_space<vmem>>) dst(%dma_wait3A_1095 : memref<50176xf32, #tpu.memory_space<vmem_shared>>)
      %dma_wait3A_1096 = arith.constant 1 : i32
      %dma_wait3A_1097 = arith.constant 1152 : i32
      %dma_wait3A_1098 = tpu.memref_slice %arg8[%dma_wait3A_1097] : memref<4992xf32, #tpu.memory_space<vmem>> -> memref<128xf32, #tpu.memory_space<vmem>>
      %dma_wait3A_1099 = arith.constant 1152 : i32
      %dma_wait3A_1100 = tpu.memref_slice %arg7[%dma_wait3A_1096, %dma_wait3A_1099] : memref<2x4992xi32, #tpu.memory_space<vmem>> -> memref<1x128xi32, #tpu.memory_space<vmem>>
      %dma_wait3A_1101 = tpu.memref_squeeze %dma_wait3A_1100 : memref<1x128xi32, #tpu.memory_space<vmem>> -> memref<128xi32, #tpu.memory_space<vmem>>
      %dma_wait3A_1102 = arith.constant 0 : i32
      %dma_wait3A_1103 = tpu.memref_slice %arg12[%dma_wait3A_1102] : memref<50176xf32, #tpu.memory_space<vmem_shared>> -> memref<50176xf32, #tpu.memory_space<vmem_shared>>
      tpu.wait_indirect_dma semaphore(%arg15 : memref<!tpu.dma_semaphore, #tpu.memory_space<semaphore_mem>>) src(%dma_wait3A_1098 : memref<128xf32, #tpu.memory_space<vmem>>) dst(%dma_wait3A_1103 : memref<50176xf32, #tpu.memory_space<vmem_shared>>)
      %dma_wait3A_1104 = arith.constant 1 : i32
      %dma_wait3A_1105 = arith.constant 1280 : i32
      %dma_wait3A_1106 = tpu.memref_slice %arg8[%dma_wait3A_1105] : memref<4992xf32, #tpu.memory_space<vmem>> -> memref<128xf32, #tpu.memory_space<vmem>>
      %dma_wait3A_1107 = arith.constant 1280 : i32
      %dma_wait3A_1108 = tpu.memref_slice %arg7[%dma_wait3A_1104, %dma_wait3A_1107] : memref<2x4992xi32, #tpu.memory_space<vmem>> -> memref<1x128xi32, #tpu.memory_space<vmem>>
      %dma_wait3A_1109 = tpu.memref_squeeze %dma_wait3A_1108 : memref<1x128xi32, #tpu.memory_space<vmem>> -> memref<128xi32, #tpu.memory_space<vmem>>
      %dma_wait3A_1110 = arith.constant 0 : i32
      %dma_wait3A_1111 = tpu.memref_slice %arg12[%dma_wait3A_1110] : memref<50176xf32, #tpu.memory_space<vmem_shared>> -> memref<50176xf32, #tpu.memory_space<vmem_shared>>
      tpu.wait_indirect_dma semaphore(%arg15 : memref<!tpu.dma_semaphore, #tpu.memory_space<semaphore_mem>>) src(%dma_wait3A_1106 : memref<128xf32, #tpu.memory_space<vmem>>) dst(%dma_wait3A_1111 : memref<50176xf32, #tpu.memory_space<vmem_shared>>)
      %dma_wait3A_1112 = arith.constant 1 : i32
      %dma_wait3A_1113 = arith.constant 1408 : i32
      %dma_wait3A_1114 = tpu.memref_slice %arg8[%dma_wait3A_1113] : memref<4992xf32, #tpu.memory_space<vmem>> -> memref<128xf32, #tpu.memory_space<vmem>>
      %dma_wait3A_1115 = arith.constant 1408 : i32
      %dma_wait3A_1116 = tpu.memref_slice %arg7[%dma_wait3A_1112, %dma_wait3A_1115] : memref<2x4992xi32, #tpu.memory_space<vmem>> -> memref<1x128xi32, #tpu.memory_space<vmem>>
      %dma_wait3A_1117 = tpu.memref_squeeze %dma_wait3A_1116 : memref<1x128xi32, #tpu.memory_space<vmem>> -> memref<128xi32, #tpu.memory_space<vmem>>
      %dma_wait3A_1118 = arith.constant 0 : i32
      %dma_wait3A_1119 = tpu.memref_slice %arg12[%dma_wait3A_1118] : memref<50176xf32, #tpu.memory_space<vmem_shared>> -> memref<50176xf32, #tpu.memory_space<vmem_shared>>
      tpu.wait_indirect_dma semaphore(%arg15 : memref<!tpu.dma_semaphore, #tpu.memory_space<semaphore_mem>>) src(%dma_wait3A_1114 : memref<128xf32, #tpu.memory_space<vmem>>) dst(%dma_wait3A_1119 : memref<50176xf32, #tpu.memory_space<vmem_shared>>)
      %dma_wait3A_1120 = arith.constant 1 : i32
      %dma_wait3A_1121 = arith.constant 1536 : i32
      %dma_wait3A_1122 = tpu.memref_slice %arg8[%dma_wait3A_1121] : memref<4992xf32, #tpu.memory_space<vmem>> -> memref<128xf32, #tpu.memory_space<vmem>>
      %dma_wait3A_1123 = arith.constant 1536 : i32
      %dma_wait3A_1124 = tpu.memref_slice %arg7[%dma_wait3A_1120, %dma_wait3A_1123] : memref<2x4992xi32, #tpu.memory_space<vmem>> -> memref<1x128xi32, #tpu.memory_space<vmem>>
      %dma_wait3A_1125 = tpu.memref_squeeze %dma_wait3A_1124 : memref<1x128xi32, #tpu.memory_space<vmem>> -> memref<128xi32, #tpu.memory_space<vmem>>
      %dma_wait3A_1126 = arith.constant 0 : i32
      %dma_wait3A_1127 = tpu.memref_slice %arg12[%dma_wait3A_1126] : memref<50176xf32, #tpu.memory_space<vmem_shared>> -> memref<50176xf32, #tpu.memory_space<vmem_shared>>
      tpu.wait_indirect_dma semaphore(%arg15 : memref<!tpu.dma_semaphore, #tpu.memory_space<semaphore_mem>>) src(%dma_wait3A_1122 : memref<128xf32, #tpu.memory_space<vmem>>) dst(%dma_wait3A_1127 : memref<50176xf32, #tpu.memory_space<vmem_shared>>)
      %dma_wait3A_1128 = arith.constant 1 : i32
      %dma_wait3A_1129 = arith.constant 1664 : i32
      %dma_wait3A_1130 = tpu.memref_slice %arg8[%dma_wait3A_1129] : memref<4992xf32, #tpu.memory_space<vmem>> -> memref<128xf32, #tpu.memory_space<vmem>>
      %dma_wait3A_1131 = arith.constant 1664 : i32
      %dma_wait3A_1132 = tpu.memref_slice %arg7[%dma_wait3A_1128, %dma_wait3A_1131] : memref<2x4992xi32, #tpu.memory_space<vmem>> -> memref<1x128xi32, #tpu.memory_space<vmem>>
      %dma_wait3A_1133 = tpu.memref_squeeze %dma_wait3A_1132 : memref<1x128xi32, #tpu.memory_space<vmem>> -> memref<128xi32, #tpu.memory_space<vmem>>
      %dma_wait3A_1134 = arith.constant 0 : i32
      %dma_wait3A_1135 = tpu.memref_slice %arg12[%dma_wait3A_1134] : memref<50176xf32, #tpu.memory_space<vmem_shared>> -> memref<50176xf32, #tpu.memory_space<vmem_shared>>
      tpu.wait_indirect_dma semaphore(%arg15 : memref<!tpu.dma_semaphore, #tpu.memory_space<semaphore_mem>>) src(%dma_wait3A_1130 : memref<128xf32, #tpu.memory_space<vmem>>) dst(%dma_wait3A_1135 : memref<50176xf32, #tpu.memory_space<vmem_shared>>)
      %dma_wait3A_1136 = arith.constant 1 : i32
      %dma_wait3A_1137 = arith.constant 1792 : i32
      %dma_wait3A_1138 = tpu.memref_slice %arg8[%dma_wait3A_1137] : memref<4992xf32, #tpu.memory_space<vmem>> -> memref<128xf32, #tpu.memory_space<vmem>>
      %dma_wait3A_1139 = arith.constant 1792 : i32
      %dma_wait3A_1140 = tpu.memref_slice %arg7[%dma_wait3A_1136, %dma_wait3A_1139] : memref<2x4992xi32, #tpu.memory_space<vmem>> -> memref<1x128xi32, #tpu.memory_space<vmem>>
      %dma_wait3A_1141 = tpu.memref_squeeze %dma_wait3A_1140 : memref<1x128xi32, #tpu.memory_space<vmem>> -> memref<128xi32, #tpu.memory_space<vmem>>
      %dma_wait3A_1142 = arith.constant 0 : i32
      %dma_wait3A_1143 = tpu.memref_slice %arg12[%dma_wait3A_1142] : memref<50176xf32, #tpu.memory_space<vmem_shared>> -> memref<50176xf32, #tpu.memory_space<vmem_shared>>
      tpu.wait_indirect_dma semaphore(%arg15 : memref<!tpu.dma_semaphore, #tpu.memory_space<semaphore_mem>>) src(%dma_wait3A_1138 : memref<128xf32, #tpu.memory_space<vmem>>) dst(%dma_wait3A_1143 : memref<50176xf32, #tpu.memory_space<vmem_shared>>)
      %dma_wait3A_1144 = arith.constant 1 : i32
      %dma_wait3A_1145 = arith.constant 1920 : i32
      %dma_wait3A_1146 = tpu.memref_slice %arg8[%dma_wait3A_1145] : memref<4992xf32, #tpu.memory_space<vmem>> -> memref<128xf32, #tpu.memory_space<vmem>>
      %dma_wait3A_1147 = arith.constant 1920 : i32
      %dma_wait3A_1148 = tpu.memref_slice %arg7[%dma_wait3A_1144, %dma_wait3A_1147] : memref<2x4992xi32, #tpu.memory_space<vmem>> -> memref<1x128xi32, #tpu.memory_space<vmem>>
      %dma_wait3A_1149 = tpu.memref_squeeze %dma_wait3A_1148 : memref<1x128xi32, #tpu.memory_space<vmem>> -> memref<128xi32, #tpu.memory_space<vmem>>
      %dma_wait3A_1150 = arith.constant 0 : i32
      %dma_wait3A_1151 = tpu.memref_slice %arg12[%dma_wait3A_1150] : memref<50176xf32, #tpu.memory_space<vmem_shared>> -> memref<50176xf32, #tpu.memory_space<vmem_shared>>
      tpu.wait_indirect_dma semaphore(%arg15 : memref<!tpu.dma_semaphore, #tpu.memory_space<semaphore_mem>>) src(%dma_wait3A_1146 : memref<128xf32, #tpu.memory_space<vmem>>) dst(%dma_wait3A_1151 : memref<50176xf32, #tpu.memory_space<vmem_shared>>)
      %dma_wait3A_1152 = arith.constant 1 : i32
      %dma_wait3A_1153 = arith.constant 2048 : i32
      %dma_wait3A_1154 = tpu.memref_slice %arg8[%dma_wait3A_1153] : memref<4992xf32, #tpu.memory_space<vmem>> -> memref<128xf32, #tpu.memory_space<vmem>>
      %dma_wait3A_1155 = arith.constant 2048 : i32
      %dma_wait3A_1156 = tpu.memref_slice %arg7[%dma_wait3A_1152, %dma_wait3A_1155] : memref<2x4992xi32, #tpu.memory_space<vmem>> -> memref<1x128xi32, #tpu.memory_space<vmem>>
      %dma_wait3A_1157 = tpu.memref_squeeze %dma_wait3A_1156 : memref<1x128xi32, #tpu.memory_space<vmem>> -> memref<128xi32, #tpu.memory_space<vmem>>
      %dma_wait3A_1158 = arith.constant 0 : i32
      %dma_wait3A_1159 = tpu.memref_slice %arg12[%dma_wait3A_1158] : memref<50176xf32, #tpu.memory_space<vmem_shared>> -> memref<50176xf32, #tpu.memory_space<vmem_shared>>
      tpu.wait_indirect_dma semaphore(%arg15 : memref<!tpu.dma_semaphore, #tpu.memory_space<semaphore_mem>>) src(%dma_wait3A_1154 : memref<128xf32, #tpu.memory_space<vmem>>) dst(%dma_wait3A_1159 : memref<50176xf32, #tpu.memory_space<vmem_shared>>)
      %dma_wait3A_1160 = arith.constant 1 : i32
      %dma_wait3A_1161 = arith.constant 2176 : i32
      %dma_wait3A_1162 = tpu.memref_slice %arg8[%dma_wait3A_1161] : memref<4992xf32, #tpu.memory_space<vmem>> -> memref<128xf32, #tpu.memory_space<vmem>>
      %dma_wait3A_1163 = arith.constant 2176 : i32
      %dma_wait3A_1164 = tpu.memref_slice %arg7[%dma_wait3A_1160, %dma_wait3A_1163] : memref<2x4992xi32, #tpu.memory_space<vmem>> -> memref<1x128xi32, #tpu.memory_space<vmem>>
      %dma_wait3A_1165 = tpu.memref_squeeze %dma_wait3A_1164 : memref<1x128xi32, #tpu.memory_space<vmem>> -> memref<128xi32, #tpu.memory_space<vmem>>
      %dma_wait3A_1166 = arith.constant 0 : i32
      %dma_wait3A_1167 = tpu.memref_slice %arg12[%dma_wait3A_1166] : memref<50176xf32, #tpu.memory_space<vmem_shared>> -> memref<50176xf32, #tpu.memory_space<vmem_shared>>
      tpu.wait_indirect_dma semaphore(%arg15 : memref<!tpu.dma_semaphore, #tpu.memory_space<semaphore_mem>>) src(%dma_wait3A_1162 : memref<128xf32, #tpu.memory_space<vmem>>) dst(%dma_wait3A_1167 : memref<50176xf32, #tpu.memory_space<vmem_shared>>)
      %dma_wait3A_1168 = arith.constant 1 : i32
      %dma_wait3A_1169 = arith.constant 2304 : i32
      %dma_wait3A_1170 = tpu.memref_slice %arg8[%dma_wait3A_1169] : memref<4992xf32, #tpu.memory_space<vmem>> -> memref<128xf32, #tpu.memory_space<vmem>>
      %dma_wait3A_1171 = arith.constant 2304 : i32
      %dma_wait3A_1172 = tpu.memref_slice %arg7[%dma_wait3A_1168, %dma_wait3A_1171] : memref<2x4992xi32, #tpu.memory_space<vmem>> -> memref<1x128xi32, #tpu.memory_space<vmem>>
      %dma_wait3A_1173 = tpu.memref_squeeze %dma_wait3A_1172 : memref<1x128xi32, #tpu.memory_space<vmem>> -> memref<128xi32, #tpu.memory_space<vmem>>
      %dma_wait3A_1174 = arith.constant 0 : i32
      %dma_wait3A_1175 = tpu.memref_slice %arg12[%dma_wait3A_1174] : memref<50176xf32, #tpu.memory_space<vmem_shared>> -> memref<50176xf32, #tpu.memory_space<vmem_shared>>
      tpu.wait_indirect_dma semaphore(%arg15 : memref<!tpu.dma_semaphore, #tpu.memory_space<semaphore_mem>>) src(%dma_wait3A_1170 : memref<128xf32, #tpu.memory_space<vmem>>) dst(%dma_wait3A_1175 : memref<50176xf32, #tpu.memory_space<vmem_shared>>)
      %dma_wait3A_1176 = arith.constant 1 : i32
      %dma_wait3A_1177 = arith.constant 2432 : i32
      %dma_wait3A_1178 = tpu.memref_slice %arg8[%dma_wait3A_1177] : memref<4992xf32, #tpu.memory_space<vmem>> -> memref<128xf32, #tpu.memory_space<vmem>>
      %dma_wait3A_1179 = arith.constant 2432 : i32
      %dma_wait3A_1180 = tpu.memref_slice %arg7[%dma_wait3A_1176, %dma_wait3A_1179] : memref<2x4992xi32, #tpu.memory_space<vmem>> -> memref<1x128xi32, #tpu.memory_space<vmem>>
      %dma_wait3A_1181 = tpu.memref_squeeze %dma_wait3A_1180 : memref<1x128xi32, #tpu.memory_space<vmem>> -> memref<128xi32, #tpu.memory_space<vmem>>
      %dma_wait3A_1182 = arith.constant 0 : i32
      %dma_wait3A_1183 = tpu.memref_slice %arg12[%dma_wait3A_1182] : memref<50176xf32, #tpu.memory_space<vmem_shared>> -> memref<50176xf32, #tpu.memory_space<vmem_shared>>
      tpu.wait_indirect_dma semaphore(%arg15 : memref<!tpu.dma_semaphore, #tpu.memory_space<semaphore_mem>>) src(%dma_wait3A_1178 : memref<128xf32, #tpu.memory_space<vmem>>) dst(%dma_wait3A_1183 : memref<50176xf32, #tpu.memory_space<vmem_shared>>)
      %dma_wait3A_1184 = arith.constant 1 : i32
      %dma_wait3A_1185 = arith.constant 2560 : i32
      %dma_wait3A_1186 = tpu.memref_slice %arg8[%dma_wait3A_1185] : memref<4992xf32, #tpu.memory_space<vmem>> -> memref<128xf32, #tpu.memory_space<vmem>>
      %dma_wait3A_1187 = arith.constant 2560 : i32
      %dma_wait3A_1188 = tpu.memref_slice %arg7[%dma_wait3A_1184, %dma_wait3A_1187] : memref<2x4992xi32, #tpu.memory_space<vmem>> -> memref<1x128xi32, #tpu.memory_space<vmem>>
      %dma_wait3A_1189 = tpu.memref_squeeze %dma_wait3A_1188 : memref<1x128xi32, #tpu.memory_space<vmem>> -> memref<128xi32, #tpu.memory_space<vmem>>
      %dma_wait3A_1190 = arith.constant 0 : i32
      %dma_wait3A_1191 = tpu.memref_slice %arg12[%dma_wait3A_1190] : memref<50176xf32, #tpu.memory_space<vmem_shared>> -> memref<50176xf32, #tpu.memory_space<vmem_shared>>
      tpu.wait_indirect_dma semaphore(%arg15 : memref<!tpu.dma_semaphore, #tpu.memory_space<semaphore_mem>>) src(%dma_wait3A_1186 : memref<128xf32, #tpu.memory_space<vmem>>) dst(%dma_wait3A_1191 : memref<50176xf32, #tpu.memory_space<vmem_shared>>)
      %dma_wait3A_1192 = arith.constant 1 : i32
      %dma_wait3A_1193 = arith.constant 2688 : i32
      %dma_wait3A_1194 = tpu.memref_slice %arg8[%dma_wait3A_1193] : memref<4992xf32, #tpu.memory_space<vmem>> -> memref<128xf32, #tpu.memory_space<vmem>>
      %dma_wait3A_1195 = arith.constant 2688 : i32
      %dma_wait3A_1196 = tpu.memref_slice %arg7[%dma_wait3A_1192, %dma_wait3A_1195] : memref<2x4992xi32, #tpu.memory_space<vmem>> -> memref<1x128xi32, #tpu.memory_space<vmem>>
      %dma_wait3A_1197 = tpu.memref_squeeze %dma_wait3A_1196 : memref<1x128xi32, #tpu.memory_space<vmem>> -> memref<128xi32, #tpu.memory_space<vmem>>
      %dma_wait3A_1198 = arith.constant 0 : i32
      %dma_wait3A_1199 = tpu.memref_slice %arg12[%dma_wait3A_1198] : memref<50176xf32, #tpu.memory_space<vmem_shared>> -> memref<50176xf32, #tpu.memory_space<vmem_shared>>
      tpu.wait_indirect_dma semaphore(%arg15 : memref<!tpu.dma_semaphore, #tpu.memory_space<semaphore_mem>>) src(%dma_wait3A_1194 : memref<128xf32, #tpu.memory_space<vmem>>) dst(%dma_wait3A_1199 : memref<50176xf32, #tpu.memory_space<vmem_shared>>)
      %dma_wait3A_1200 = arith.constant 1 : i32
      %dma_wait3A_1201 = arith.constant 2816 : i32
      %dma_wait3A_1202 = tpu.memref_slice %arg8[%dma_wait3A_1201] : memref<4992xf32, #tpu.memory_space<vmem>> -> memref<128xf32, #tpu.memory_space<vmem>>
      %dma_wait3A_1203 = arith.constant 2816 : i32
      %dma_wait3A_1204 = tpu.memref_slice %arg7[%dma_wait3A_1200, %dma_wait3A_1203] : memref<2x4992xi32, #tpu.memory_space<vmem>> -> memref<1x128xi32, #tpu.memory_space<vmem>>
      %dma_wait3A_1205 = tpu.memref_squeeze %dma_wait3A_1204 : memref<1x128xi32, #tpu.memory_space<vmem>> -> memref<128xi32, #tpu.memory_space<vmem>>
      %dma_wait3A_1206 = arith.constant 0 : i32
      %dma_wait3A_1207 = tpu.memref_slice %arg12[%dma_wait3A_1206] : memref<50176xf32, #tpu.memory_space<vmem_shared>> -> memref<50176xf32, #tpu.memory_space<vmem_shared>>
      tpu.wait_indirect_dma semaphore(%arg15 : memref<!tpu.dma_semaphore, #tpu.memory_space<semaphore_mem>>) src(%dma_wait3A_1202 : memref<128xf32, #tpu.memory_space<vmem>>) dst(%dma_wait3A_1207 : memref<50176xf32, #tpu.memory_space<vmem_shared>>)
      %dma_wait3A_1208 = arith.constant 1 : i32
      %dma_wait3A_1209 = arith.constant 2944 : i32
      %dma_wait3A_1210 = tpu.memref_slice %arg8[%dma_wait3A_1209] : memref<4992xf32, #tpu.memory_space<vmem>> -> memref<128xf32, #tpu.memory_space<vmem>>
      %dma_wait3A_1211 = arith.constant 2944 : i32
      %dma_wait3A_1212 = tpu.memref_slice %arg7[%dma_wait3A_1208, %dma_wait3A_1211] : memref<2x4992xi32, #tpu.memory_space<vmem>> -> memref<1x128xi32, #tpu.memory_space<vmem>>
      %dma_wait3A_1213 = tpu.memref_squeeze %dma_wait3A_1212 : memref<1x128xi32, #tpu.memory_space<vmem>> -> memref<128xi32, #tpu.memory_space<vmem>>
      %dma_wait3A_1214 = arith.constant 0 : i32
      %dma_wait3A_1215 = tpu.memref_slice %arg12[%dma_wait3A_1214] : memref<50176xf32, #tpu.memory_space<vmem_shared>> -> memref<50176xf32, #tpu.memory_space<vmem_shared>>
      tpu.wait_indirect_dma semaphore(%arg15 : memref<!tpu.dma_semaphore, #tpu.memory_space<semaphore_mem>>) src(%dma_wait3A_1210 : memref<128xf32, #tpu.memory_space<vmem>>) dst(%dma_wait3A_1215 : memref<50176xf32, #tpu.memory_space<vmem_shared>>)
      %dma_wait3A_1216 = arith.constant 1 : i32
      %dma_wait3A_1217 = arith.constant 3072 : i32
      %dma_wait3A_1218 = tpu.memref_slice %arg8[%dma_wait3A_1217] : memref<4992xf32, #tpu.memory_space<vmem>> -> memref<128xf32, #tpu.memory_space<vmem>>
      %dma_wait3A_1219 = arith.constant 3072 : i32
      %dma_wait3A_1220 = tpu.memref_slice %arg7[%dma_wait3A_1216, %dma_wait3A_1219] : memref<2x4992xi32, #tpu.memory_space<vmem>> -> memref<1x128xi32, #tpu.memory_space<vmem>>
      %dma_wait3A_1221 = tpu.memref_squeeze %dma_wait3A_1220 : memref<1x128xi32, #tpu.memory_space<vmem>> -> memref<128xi32, #tpu.memory_space<vmem>>
      %dma_wait3A_1222 = arith.constant 0 : i32
      %dma_wait3A_1223 = tpu.memref_slice %arg12[%dma_wait3A_1222] : memref<50176xf32, #tpu.memory_space<vmem_shared>> -> memref<50176xf32, #tpu.memory_space<vmem_shared>>
      tpu.wait_indirect_dma semaphore(%arg15 : memref<!tpu.dma_semaphore, #tpu.memory_space<semaphore_mem>>) src(%dma_wait3A_1218 : memref<128xf32, #tpu.memory_space<vmem>>) dst(%dma_wait3A_1223 : memref<50176xf32, #tpu.memory_space<vmem_shared>>)
      %dma_wait3A_1224 = arith.constant 1 : i32
      %dma_wait3A_1225 = arith.constant 3200 : i32
      %dma_wait3A_1226 = tpu.memref_slice %arg8[%dma_wait3A_1225] : memref<4992xf32, #tpu.memory_space<vmem>> -> memref<128xf32, #tpu.memory_space<vmem>>
      %dma_wait3A_1227 = arith.constant 3200 : i32
      %dma_wait3A_1228 = tpu.memref_slice %arg7[%dma_wait3A_1224, %dma_wait3A_1227] : memref<2x4992xi32, #tpu.memory_space<vmem>> -> memref<1x128xi32, #tpu.memory_space<vmem>>
      %dma_wait3A_1229 = tpu.memref_squeeze %dma_wait3A_1228 : memref<1x128xi32, #tpu.memory_space<vmem>> -> memref<128xi32, #tpu.memory_space<vmem>>
      %dma_wait3A_1230 = arith.constant 0 : i32
      %dma_wait3A_1231 = tpu.memref_slice %arg12[%dma_wait3A_1230] : memref<50176xf32, #tpu.memory_space<vmem_shared>> -> memref<50176xf32, #tpu.memory_space<vmem_shared>>
      tpu.wait_indirect_dma semaphore(%arg15 : memref<!tpu.dma_semaphore, #tpu.memory_space<semaphore_mem>>) src(%dma_wait3A_1226 : memref<128xf32, #tpu.memory_space<vmem>>) dst(%dma_wait3A_1231 : memref<50176xf32, #tpu.memory_space<vmem_shared>>)
      %dma_wait3A_1232 = arith.constant 1 : i32
      %dma_wait3A_1233 = arith.constant 3328 : i32
      %dma_wait3A_1234 = tpu.memref_slice %arg8[%dma_wait3A_1233] : memref<4992xf32, #tpu.memory_space<vmem>> -> memref<128xf32, #tpu.memory_space<vmem>>
      %dma_wait3A_1235 = arith.constant 3328 : i32
      %dma_wait3A_1236 = tpu.memref_slice %arg7[%dma_wait3A_1232, %dma_wait3A_1235] : memref<2x4992xi32, #tpu.memory_space<vmem>> -> memref<1x128xi32, #tpu.memory_space<vmem>>
      %dma_wait3A_1237 = tpu.memref_squeeze %dma_wait3A_1236 : memref<1x128xi32, #tpu.memory_space<vmem>> -> memref<128xi32, #tpu.memory_space<vmem>>
      %dma_wait3A_1238 = arith.constant 0 : i32
      %dma_wait3A_1239 = tpu.memref_slice %arg12[%dma_wait3A_1238] : memref<50176xf32, #tpu.memory_space<vmem_shared>> -> memref<50176xf32, #tpu.memory_space<vmem_shared>>
      tpu.wait_indirect_dma semaphore(%arg15 : memref<!tpu.dma_semaphore, #tpu.memory_space<semaphore_mem>>) src(%dma_wait3A_1234 : memref<128xf32, #tpu.memory_space<vmem>>) dst(%dma_wait3A_1239 : memref<50176xf32, #tpu.memory_space<vmem_shared>>)
      %dma_wait3A_1240 = arith.constant 1 : i32
      %dma_wait3A_1241 = arith.constant 3456 : i32
      %dma_wait3A_1242 = tpu.memref_slice %arg8[%dma_wait3A_1241] : memref<4992xf32, #tpu.memory_space<vmem>> -> memref<128xf32, #tpu.memory_space<vmem>>
      %dma_wait3A_1243 = arith.constant 3456 : i32
      %dma_wait3A_1244 = tpu.memref_slice %arg7[%dma_wait3A_1240, %dma_wait3A_1243] : memref<2x4992xi32, #tpu.memory_space<vmem>> -> memref<1x128xi32, #tpu.memory_space<vmem>>
      %dma_wait3A_1245 = tpu.memref_squeeze %dma_wait3A_1244 : memref<1x128xi32, #tpu.memory_space<vmem>> -> memref<128xi32, #tpu.memory_space<vmem>>
      %dma_wait3A_1246 = arith.constant 0 : i32
      %dma_wait3A_1247 = tpu.memref_slice %arg12[%dma_wait3A_1246] : memref<50176xf32, #tpu.memory_space<vmem_shared>> -> memref<50176xf32, #tpu.memory_space<vmem_shared>>
      tpu.wait_indirect_dma semaphore(%arg15 : memref<!tpu.dma_semaphore, #tpu.memory_space<semaphore_mem>>) src(%dma_wait3A_1242 : memref<128xf32, #tpu.memory_space<vmem>>) dst(%dma_wait3A_1247 : memref<50176xf32, #tpu.memory_space<vmem_shared>>)
      %dma_wait3A_1248 = arith.constant 1 : i32
      %dma_wait3A_1249 = arith.constant 3584 : i32
      %dma_wait3A_1250 = tpu.memref_slice %arg8[%dma_wait3A_1249] : memref<4992xf32, #tpu.memory_space<vmem>> -> memref<128xf32, #tpu.memory_space<vmem>>
      %dma_wait3A_1251 = arith.constant 3584 : i32
      %dma_wait3A_1252 = tpu.memref_slice %arg7[%dma_wait3A_1248, %dma_wait3A_1251] : memref<2x4992xi32, #tpu.memory_space<vmem>> -> memref<1x128xi32, #tpu.memory_space<vmem>>
      %dma_wait3A_1253 = tpu.memref_squeeze %dma_wait3A_1252 : memref<1x128xi32, #tpu.memory_space<vmem>> -> memref<128xi32, #tpu.memory_space<vmem>>
      %dma_wait3A_1254 = arith.constant 0 : i32
      %dma_wait3A_1255 = tpu.memref_slice %arg12[%dma_wait3A_1254] : memref<50176xf32, #tpu.memory_space<vmem_shared>> -> memref<50176xf32, #tpu.memory_space<vmem_shared>>
      tpu.wait_indirect_dma semaphore(%arg15 : memref<!tpu.dma_semaphore, #tpu.memory_space<semaphore_mem>>) src(%dma_wait3A_1250 : memref<128xf32, #tpu.memory_space<vmem>>) dst(%dma_wait3A_1255 : memref<50176xf32, #tpu.memory_space<vmem_shared>>)
      %dma_wait3A_1256 = arith.constant 1 : i32
      %dma_wait3A_1257 = arith.constant 3712 : i32
      %dma_wait3A_1258 = tpu.memref_slice %arg8[%dma_wait3A_1257] : memref<4992xf32, #tpu.memory_space<vmem>> -> memref<128xf32, #tpu.memory_space<vmem>>
      %dma_wait3A_1259 = arith.constant 3712 : i32
      %dma_wait3A_1260 = tpu.memref_slice %arg7[%dma_wait3A_1256, %dma_wait3A_1259] : memref<2x4992xi32, #tpu.memory_space<vmem>> -> memref<1x128xi32, #tpu.memory_space<vmem>>
      %dma_wait3A_1261 = tpu.memref_squeeze %dma_wait3A_1260 : memref<1x128xi32, #tpu.memory_space<vmem>> -> memref<128xi32, #tpu.memory_space<vmem>>
      %dma_wait3A_1262 = arith.constant 0 : i32
      %dma_wait3A_1263 = tpu.memref_slice %arg12[%dma_wait3A_1262] : memref<50176xf32, #tpu.memory_space<vmem_shared>> -> memref<50176xf32, #tpu.memory_space<vmem_shared>>
      tpu.wait_indirect_dma semaphore(%arg15 : memref<!tpu.dma_semaphore, #tpu.memory_space<semaphore_mem>>) src(%dma_wait3A_1258 : memref<128xf32, #tpu.memory_space<vmem>>) dst(%dma_wait3A_1263 : memref<50176xf32, #tpu.memory_space<vmem_shared>>)
      %dma_wait3A_1264 = arith.constant 1 : i32
      %dma_wait3A_1265 = arith.constant 3840 : i32
      %dma_wait3A_1266 = tpu.memref_slice %arg8[%dma_wait3A_1265] : memref<4992xf32, #tpu.memory_space<vmem>> -> memref<128xf32, #tpu.memory_space<vmem>>
      %dma_wait3A_1267 = arith.constant 3840 : i32
      %dma_wait3A_1268 = tpu.memref_slice %arg7[%dma_wait3A_1264, %dma_wait3A_1267] : memref<2x4992xi32, #tpu.memory_space<vmem>> -> memref<1x128xi32, #tpu.memory_space<vmem>>
      %dma_wait3A_1269 = tpu.memref_squeeze %dma_wait3A_1268 : memref<1x128xi32, #tpu.memory_space<vmem>> -> memref<128xi32, #tpu.memory_space<vmem>>
      %dma_wait3A_1270 = arith.constant 0 : i32
      %dma_wait3A_1271 = tpu.memref_slice %arg12[%dma_wait3A_1270] : memref<50176xf32, #tpu.memory_space<vmem_shared>> -> memref<50176xf32, #tpu.memory_space<vmem_shared>>
      tpu.wait_indirect_dma semaphore(%arg15 : memref<!tpu.dma_semaphore, #tpu.memory_space<semaphore_mem>>) src(%dma_wait3A_1266 : memref<128xf32, #tpu.memory_space<vmem>>) dst(%dma_wait3A_1271 : memref<50176xf32, #tpu.memory_space<vmem_shared>>)
      %dma_wait3A_1272 = arith.constant 1 : i32
      %dma_wait3A_1273 = arith.constant 3968 : i32
      %dma_wait3A_1274 = tpu.memref_slice %arg8[%dma_wait3A_1273] : memref<4992xf32, #tpu.memory_space<vmem>> -> memref<128xf32, #tpu.memory_space<vmem>>
      %dma_wait3A_1275 = arith.constant 3968 : i32
      %dma_wait3A_1276 = tpu.memref_slice %arg7[%dma_wait3A_1272, %dma_wait3A_1275] : memref<2x4992xi32, #tpu.memory_space<vmem>> -> memref<1x128xi32, #tpu.memory_space<vmem>>
      %dma_wait3A_1277 = tpu.memref_squeeze %dma_wait3A_1276 : memref<1x128xi32, #tpu.memory_space<vmem>> -> memref<128xi32, #tpu.memory_space<vmem>>
      %dma_wait3A_1278 = arith.constant 0 : i32
      %dma_wait3A_1279 = tpu.memref_slice %arg12[%dma_wait3A_1278] : memref<50176xf32, #tpu.memory_space<vmem_shared>> -> memref<50176xf32, #tpu.memory_space<vmem_shared>>
      tpu.wait_indirect_dma semaphore(%arg15 : memref<!tpu.dma_semaphore, #tpu.memory_space<semaphore_mem>>) src(%dma_wait3A_1274 : memref<128xf32, #tpu.memory_space<vmem>>) dst(%dma_wait3A_1279 : memref<50176xf32, #tpu.memory_space<vmem_shared>>)
      %dma_wait3A_1280 = arith.constant 1 : i32
      %dma_wait3A_1281 = arith.constant 4096 : i32
      %dma_wait3A_1282 = tpu.memref_slice %arg8[%dma_wait3A_1281] : memref<4992xf32, #tpu.memory_space<vmem>> -> memref<128xf32, #tpu.memory_space<vmem>>
      %dma_wait3A_1283 = arith.constant 4096 : i32
      %dma_wait3A_1284 = tpu.memref_slice %arg7[%dma_wait3A_1280, %dma_wait3A_1283] : memref<2x4992xi32, #tpu.memory_space<vmem>> -> memref<1x128xi32, #tpu.memory_space<vmem>>
      %dma_wait3A_1285 = tpu.memref_squeeze %dma_wait3A_1284 : memref<1x128xi32, #tpu.memory_space<vmem>> -> memref<128xi32, #tpu.memory_space<vmem>>
      %dma_wait3A_1286 = arith.constant 0 : i32
      %dma_wait3A_1287 = tpu.memref_slice %arg12[%dma_wait3A_1286] : memref<50176xf32, #tpu.memory_space<vmem_shared>> -> memref<50176xf32, #tpu.memory_space<vmem_shared>>
      tpu.wait_indirect_dma semaphore(%arg15 : memref<!tpu.dma_semaphore, #tpu.memory_space<semaphore_mem>>) src(%dma_wait3A_1282 : memref<128xf32, #tpu.memory_space<vmem>>) dst(%dma_wait3A_1287 : memref<50176xf32, #tpu.memory_space<vmem_shared>>)
      %dma_wait3A_1288 = arith.constant 1 : i32
      %dma_wait3A_1289 = arith.constant 4224 : i32
      %dma_wait3A_1290 = tpu.memref_slice %arg8[%dma_wait3A_1289] : memref<4992xf32, #tpu.memory_space<vmem>> -> memref<128xf32, #tpu.memory_space<vmem>>
      %dma_wait3A_1291 = arith.constant 4224 : i32
      %dma_wait3A_1292 = tpu.memref_slice %arg7[%dma_wait3A_1288, %dma_wait3A_1291] : memref<2x4992xi32, #tpu.memory_space<vmem>> -> memref<1x128xi32, #tpu.memory_space<vmem>>
      %dma_wait3A_1293 = tpu.memref_squeeze %dma_wait3A_1292 : memref<1x128xi32, #tpu.memory_space<vmem>> -> memref<128xi32, #tpu.memory_space<vmem>>
      %dma_wait3A_1294 = arith.constant 0 : i32
      %dma_wait3A_1295 = tpu.memref_slice %arg12[%dma_wait3A_1294] : memref<50176xf32, #tpu.memory_space<vmem_shared>> -> memref<50176xf32, #tpu.memory_space<vmem_shared>>
      tpu.wait_indirect_dma semaphore(%arg15 : memref<!tpu.dma_semaphore, #tpu.memory_space<semaphore_mem>>) src(%dma_wait3A_1290 : memref<128xf32, #tpu.memory_space<vmem>>) dst(%dma_wait3A_1295 : memref<50176xf32, #tpu.memory_space<vmem_shared>>)
      %dma_wait3A_1296 = arith.constant 1 : i32
      %dma_wait3A_1297 = arith.constant 4352 : i32
      %dma_wait3A_1298 = tpu.memref_slice %arg8[%dma_wait3A_1297] : memref<4992xf32, #tpu.memory_space<vmem>> -> memref<128xf32, #tpu.memory_space<vmem>>
      %dma_wait3A_1299 = arith.constant 4352 : i32
      %dma_wait3A_1300 = tpu.memref_slice %arg7[%dma_wait3A_1296, %dma_wait3A_1299] : memref<2x4992xi32, #tpu.memory_space<vmem>> -> memref<1x128xi32, #tpu.memory_space<vmem>>
      %dma_wait3A_1301 = tpu.memref_squeeze %dma_wait3A_1300 : memref<1x128xi32, #tpu.memory_space<vmem>> -> memref<128xi32, #tpu.memory_space<vmem>>
      %dma_wait3A_1302 = arith.constant 0 : i32
      %dma_wait3A_1303 = tpu.memref_slice %arg12[%dma_wait3A_1302] : memref<50176xf32, #tpu.memory_space<vmem_shared>> -> memref<50176xf32, #tpu.memory_space<vmem_shared>>
      tpu.wait_indirect_dma semaphore(%arg15 : memref<!tpu.dma_semaphore, #tpu.memory_space<semaphore_mem>>) src(%dma_wait3A_1298 : memref<128xf32, #tpu.memory_space<vmem>>) dst(%dma_wait3A_1303 : memref<50176xf32, #tpu.memory_space<vmem_shared>>)
      %dma_wait3A_1304 = arith.constant 1 : i32
      %dma_wait3A_1305 = arith.constant 4480 : i32
      %dma_wait3A_1306 = tpu.memref_slice %arg8[%dma_wait3A_1305] : memref<4992xf32, #tpu.memory_space<vmem>> -> memref<128xf32, #tpu.memory_space<vmem>>
      %dma_wait3A_1307 = arith.constant 4480 : i32
      %dma_wait3A_1308 = tpu.memref_slice %arg7[%dma_wait3A_1304, %dma_wait3A_1307] : memref<2x4992xi32, #tpu.memory_space<vmem>> -> memref<1x128xi32, #tpu.memory_space<vmem>>
      %dma_wait3A_1309 = tpu.memref_squeeze %dma_wait3A_1308 : memref<1x128xi32, #tpu.memory_space<vmem>> -> memref<128xi32, #tpu.memory_space<vmem>>
      %dma_wait3A_1310 = arith.constant 0 : i32
      %dma_wait3A_1311 = tpu.memref_slice %arg12[%dma_wait3A_1310] : memref<50176xf32, #tpu.memory_space<vmem_shared>> -> memref<50176xf32, #tpu.memory_space<vmem_shared>>
      tpu.wait_indirect_dma semaphore(%arg15 : memref<!tpu.dma_semaphore, #tpu.memory_space<semaphore_mem>>) src(%dma_wait3A_1306 : memref<128xf32, #tpu.memory_space<vmem>>) dst(%dma_wait3A_1311 : memref<50176xf32, #tpu.memory_space<vmem_shared>>)
      %dma_wait3A_1312 = arith.constant 1 : i32
      %dma_wait3A_1313 = arith.constant 4608 : i32
      %dma_wait3A_1314 = tpu.memref_slice %arg8[%dma_wait3A_1313] : memref<4992xf32, #tpu.memory_space<vmem>> -> memref<128xf32, #tpu.memory_space<vmem>>
      %dma_wait3A_1315 = arith.constant 4608 : i32
      %dma_wait3A_1316 = tpu.memref_slice %arg7[%dma_wait3A_1312, %dma_wait3A_1315] : memref<2x4992xi32, #tpu.memory_space<vmem>> -> memref<1x128xi32, #tpu.memory_space<vmem>>
      %dma_wait3A_1317 = tpu.memref_squeeze %dma_wait3A_1316 : memref<1x128xi32, #tpu.memory_space<vmem>> -> memref<128xi32, #tpu.memory_space<vmem>>
      %dma_wait3A_1318 = arith.constant 0 : i32
      %dma_wait3A_1319 = tpu.memref_slice %arg12[%dma_wait3A_1318] : memref<50176xf32, #tpu.memory_space<vmem_shared>> -> memref<50176xf32, #tpu.memory_space<vmem_shared>>
      tpu.wait_indirect_dma semaphore(%arg15 : memref<!tpu.dma_semaphore, #tpu.memory_space<semaphore_mem>>) src(%dma_wait3A_1314 : memref<128xf32, #tpu.memory_space<vmem>>) dst(%dma_wait3A_1319 : memref<50176xf32, #tpu.memory_space<vmem_shared>>)
      %dma_wait3A_1320 = arith.constant 1 : i32
      %dma_wait3A_1321 = arith.constant 4736 : i32
      %dma_wait3A_1322 = tpu.memref_slice %arg8[%dma_wait3A_1321] : memref<4992xf32, #tpu.memory_space<vmem>> -> memref<128xf32, #tpu.memory_space<vmem>>
      %dma_wait3A_1323 = arith.constant 4736 : i32
      %dma_wait3A_1324 = tpu.memref_slice %arg7[%dma_wait3A_1320, %dma_wait3A_1323] : memref<2x4992xi32, #tpu.memory_space<vmem>> -> memref<1x128xi32, #tpu.memory_space<vmem>>
      %dma_wait3A_1325 = tpu.memref_squeeze %dma_wait3A_1324 : memref<1x128xi32, #tpu.memory_space<vmem>> -> memref<128xi32, #tpu.memory_space<vmem>>
      %dma_wait3A_1326 = arith.constant 0 : i32
      %dma_wait3A_1327 = tpu.memref_slice %arg12[%dma_wait3A_1326] : memref<50176xf32, #tpu.memory_space<vmem_shared>> -> memref<50176xf32, #tpu.memory_space<vmem_shared>>
      tpu.wait_indirect_dma semaphore(%arg15 : memref<!tpu.dma_semaphore, #tpu.memory_space<semaphore_mem>>) src(%dma_wait3A_1322 : memref<128xf32, #tpu.memory_space<vmem>>) dst(%dma_wait3A_1327 : memref<50176xf32, #tpu.memory_space<vmem_shared>>)
      %dma_wait3A_1328 = arith.constant 1 : i32
      %dma_wait3A_1329 = arith.constant 4864 : i32
      %dma_wait3A_1330 = tpu.memref_slice %arg8[%dma_wait3A_1329] : memref<4992xf32, #tpu.memory_space<vmem>> -> memref<128xf32, #tpu.memory_space<vmem>>
      %dma_wait3A_1331 = arith.constant 4864 : i32
      %dma_wait3A_1332 = tpu.memref_slice %arg7[%dma_wait3A_1328, %dma_wait3A_1331] : memref<2x4992xi32, #tpu.memory_space<vmem>> -> memref<1x128xi32, #tpu.memory_space<vmem>>
      %dma_wait3A_1333 = tpu.memref_squeeze %dma_wait3A_1332 : memref<1x128xi32, #tpu.memory_space<vmem>> -> memref<128xi32, #tpu.memory_space<vmem>>
      %dma_wait3A_1334 = arith.constant 0 : i32
      %dma_wait3A_1335 = tpu.memref_slice %arg12[%dma_wait3A_1334] : memref<50176xf32, #tpu.memory_space<vmem_shared>> -> memref<50176xf32, #tpu.memory_space<vmem_shared>>
      tpu.wait_indirect_dma semaphore(%arg15 : memref<!tpu.dma_semaphore, #tpu.memory_space<semaphore_mem>>) src(%dma_wait3A_1330 : memref<128xf32, #tpu.memory_space<vmem>>) dst(%dma_wait3A_1335 : memref<50176xf32, #tpu.memory_space<vmem_shared>>)
      %add3A_1336 = arith.constant 2 : i32
      %add3A_1337 = arith.addi %add3A_702, %add3A_1336 : i32
      %lt3A_1338 = arith.constant 10 : i32
      %lt3A_1339 = arith.cmpi slt, %add3A_1337, %lt3A_1338 : i32
      %convert_element_type3A_1340 = arith.extui %lt3A_1339 : i1 to i32
      %cond3A_1341 = arith.constant 0 : i32
      %cond3A_1342 = arith.cmpi ne, %convert_element_type3A_1340, %cond3A_1341 : i32
      scf.if %cond3A_1342 {
        %add3A_1343 = arith.constant 2 : i32
        %add3A_1344 = arith.addi %add3A_702, %add3A_1343 : i32
        %mul3A_1345 = arith.constant 4992 : i32
        %mul3A_1346 = arith.muli %add3A_1344, %mul3A_1345 : i32
        %add3A_1347 = arith.addi %mul3A_6, %mul3A_1346 : i32
        %dma_start3A_1348 = arith.constant 0 : i32
        %dma_start3A_1349 = tpu.memref_slice %arg2[%dma_start3A_1348, %add3A_1347] : memref<2x1600000xi32, #tpu.memory_space<hbm>> -> memref<2x4992xi32, #tpu.memory_space<hbm>>
        %dma_start3A_1350 = arith.constant 0 : i32
        %dma_start3A_1351 = tpu.memref_slice %arg2[%dma_start3A_1350, %add3A_1347] : memref<2x1600000xi32, #tpu.memory_space<hbm>> -> memref<2x4992xi32, #tpu.memory_space<hbm>>
        tpu.enqueue_dma source(%dma_start3A_1351 : memref<2x4992xi32, #tpu.memory_space<hbm>>) target(%arg7 : memref<2x4992xi32, #tpu.memory_space<vmem>>) target_semaphore(%arg14 : memref<!tpu.dma_semaphore, #tpu.memory_space<semaphore_mem>>)
        %dma_start3A_1352 = tpu.memref_slice %arg3[%add3A_1347] : memref<1600000xf32, #tpu.memory_space<hbm>> -> memref<4992xf32, #tpu.memory_space<hbm>>
        %dma_start3A_1353 = tpu.memref_slice %arg3[%add3A_1347] : memref<1600000xf32, #tpu.memory_space<hbm>> -> memref<4992xf32, #tpu.memory_space<hbm>>
        tpu.enqueue_dma source(%dma_start3A_1353 : memref<4992xf32, #tpu.memory_space<hbm>>) target(%arg8 : memref<4992xf32, #tpu.memory_space<vmem>>) target_semaphore(%arg14 : memref<!tpu.dma_semaphore, #tpu.memory_space<semaphore_mem>>)
      } else {
      }
    }
    %scan3A_41 = arith.constant 5 : i32
    %lt3A_42 = arith.constant 20 : i32
    %lt3A_43 = arith.cmpi slt, %add3A, %lt3A_42 : i32
    %convert_element_type3A_44 = arith.extui %lt3A_43 : i1 to i32
    %cond3A_45 = arith.constant 0 : i32
    %cond3A_46 = arith.cmpi ne, %convert_element_type3A_44, %cond3A_45 : i32
    scf.if %cond3A_46 {
      %dma_wait3A = arith.constant 1 : i32
      %dma_wait3A_55 = arith.constant 0 : i32
      %dma_wait3A_56 = tpu.memref_slice %arg9[%dma_wait3A, %dma_wait3A_55] : memref<2x128xi32, #tpu.memory_space<vmem>> -> memref<1x128xi32, #tpu.memory_space<vmem>>
      %dma_wait3A_57 = tpu.memref_squeeze %dma_wait3A_56 : memref<1x128xi32, #tpu.memory_space<vmem>> -> memref<128xi32, #tpu.memory_space<vmem>>
      %dma_wait3A_58 = arith.constant 0 : i32
      %dma_wait3A_59 = tpu.memref_slice %arg12[%dma_wait3A_58] : memref<50176xf32, #tpu.memory_space<vmem_shared>> -> memref<50176xf32, #tpu.memory_space<vmem_shared>>
      tpu.wait_indirect_dma semaphore(%arg16 : memref<!tpu.dma_semaphore, #tpu.memory_space<semaphore_mem>>) src(%arg10 : memref<128xf32, #tpu.memory_space<vmem>>) dst(%dma_wait3A_59 : memref<50176xf32, #tpu.memory_space<vmem_shared>>)
    } else {
    }
    %barrier3A_47 = arith.constant 0 : index
    tpu.barrier barrier_id(%barrier3A_47)
    %mul3A_48 = arith.constant 3136 : i32
    %mul3A_49 = arith.muli %arg1, %mul3A_48 : i32
    "tpu.region"() ({
      %run_scoped3A = tpu.sem_alloc : memref<!tpu.dma_semaphore, #tpu.memory_space<semaphore_mem>>
      %dma_start3A_55 = tpu.memref_slice %arg12[%mul3A_49] : memref<50176xf32, #tpu.memory_space<vmem_shared>> -> memref<3136xf32, #tpu.memory_space<vmem_shared>>
      %dma_start3A_56 = tpu.memref_slice %arg12[%mul3A_49] : memref<50176xf32, #tpu.memory_space<vmem_shared>> -> memref<3136xf32, #tpu.memory_space<vmem_shared>>
      tpu.enqueue_dma source(%dma_start3A_56 : memref<3136xf32, #tpu.memory_space<vmem_shared>>) target(%arg11 : memref<3136xf32, #tpu.memory_space<vmem>>) target_semaphore(%run_scoped3A : memref<!tpu.dma_semaphore, #tpu.memory_space<semaphore_mem>>)
      %dma_wait3A = tpu.memref_slice %arg12[%mul3A_49] : memref<50176xf32, #tpu.memory_space<vmem_shared>> -> memref<3136xf32, #tpu.memory_space<vmem_shared>>
      %dma_wait3A_57 = tpu.memref_slice %arg12[%mul3A_49] : memref<50176xf32, #tpu.memory_space<vmem_shared>> -> memref<3136xf32, #tpu.memory_space<vmem_shared>>
      tpu.wait_dma2 semaphore(%run_scoped3A : memref<!tpu.dma_semaphore, #tpu.memory_space<semaphore_mem>>) src(%dma_wait3A_57 : memref<3136xf32, #tpu.memory_space<vmem_shared>>) dst(%arg11 : memref<3136xf32, #tpu.memory_space<vmem>>)
      tpu.yield
    }) : () -> ()
    %mul3A_50 = arith.constant 50176 : i32
    %mul3A_51 = arith.muli %arg0, %mul3A_50 : i32
    %mul3A_52 = arith.constant 3136 : i32
    %mul3A_53 = arith.muli %arg1, %mul3A_52 : i32
    %add3A_54 = arith.addi %mul3A_51, %mul3A_53 : i32
    "tpu.region"() ({
      %run_scoped3A = tpu.sem_alloc : memref<!tpu.dma_semaphore, #tpu.memory_space<semaphore_mem>>
      %dma_start3A_55 = tpu.memref_slice %arg4[%add3A_54] : memref<100352xf32, #tpu.memory_space<hbm>> -> memref<3136xf32, #tpu.memory_space<hbm>>
      %dma_start3A_56 = tpu.memref_slice %arg4[%add3A_54] : memref<100352xf32, #tpu.memory_space<hbm>> -> memref<3136xf32, #tpu.memory_space<hbm>>
      tpu.enqueue_dma source(%arg11 : memref<3136xf32, #tpu.memory_space<vmem>>) target(%dma_start3A_56 : memref<3136xf32, #tpu.memory_space<hbm>>) target_semaphore(%run_scoped3A : memref<!tpu.dma_semaphore, #tpu.memory_space<semaphore_mem>>)
      %dma_wait3A = tpu.memref_slice %arg4[%add3A_54] : memref<100352xf32, #tpu.memory_space<hbm>> -> memref<3136xf32, #tpu.memory_space<hbm>>
      %dma_wait3A_57 = tpu.memref_slice %arg4[%add3A_54] : memref<100352xf32, #tpu.memory_space<hbm>> -> memref<3136xf32, #tpu.memory_space<hbm>>
      tpu.wait_dma2 semaphore(%run_scoped3A : memref<!tpu.dma_semaphore, #tpu.memory_space<semaphore_mem>>) src(%arg11 : memref<3136xf32, #tpu.memory_space<vmem>>) dst(%dma_wait3A_57 : memref<3136xf32, #tpu.memory_space<hbm>>)
      tpu.yield
    }) : () -> ()
    return
  }
}

module attributes {stable_mosaic.version = 14 : i64} {
  func.func @_combine_body(%arg0: memref<100352xf32, #tpu.memory_space<vmem>>, %arg1: memref<50000xf32, #tpu.memory_space<vmem>>) attributes {dimension_semantics = [], scalar_prefetch = 0 : i64, scratch_operands = 0 : i64, tpu.core_type = #tpu.core_type<tc>} {
    %get3A = arith.constant 0 : index
    %get3A_0 = vector.load %arg0[%get3A] : memref<100352xf32, #tpu.memory_space<vmem>>, vector<50000xf32>
    %get3A_1 = arith.constant 50176 : index
    %get3A_2 = vector.load %arg0[%get3A_1] : memref<100352xf32, #tpu.memory_space<vmem>>, vector<50000xf32>
    %add3A = arith.addf %get3A_0, %get3A_2 : vector<50000xf32>
    %swap3A = arith.constant 0 : index
    %swap3A_3 = vector.load %arg1[%swap3A] : memref<50000xf32, #tpu.memory_space<vmem>>, vector<50000xf32>
    tpu.vector_store %arg1[%swap3A], %add3A {strides = array<i32>} : memref<50000xf32, #tpu.memory_space<vmem>>, vector<50000xf32>,
    return
  }
}

</mosaic_0001>

<sc_bundles>
// kernel: kernel.4.cloned.1.call-start
scs
__scs_entry_jumppad:
0x0: {  	(pc) =	sbr.rel $0x88, $3  }
0x1: {  	(tag) =	ssettag $0x0;
	lr =	simm.s32 $0x1  }
0x2: {  	[smem:$0x3F9F] =	sst lr;
	_ =	strace $0xD0000000  }
0x3: {  	_ = 	snop  }
0x4: {  	_ = 	snop  }
0x5: {  	_ = 	snop  }
0x6: {  	_ = 	snop  }
0x7: {  	_ = 	snop  }
__scs_overlays_trampoline_lowered:
0x8: {  	[smem:$0x3FAE] =	sst s0  }
0x9: {  	[smem:$0x3FAF] =	sst s1  }
0xa: {  	[smem:$0x3FB0] =	sst s2  }
0xb: {  	[smem:$0x3FB1] =	sst s3  }
0xc: {  	[smem:$0x3FB2] =	sst s4  }
0xd: {  	[smem:$0x3FB3] =	sst s5  }
0xe: {  	[smem:$0x3FB4] =	sst s6  }
0xf: {  	[smem:$0x3FB5] =	sst s7  }
0x10: {  	[smem:$0x3FB6] =	sst s8  }
0x11: {  	[smem:$0x3FB7] =	sst s9;
	s0 =	simm.s32 @!p0 $0x0  }
0x12: {  	s1 =	sld [smem:$0x3F9D];
	s0 =	simm.s32 @p0 $0x1  }
0x13: {  	[smem:$0x3FB8] =	sst s0;
	s0 =	simm.s32 @!p1 $0x0  }
0x14: {  	s2 =	sld [smem:$0x3F9C];
	s0 =	simm.s32 @p1 $0x1  }
0x15: {  	[smem:$0x3FB9] =	sst s0;
	s0 =	simm.s32 @!p2 $0x0  }
0x16: {  	s3 =	sld [smem:$0x3FDB];
	s0 =	simm.s32 @p2 $0x1  }
0x17: {  	s4 =	simm.s32 $0x1BF5;
	[smem:$0x3FBB] =	sst s0  }
0x18: {  	s0 =	sld [smem:$0x3F9E];
	_ =	swait.ge [sflag:s4], $0x0  }
0x19: {  	s7 =	sld [smem:$0x3F9F]  }
0x1a: {  	s8 =	sadd.s32 $0xFFFFE003, lr  }
0x1b: {  	s9 =	sadd.s32 $0xFFFFFEF7, lr;
	s5 =	simm.s32 $0xFFFFFFFF;
	p2 =	slt.u32 s8, $0xFFFFF086  }
0x1c: {  	p1 =	slt.u32 s9, $0xF7A;
	s5 =	simm.s32 @!p2 $0x0  }
0x1d: {  	s5 =	simm.s32 @p1 $0x1;
	p0 =	seq.s32 s7, s2  }
0x1e: {  	s7 =	smul.u32 @!p0 $0xF7A, s2;
	p2 =	seq.s32 @!p0 s5, $0x0  }
0x1f: {  	s9 =	smul.u32 $0xF7A, s1;
	s8 =	simm.s32 @!p0 $0x1BF5;
	p2 =	por !p2, p0  }
0x20: {  	[sflag:s8] =	ssyncset.s32 @!p0 $0xFFFFF086;
	s6 =	sadd.s32 @!p0 s3, s7;
	s7 =	simm.s32 @!p0 $0x108  }
0x21: {  	s3 =	sadd.s32 s3, s9;
	s6 =	sadd.s32 @!p0 $0x88, s6;
	s7 =	simm.s32 @p2 $0x1082  }
0x22: {  	[simem:s7], [sflag:s8] =	dma.local @!p0 [hbm:s6], $0xF7A  }
0x23: {  	s9 =	sor.u32 $0xD0000000, s2;
	s6 =	simm.s32 $0x108;
	_ =	swait.ge @!p0 [sflag:s8], $0x0  }
0x24: {  	s3 =	sadd.s32 $0x88, s3;
	s6 =	simm.s32 @!p1 $0x1082;
	[sflag:s4] =	ssyncset.s32 $0xFFFFF086  }
0x25: {  	[simem:s6], [sflag:s4] =	dma.local [hbm:s3], $0xF7A  }
0x26: {  	[smem:$0x3F9F] =	sst s1;
	(tag) =	ssettag s2;
	_ =	strace s9  }
0x27: {  	s1 =	sld [smem:$0x3FAF]  }
0x28: {  	s2 =	sld [smem:$0x3FB0]  }
0x29: {  	s4 =	sld [smem:$0x3FB2]  }
0x2a: {  	p0 =	seq.s32 s5, $0x0;
	s5 =	sld [smem:$0x3FB3]  }
0x2b: {  	s6 =	sld [smem:$0x3FB4]  }
0x2c: {  	s7 =	sld [smem:$0x3FB5]  }
0x2d: {  	s3 =	simm.s32 $0x108;
	s8 =	sld [smem:$0x3FB6]  }
0x2e: {  	s3 =	simm.s32 @!p0 $0x1082;
	s9 =	sld [smem:$0x3FB7]  }
0x2f: {  	lr =	sadd.s32 s0, s3;
	s0 =	sld [smem:$0x3FAE]  }
0x30: {  	s3 =	sld [smem:$0x3FB1]  }
0x31: {  	[smem:$0x3FBA] =	sst s10  }
0x32: {  	s10 =	sld [smem:$0x3FB8];
	_ =	sdelay $0x3  }
0x33: {  	p0 =	seq.s32 s10, $0x1;
	s10 =	sld [smem:$0x3FBA];
	_ =	sdelay $0x3  }
0x34: {  	[smem:$0x3FBA] =	sst s10  }
0x35: {  	s10 =	sld [smem:$0x3FB9];
	_ =	sdelay $0x3  }
0x36: {  	p1 =	seq.s32 s10, $0x1;
	s10 =	sld [smem:$0x3FBA];
	_ =	sdelay $0x3  }
0x37: {  	[smem:$0x3FBA] =	sst s10  }
0x38: {  	s10 =	sld [smem:$0x3FBB]  }
0x39: {  	_ = 	snop;
	(pc) =	sbr.ind lr, $3  }
0x3a: {  	_ = 	snop  }
0x3b: {  	_ = 	snop  }
0x3c: {  	p2 =	seq.s32 s10, $0x1;
	s10 =	sld [smem:$0x3FBA]  }
0x3d: {  	_ =	shalt  }
0x3e: {  	_ =	shalt  }
0x3f: {  	_ =	shalt  }
0x40: {  	_ =	shalt  }
0x41: {  	_ =	shalt  }
0x42: {  	_ =	shalt  }
0x43: {  	_ =	shalt  }
0x44: {  	_ =	shalt  }
0x45: {  	_ =	shalt  }
0x46: {  	_ =	shalt  }
0x47: {  	_ =	shalt  }
0x48: {  	_ =	shalt  }
0x49: {  	_ =	shalt  }
0x4a: {  	_ =	shalt  }
0x4b: {  	_ =	shalt  }
0x4c: {  	_ =	shalt  }
0x4d: {  	_ =	shalt  }
0x4e: {  	_ =	shalt  }
0x4f: {  	_ =	shalt  }
0x50: {  	_ =	shalt  }
0x51: {  	_ =	shalt  }
0x52: {  	_ =	shalt  }
0x53: {  	_ =	shalt  }
0x54: {  	_ =	shalt  }
0x55: {  	_ =	shalt  }
0x56: {  	_ =	shalt  }
0x57: {  	_ =	shalt  }
0x58: {  	_ =	shalt  }
0x59: {  	_ =	shalt  }
0x5a: {  	_ =	shalt  }
0x5b: {  	_ =	shalt  }
0x5c: {  	_ =	shalt  }
0x5d: {  	_ =	shalt  }
0x5e: {  	_ =	shalt  }
0x5f: {  	_ =	shalt  }
0x60: {  	_ =	shalt  }
0x61: {  	_ =	shalt  }
0x62: {  	_ =	shalt  }
0x63: {  	_ =	shalt  }
0x64: {  	_ =	shalt  }
0x65: {  	_ =	shalt  }
0x66: {  	_ =	shalt  }
0x67: {  	_ =	shalt  }
0x68: {  	_ =	shalt  }
0x69: {  	_ =	shalt  }
0x6a: {  	_ =	shalt  }
0x6b: {  	_ =	shalt  }
0x6c: {  	_ =	shalt  }
0x6d: {  	_ =	shalt  }
0x6e: {  	_ =	shalt  }
0x6f: {  	_ =	shalt  }
0x70: {  	_ =	shalt  }
0x71: {  	_ =	shalt  }
0x72: {  	_ =	shalt  }
0x73: {  	_ =	shalt  }
0x74: {  	_ =	shalt  }
0x75: {  	_ =	shalt  }
0x76: {  	_ =	shalt  }
0x77: {  	_ =	shalt  }
0x78: {  	_ =	shalt  }
0x79: {  	_ =	shalt  }
0x7a: {  	_ =	shalt  }
0x7b: {  	_ =	shalt  }
0x7c: {  	_ =	shalt  }
0x7d: {  	_ =	shalt  }
0x7e: {  	_ =	shalt  }
0x7f: {  	_ =	shalt  }
0x80: {  	_ =	shalt  }
0x81: {  	_ =	shalt  }
0x82: {  	_ =	shalt  }
0x83: {  	_ =	shalt  }
0x84: {  	_ =	shalt  }
0x85: {  	_ =	shalt  }
0x86: {  	_ =	shalt  }
0x87: {  	_ =	shalt  }
.Lfunc_end0:
.L_simem_size_0:
called_computation_lowered:
.L_overlay_start_0:
0x88: {  	s2 =	sld [smem:$0x3FD9]  }
0x89: {  	s3 =	sld [smem:$0x3FFE];
	_ =	sdelay $0x1  }
0x8a: {  	s1 =	srdreg.scid  }
0x8b: {  	s0 =	sand.u32 $0x1, s1  }
0x8c: {  	s17 =	sshll.u32 s0, $0xA;
	s2 =	sadd.s32 s3, s2  }
0x8d: {  	s2 =	sadd.s32 s2, s17  }
0x8e: {  	[smem:$0x3FC6] =	sst s2  }
0x8f: {  	_ = 	snop  }
0x90: {  	s2 =	sld [smem:$0x3FC9]  }
0x91: {  	s18 =	sld [smem:$0x3FC8];
	(tm) =	ssettm $0x1  }
0x92: {  	s4 =	sld [smem:$0x3FFB];
	_ =	sdelay $0x3  }
0x93: {  	_ =	strace s4  }
0x94: {  	s4 =	sld [smem:$0x3FFC];
	_ =	sdelay $0x3  }
0x95: {  	_ =	strace s4  }
0x96: {  	s4 =	sld [smem:$0x3FFD];
	_ =	sdelay $0x3  }
0x97: {  	_ =	strace s4  }
0x98: {  	_ =	strace $0x8FFFFFFF  }
0x99: {  	s19 =	sld [smem:$0x3FDB];
	_ =	sdelay $0x1  }
0x9a: {  	s5 =	simm.s32 $_scs_section_size  }
0x9b: {  	s6 =	simm.s32 $_size__tile_overlayer_lowered;
	s7 =	simm.s32 $_tile_overlayer_lowered  }
0x9c: {  	s22 =	simm.s32 $0x1BFF;
	s21 =	sshll.u32 s7, $0x1;
	s4 =	sadd.s32 s5, s19  }
0x9d: {  	s8 =	simm.s32 $0x0;
	s20 =	sshll.u32 s6, $0x1;
	s6 =	sadd.s32 s21, s4  }
0x9e: {  	[timem:s8], [sflag:s22] =	dma.local [hbm:s6], s20  }
0x9f: {  	_ =	swait.ge [sflag:s22], s20  }
0xa0: {  	s5 =	ssub.s32 $0x0, s20;
	[sflag:s22] =	ssyncset.done $0x0  }
0xa1: {  	[sflag:s22] =	ssyncadd.s32 s5;
	_ =	sdelay $0x1  }
0xa2: {  	s23 =	simm.s32 $0x1B8B  }
0xa3: {  	_ =	swait.ge [sflag:s23], $0x1  }
0xa4: {  	[sflag:s23] =	ssyncset.done $0x0  }
0xa5: {  	s25 =	simm.s32 $0x1B8E;
	s24 =	sld [smem:$0x3FFE];
	[sflag:s23] =	ssyncadd.s32 $0xFFFFFFFF  }
0xa6: {  	s26 =	simm.s32 $execute0_lowered;
	[smem:$0x3FD2] =	sst s25  }
0xa7: {  	s6 =	sshll.u32 s26, $0x1;
	_ =	strace $0x80000046;
	[dreg:$0x1] =	wrdreg $0xFFFFFFFF  }
0xa8: {  	s28 =	simm.s32 $_size_execute0_lowered;
	s4 =	sadd.s32 s4, s6;
	[dreg:$0x0] =	wrdreg $0x0  }
0xa9: {  	s6 =	sshll.u32 s28, $0x1;
	[dreg:$0x2] =	wrdreg s4  }
0xaa: {  	[dreg:$0x3] =	wrdreg s6  }
0xab: {  	[dreg:$0x4] =	wrdreg $0xC0  }
0xac: {  	_ =	task [dreg:s8], $0x5FFFF  }
0xad: {  	[dreg:$0x1] =	wrdreg $0xFFFFFFFF  }
0xae: {  	[dreg:$0x0] =	wrdreg $0x60  }
0xaf: {  	[dreg:$0x2] =	wrdreg s18  }
0xb0: {  	[dreg:$0x3] =	wrdreg s2  }
0xb1: {  	[dreg:$0x4] =	wrdreg s24  }
0xb2: {  	[dreg:$0x5] =	wrdreg $0x83000  }
0xb3: {  	[dreg:$0x6] =	wrdreg $0x9  }
0xb4: {  	_ =	task.clear_ibuf [dreg:s8], $0x7FFFF;
	_ =	strace $0x90000046  }
0xb5: {  	s29 =	simm.s32 $0x9;
	_ =	strace $0x80000048  }
0xb6: {  	_ =	swait.ge [sflag:s29], $0x1  }
0xb7: {  	[sflag:s29] =	ssyncadd.s32 $0xFFFFFFFF  }
0xb8: {  	_ =	strace $0x90000048  }
0xb9: {  	_ =	sfence  }
0xba: {  	s30 =	sld [smem:$0x0];
	_ =	sdelay $0x2  }
0xbb: {  	s31 =	sshll.u32 s1, $0xD;
	s1 =	sshrl.u32 s1, $0x2  }
0xbc: {  	s3 =	sand.u32 $0x4000, s31;
	s1 =	sadd.s32 s1, s30  }
0xbd: {  	s0 =	sor.u32 s3, s0;
	s1 =	sshll.u32 s1, $0x11  }
0xbe: {  	s0 =	sor.u32 s1, s0  }
0xbf: {  	s0 =	sadd.s32 $0x8F2B, s0  }
0xc0: {  	[sflag:s0] =	ssyncadd.remote.s32 $0x1  }
0xc1: {  	_ =	sfence.sel $0xFFFF  }
0xc2: {  	[dreg:$0x0] =	wrdreg $0xFFFFFFFF;
	(pc) =	sbr.abs _section_cstart, $3  }
0xc3: {  	[dreg:$0x1] =	wrdreg $0xFFFFFFFF  }
0xc4: {  	_ =	task.clear_ibuf [dreg:s8], $0x2FFFF;
	_ =	strace $0x9FFFFFFF  }
0xc5: {  	(tm) =	ssettm $0x7FFFFFFF  }
tec
execute0_lowered:
.L_overlay_start_1:
0x0: {  	(tag) =	ssettag $0x1  }
0x1: {  	s0 =	rddreg [dreg:$0x0]  }
0x2: {  	s1 =	rddreg [dreg:$0x1]  }
0x3: {  	s4 =	rddreg [dreg:$0x2];
	s3 =	srdreg.scid  }
0x4: {  	s2 =	rddreg [dreg:$0x3];
	s15 =	stileid.u32;
	s28 =	simm.s32 $0x7300  }
0x5: {  	s29 =	simm.s32 $0x5F00;
	s30 =	simm.s32 $0x7380;
	s6 =	smul.u32 $0xC40, s15  }
0x6: {  	s31 =	simm.s32 $0x6000;
	s5 =	sand.u32 $0x1, s3;
	s23 =	smul.u32 $0x186, s15  }
0x7: {  	s3 =	simm.s32 $0x0;
	s7 =	sshll.u32 s5, $0x4;
	s8 =	smul.u32 $0xC400, s5  }
0x8: {  	[smem:$0x7FF] =	sst s3;
	s11 =	ssub.s32 $0x2, s5;
	s5 =	smul.u32 $0x1860, s5  }
0x9: {  	s7 =	sor.u32 s15, s7;
	_ =	strace $0x80000047;
	s12 =	sshrl.u32 s11, $0x1  }
0xa: {  	s9 =	smul.u32 $0x186, s7;
	s10 =	smin.u32 s7, $0x14;
	s8 =	sadd.s32 s6, s8  }
0xb: {  	s16 =	ssub.s32 s11, s12;
	s6 =	sadd.s32 s6, s2;
	p0 =	sgt.u32 s7, $0x13  }
0xc: {  	s7 =	simm.s32 $0x7680;
	s11 =	simm.s32 $0x7080;
	s8 =	sshrl.u32 s8, $0x3  }
0xd: {  	s5 =	sor.u32 s5, s10;
	[dreg:$0xb] =	wrdreg s6;
	s26 =	smax.u32 s16, $0x1  }
0xe: {  	s16 =	simm.s32 $0x7200;
	s6 =	simm.s32 $0x0;
	s9 =	sadd.s32 s10, s9  }
0xf: {  	s4 =	sadd.s32 s8, s4;
	s5 =	sadd.s32 s23, s5;
	[dreg:$0xd] =	wrdreg s26  }
0x10: {  	s8 =	simm.s32 $0x5;
	s10 =	simm.s32 $0x7180;
	s23 =	simm.s32 $0x7280  }
0x11: {  	s26 =	simm.s32 $0x5E00;
	s13 =	sshll.u32 s9, $0x7;
	s18 =	sshll.u32 s9, $0x5  }
0x12: {  	s9 =	sshll.u32 s9, $0x4;
	s4 =	sadd.s32 $0x600, s4;
	s25 =	sshll.u32 s5, $0x4  }
0x13: {  	s5 =	sshll.u32 s5, $0x5;
	s17 =	sadd.s32 $0x1380, s13;
	s12 =	sadd.s32 s0, s18  }
0x14: {  	s9 =	sadd.s32 s1, s9;
	s21 =	sadd.s32 $0xC300, s13;
	[dreg:$0xc] =	wrdreg s4  }
0x15: {  	s13 =	sadd.s32 s25, s1;
	s25 =	simm.s32 $0x2;
	s18 =	simm.s32 $0x5B00  }
0x16: {  	s4 =	simm.s32 $0x7480;
	s14 =	sshrl.u32 s17, $0x2;
	[dreg:$0x5] =	wrdreg s12  }
0x17: {  	[dreg:$0x6] =	wrdreg s9;
	s20 =	sshrl.u32 s17, $0x3;
	s22 =	sshrl.u32 s21, $0x2  }
0x18: {  	s24 =	sshrl.u32 s21, $0x3;
	s17 =	simm.s32 $0x6180;
	s21 =	simm.s32 $0x80  }
0x19: {  	s12 =	simm.s32 $0x5A00;
	s19 =	sadd.s32 s0, s14;
	s9 =	sadd.s32 s1, s20  }
0x1a: {  	s20 =	simm.s32 $0x1;
	s14 =	simm.s32 $0x7100;
	[dreg:$0x7] =	wrdreg s19  }
.Ltmp0:
0x1b: {  	[dreg:$0x8] =	wrdreg s9;
	s9 =	sadd.s32 s0, s22;
	(pc) =	sbr.rel .LBB2_1-.Ltmp0, $4  }
0x1c: {  	s0 =	sadd.s32 s5, s0;
	s19 =	simm.s32 $0x5C00;
	s22 =	simm.s32 $0x5D00  }
0x1d: {  	[dreg:$0x9] =	wrdreg s9;
	s9 =	sadd.s32 s1, s24;
	s0 =	sadd.s32 $0xEA0, s0  }
0x1e: {  	s24 =	simm.s32 $0x3;
	s1 =	simm.s32 $0x6100;
	[dreg:$0xa] =	wrdreg s9  }
0x1f: {  	v0 =	vimm.f32 $0.0e+00;
	[dreg:$0xe] =	wrdreg s0;
	s9 =	simm.s32 $0x5900;
	s0 =	simm.s32 $0x7400  }
.LBB2_6:
0x20: {  	s5 =	simm.s32 @!p0 $0x4  }
0x21: {  	_ =	swait.ge @!p0 [sflag:s5], $0x80  }
0x22: {  	[sflag:s5] =	ssyncset.done @!p0 $0x0  }
0x23: {  	[sflag:s5] =	ssyncadd.s32 @!p0 $0xFFFFFF80  }
0x24: {  	[bflag:$0x0] =	sbarrier.arrive $0xFFFF  }
0x25: {  	s7 =	simm.s32 $0x7680;
	s8 =	simm.s32 $0x5;
	s15 =	rddreg [dreg:$0xb]  }
0x26: {  	[tilespmem:s7], [sflag:$0x5] =	stream.linear.gather [spmem:s15], $0xC40, $0x38;
	[tilespmem:$0x8F40] =	vst v63  }
0x27: {  	_ =	swait.ge [sflag:s8], $0xC40  }
0x28: {  	[sflag:s8] =	ssyncset.done $0x0  }
0x29: {  	s6 =	rddreg [dreg:$0xc];
	[sflag:s8] =	ssyncadd.s32 $0xFFFFF3C0  }
0x2a: {  	[hbm4b:s6+s3] =	stream.linear.scatter [tilespmem:s7], [sflag:$0x5], $0xC40, $0x38;
	[tilespmem:$0x8F40] =	vst v63  }
0x2b: {  	_ =	swait.ge [sflag:s8], $0xC40  }
0x2c: {  	s6 =	rddreg [dreg:$0xf]  }
0x2d: {  	s15 =	rddreg [dreg:$0xd];
	s6 =	sadd.s32 $0x1, s6  }
0x2e: {  	p1 =	sne.s32 s6, s15  }
.Ltmp1:
0x2f: {  	_ = 	snop;
	(pc) =	sbr.rel @!p1 .LBB2_7-.Ltmp1, $3  }
0x30: {  	_ =	sdelay $0x1  }
0x31: {  	[sflag:s8] =	ssyncset.done $0x0  }
0x32: {  	[sflag:s8] =	ssyncadd.s32 $0xFFFFF3C0  }
.LBB2_1:
0x33: {  	[dreg:$0xf] =	wrdreg s6  }
0x34: {  	s5 =	rddreg [dreg:$0x5]  }
0x35: {  	[tilespmem:s3], [sflag:$0x1] =	stream.linear.gather [hbm4b:s5+s3], $0x2700, $0x38;
	[tilespmem:$0x8F40] =	vst v63  }
0x36: {  	s6 =	rddreg [dreg:$0x6];
	s15 =	simm.s32 $0x2700  }
0x37: {  	[tilespmem:s15], [sflag:$0x1] =	stream.linear.gather [hbm4b:s6+s3], $0x1380, $0x38;
	[tilespmem:$0x8F40] =	vst v63  }
0x38: {  	s6 =	rddreg [dreg:$0x7];
	s15 =	simm.s32 $0x3A80  }
0x39: {  	[tilespmem:s15], [sflag:$0x2] =	stream.linear.gather [hbm4b:s6+s3], $0x2700, $0x38;
	[tilespmem:$0x8F40] =	vst v63  }
0x3a: {  	s15 =	rddreg [dreg:$0x8]  }
0x3b: {  	[tilespmem:s17], [sflag:$0x2] =	stream.linear.gather [hbm4b:s15+s3], $0x1380, $0x38;
	[tilespmem:$0x8F40] =	vst v63  }
0x3c: {  	s5 =	simm.s32 @!p0 $0x0;
	s6 =	rddreg [dreg:$0x9];
	s15 =	simm.s32 @!p0 $0x7500  }
0x3d: {  	[tilespmem:s15], [sflag:$0x4] =	stream.linear.gather @!p0 [hbm4b:s6+s5], $0x100, $0x38;
	[tilespmem:$0x8F40] =	vst v63  }
0x3e: {  	s15 =	simm.s32 @!p0 $0x7600;
	s6 =	rddreg [dreg:$0xa]  }
0x3f: {  	[tilespmem:s15], [sflag:$0x4] =	stream.linear.gather @!p0 [hbm4b:s6+s5], $0x80, $0x38;
	[tilespmem:$0x8F40] =	vst v63  }
0x40: {  	s5 =	simm.s32 $0x40;
	s15 =	simm.s32 $0x0  }
.LBB2_2:
0x41: {  	p1 =	sne.s32 s5, $0x30C0;
	[tilespmem:s15+$0x7680] =	vst v0;
	s15 =	smov.u32 s5;
	s5 =	sadd.s32 $0x40, s5  }
.Ltmp2:
0x42: {  	(pc) =	sbr.rel @p1 .LBB2_2-.Ltmp2, $2  }
0x43: {  	_ =	sdelay $0x2  }
0x44: {  	s15 =	sshra.s32 s15, $0x2  }
0x45: {  	[tilespmem:s15+$0x7680] =	vst v0;
	s5 =	rddreg [dreg:$0xb]  }
0x46: {  	[spmem:s5] =	stream.linear.scatter [tilespmem:s7], [sflag:$0x5], $0xC40, $0x38;
	[tilespmem:$0x8F40] =	vst v63  }
0x47: {  	_ =	swait.ge [sflag:s8], $0xC40  }
0x48: {  	[sflag:s8] =	ssyncset.done $0x0  }
0x49: {  	[sflag:s8] =	ssyncadd.s32 $0xFFFFF3C0  }
0x4a: {  	s5 =	simm.s32 @!p0 $0x4;
	[bflag:$0x0] =	sbarrier.arrive $0xFFFF  }
0x4b: {  	_ =	swait.ge @!p0 [sflag:s5], $0x100  }
0x4c: {  	[sflag:s5] =	ssyncset.done @!p0 $0x0  }
0x4d: {  	[sflag:s5] =	ssyncadd.s32 @!p0 $0xFFFFFF00  }
0x4e: {  	_ =	swait.ge @!p0 [sflag:s5], $0x80  }
0x4f: {  	s15 =	simm.s32 @!p0 $0x7580;
	[sflag:s5] =	ssyncset.done @!p0 $0x0  }
0x50: {  	s6 =	simm.s32 @!p0 $0x7600;
	[sflag:s5] =	ssyncadd.s32 @!p0 $0xFFFFFF80;
	s5 =	simm.s32 @!p0 $0x80  }
0x51: {  	[spmem:s2] =	stream.indirect.scatter.add.f32 @!p0 [tilespmem:s6], [sflag:$0x4], $0x1, s15, s5, $0xb8;
	[tilespmem:$0x8F40] =	vst v63  }
0x52: {  	s15 =	simm.s32 $0x0;
	s5 =	rddreg [dreg:$0xe]  }
.LBB2_4:
0x53: {  	_ =	swait.ge [sflag:s20], $0x2700  }
0x54: {  	[sflag:s20] =	ssyncset.done $0x0  }
0x55: {  	[sflag:s20] =	ssyncadd.s32 $0xFFFFD900  }
0x56: {  	_ =	swait.ge [sflag:s20], $0x1380  }
0x57: {  	[sflag:s20] =	ssyncset.done $0x0  }
0x58: {  	s6 =	simm.s32 $0x2700;
	[sflag:s20] =	ssyncadd.s32 $0xFFFFEC80  }
0x59: {  	[spmem:s2] =	stream.indirect.scatter.add.f32 [tilespmem:s6], [sflag:$0x3], $0x1, s21, s21, $0xb8;
	[tilespmem:$0x8F40] =	vst v63  }
0x5a: {  	s8 =	simm.s32 $0x180;
	s7 =	simm.s32 $0x2780  }
0x5b: {  	[spmem:s2] =	stream.indirect.scatter.add.f32 [tilespmem:s7], [sflag:$0x3], $0x1, s8, s21, $0xb8;
	[tilespmem:$0x8F40] =	vst v63  }
0x5c: {  	s7 =	simm.s32 $0x280;
	s8 =	simm.s32 $0x2800  }
0x5d: {  	[spmem:s2] =	stream.indirect.scatter.add.f32 [tilespmem:s8], [sflag:$0x3], $0x1, s7, s21, $0xb8;
	[tilespmem:$0x8F40] =	vst v63  }
0x5e: {  	s7 =	simm.s32 $0x380;
	s8 =	simm.s32 $0x2880  }
0x5f: {  	[spmem:s2] =	stream.indirect.scatter.add.f32 [tilespmem:s8], [sflag:$0x3], $0x1, s7, s21, $0xb8;
	[tilespmem:$0x8F40] =	vst v63  }
0x60: {  	s7 =	simm.s32 $0x480;
	s8 =	simm.s32 $0x2900  }
0x61: {  	[spmem:s2] =	stream.indirect.scatter.add.f32 [tilespmem:s8], [sflag:$0x3], $0x1, s7, s21, $0xb8;
	[tilespmem:$0x8F40] =	vst v63  }
0x62: {  	s7 =	simm.s32 $0x580;
	s8 =	simm.s32 $0x2980  }
0x63: {  	[spmem:s2] =	stream.indirect.scatter.add.f32 [tilespmem:s8], [sflag:$0x3], $0x1, s7, s21, $0xb8;
	[tilespmem:$0x8F40] =	vst v63  }
0x64: {  	s7 =	simm.s32 $0x680;
	s8 =	simm.s32 $0x2A00  }
0x65: {  	[spmem:s2] =	stream.indirect.scatter.add.f32 [tilespmem:s8], [sflag:$0x3], $0x1, s7, s21, $0xb8;
	[tilespmem:$0x8F40] =	vst v63  }
0x66: {  	s7 =	simm.s32 $0x780;
	s8 =	simm.s32 $0x2A80  }
0x67: {  	[spmem:s2] =	stream.indirect.scatter.add.f32 [tilespmem:s8], [sflag:$0x3], $0x1, s7, s21, $0xb8;
	[tilespmem:$0x8F40] =	vst v63  }
0x68: {  	s7 =	simm.s32 $0x880;
	s8 =	simm.s32 $0x2B00  }
0x69: {  	[spmem:s2] =	stream.indirect.scatter.add.f32 [tilespmem:s8], [sflag:$0x3], $0x1, s7, s21, $0xb8;
	[tilespmem:$0x8F40] =	vst v63  }
0x6a: {  	s7 =	simm.s32 $0x980;
	s8 =	simm.s32 $0x2B80  }
0x6b: {  	[spmem:s2] =	stream.indirect.scatter.add.f32 [tilespmem:s8], [sflag:$0x3], $0x1, s7, s21, $0xb8;
	[tilespmem:$0x8F40] =	vst v63  }
0x6c: {  	s7 =	simm.s32 $0xA80;
	s8 =	simm.s32 $0x2C00  }
0x6d: {  	[spmem:s2] =	stream.indirect.scatter.add.f32 [tilespmem:s8], [sflag:$0x3], $0x1, s7, s21, $0xb8;
	[tilespmem:$0x8F40] =	vst v63  }
0x6e: {  	s7 =	simm.s32 $0xB80;
	s8 =	simm.s32 $0x2C80  }
0x6f: {  	[spmem:s2] =	stream.indirect.scatter.add.f32 [tilespmem:s8], [sflag:$0x3], $0x1, s7, s21, $0xb8;
	[tilespmem:$0x8F40] =	vst v63  }
0x70: {  	s7 =	simm.s32 $0xC80;
	s8 =	simm.s32 $0x2D00  }
0x71: {  	[spmem:s2] =	stream.indirect.scatter.add.f32 [tilespmem:s8], [sflag:$0x3], $0x1, s7, s21, $0xb8;
	[tilespmem:$0x8F40] =	vst v63  }
0x72: {  	s7 =	simm.s32 $0xD80;
	s8 =	simm.s32 $0x2D80  }
0x73: {  	[spmem:s2] =	stream.indirect.scatter.add.f32 [tilespmem:s8], [sflag:$0x3], $0x1, s7, s21, $0xb8;
	[tilespmem:$0x8F40] =	vst v63  }
0x74: {  	s7 =	simm.s32 $0xE80;
	s8 =	simm.s32 $0x2E00  }
0x75: {  	[spmem:s2] =	stream.indirect.scatter.add.f32 [tilespmem:s8], [sflag:$0x3], $0x1, s7, s21, $0xb8;
	[tilespmem:$0x8F40] =	vst v63  }
0x76: {  	s7 =	simm.s32 $0xF80;
	s8 =	simm.s32 $0x2E80  }
0x77: {  	[spmem:s2] =	stream.indirect.scatter.add.f32 [tilespmem:s8], [sflag:$0x3], $0x1, s7, s21, $0xb8;
	[tilespmem:$0x8F40] =	vst v63  }
0x78: {  	s7 =	simm.s32 $0x1080;
	s8 =	simm.s32 $0x2F00  }
0x79: {  	[spmem:s2] =	stream.indirect.scatter.add.f32 [tilespmem:s8], [sflag:$0x3], $0x1, s7, s21, $0xb8;
	[tilespmem:$0x8F40] =	vst v63  }
0x7a: {  	s7 =	simm.s32 $0x1180;
	s8 =	simm.s32 $0x2F80  }
0x7b: {  	[spmem:s2] =	stream.indirect.scatter.add.f32 [tilespmem:s8], [sflag:$0x3], $0x1, s7, s21, $0xb8;
	[tilespmem:$0x8F40] =	vst v63  }
0x7c: {  	s7 =	simm.s32 $0x1280;
	s8 =	simm.s32 $0x3000  }
0x7d: {  	[spmem:s2] =	stream.indirect.scatter.add.f32 [tilespmem:s8], [sflag:$0x3], $0x1, s7, s21, $0xb8;
	[tilespmem:$0x8F40] =	vst v63  }
0x7e: {  	s7 =	simm.s32 $0x1380;
	s8 =	simm.s32 $0x3080  }
0x7f: {  	[spmem:s2] =	stream.indirect.scatter.add.f32 [tilespmem:s8], [sflag:$0x3], $0x1, s7, s21, $0xb8;
	[tilespmem:$0x8F40] =	vst v63  }
0x80: {  	s7 =	simm.s32 $0x1480;
	s8 =	simm.s32 $0x3100  }
0x81: {  	[spmem:s2] =	stream.indirect.scatter.add.f32 [tilespmem:s8], [sflag:$0x3], $0x1, s7, s21, $0xb8;
	[tilespmem:$0x8F40] =	vst v63  }
0x82: {  	s7 =	simm.s32 $0x1580;
	s8 =	simm.s32 $0x3180  }
0x83: {  	[spmem:s2] =	stream.indirect.scatter.add.f32 [tilespmem:s8], [sflag:$0x3], $0x1, s7, s21, $0xb8;
	[tilespmem:$0x8F40] =	vst v63  }
0x84: {  	s7 =	simm.s32 $0x1680;
	s8 =	simm.s32 $0x3200  }
0x85: {  	[spmem:s2] =	stream.indirect.scatter.add.f32 [tilespmem:s8], [sflag:$0x3], $0x1, s7, s21, $0xb8;
	[tilespmem:$0x8F40] =	vst v63  }
0x86: {  	s7 =	simm.s32 $0x1780;
	s8 =	simm.s32 $0x3280  }
0x87: {  	[spmem:s2] =	stream.indirect.scatter.add.f32 [tilespmem:s8], [sflag:$0x3], $0x1, s7, s21, $0xb8;
	[tilespmem:$0x8F40] =	vst v63  }
0x88: {  	s7 =	simm.s32 $0x1880;
	s8 =	simm.s32 $0x3300  }
0x89: {  	[spmem:s2] =	stream.indirect.scatter.add.f32 [tilespmem:s8], [sflag:$0x3], $0x1, s7, s21, $0xb8;
	[tilespmem:$0x8F40] =	vst v63  }
0x8a: {  	s7 =	simm.s32 $0x1980;
	s8 =	simm.s32 $0x3380  }
0x8b: {  	[spmem:s2] =	stream.indirect.scatter.add.f32 [tilespmem:s8], [sflag:$0x3], $0x1, s7, s21, $0xb8;
	[tilespmem:$0x8F40] =	vst v63  }
0x8c: {  	s7 =	simm.s32 $0x1A80;
	s8 =	simm.s32 $0x3400  }
0x8d: {  	[spmem:s2] =	stream.indirect.scatter.add.f32 [tilespmem:s8], [sflag:$0x3], $0x1, s7, s21, $0xb8;
	[tilespmem:$0x8F40] =	vst v63  }
0x8e: {  	s7 =	simm.s32 $0x1B80;
	s8 =	simm.s32 $0x3480  }
0x8f: {  	[spmem:s2] =	stream.indirect.scatter.add.f32 [tilespmem:s8], [sflag:$0x3], $0x1, s7, s21, $0xb8;
	[tilespmem:$0x8F40] =	vst v63  }
0x90: {  	s7 =	simm.s32 $0x1C80;
	s8 =	simm.s32 $0x3500  }
0x91: {  	[spmem:s2] =	stream.indirect.scatter.add.f32 [tilespmem:s8], [sflag:$0x3], $0x1, s7, s21, $0xb8;
	[tilespmem:$0x8F40] =	vst v63  }
0x92: {  	s7 =	simm.s32 $0x1D80;
	s8 =	simm.s32 $0x3580  }
0x93: {  	[spmem:s2] =	stream.indirect.scatter.add.f32 [tilespmem:s8], [sflag:$0x3], $0x1, s7, s21, $0xb8;
	[tilespmem:$0x8F40] =	vst v63  }
0x94: {  	s7 =	simm.s32 $0x1E80;
	s8 =	simm.s32 $0x3600  }
0x95: {  	[spmem:s2] =	stream.indirect.scatter.add.f32 [tilespmem:s8], [sflag:$0x3], $0x1, s7, s21, $0xb8;
	[tilespmem:$0x8F40] =	vst v63  }
0x96: {  	s7 =	simm.s32 $0x1F80;
	s8 =	simm.s32 $0x3680  }
0x97: {  	[spmem:s2] =	stream.indirect.scatter.add.f32 [tilespmem:s8], [sflag:$0x3], $0x1, s7, s21, $0xb8;
	[tilespmem:$0x8F40] =	vst v63  }
0x98: {  	s7 =	simm.s32 $0x2080;
	s8 =	simm.s32 $0x3700  }
0x99: {  	[spmem:s2] =	stream.indirect.scatter.add.f32 [tilespmem:s8], [sflag:$0x3], $0x1, s7, s21, $0xb8;
	[tilespmem:$0x8F40] =	vst v63  }
0x9a: {  	s7 =	simm.s32 $0x2180;
	s8 =	simm.s32 $0x3780  }
0x9b: {  	[spmem:s2] =	stream.indirect.scatter.add.f32 [tilespmem:s8], [sflag:$0x3], $0x1, s7, s21, $0xb8;
	[tilespmem:$0x8F40] =	vst v63  }
0x9c: {  	s7 =	simm.s32 $0x2280;
	s8 =	simm.s32 $0x3800  }
0x9d: {  	[spmem:s2] =	stream.indirect.scatter.add.f32 [tilespmem:s8], [sflag:$0x3], $0x1, s7, s21, $0xb8;
	[tilespmem:$0x8F40] =	vst v63  }
0x9e: {  	s7 =	simm.s32 $0x2380;
	s8 =	simm.s32 $0x3880  }
0x9f: {  	[spmem:s2] =	stream.indirect.scatter.add.f32 [tilespmem:s8], [sflag:$0x3], $0x1, s7, s21, $0xb8;
	[tilespmem:$0x8F40] =	vst v63  }
0xa0: {  	s7 =	simm.s32 $0x2480;
	s8 =	simm.s32 $0x3900  }
0xa1: {  	[spmem:s2] =	stream.indirect.scatter.add.f32 [tilespmem:s8], [sflag:$0x3], $0x1, s7, s21, $0xb8;
	[tilespmem:$0x8F40] =	vst v63  }
0xa2: {  	s7 =	simm.s32 $0x2580;
	s8 =	simm.s32 $0x3980  }
0xa3: {  	[spmem:s2] =	stream.indirect.scatter.add.f32 [tilespmem:s8], [sflag:$0x3], $0x1, s7, s21, $0xb8;
	[tilespmem:$0x8F40] =	vst v63  }
0xa4: {  	s7 =	simm.s32 $0x2680;
	s8 =	simm.s32 $0x3A00  }
0xa5: {  	[spmem:s2] =	stream.indirect.scatter.add.f32 [tilespmem:s8], [sflag:$0x3], $0x1, s7, s21, $0xb8;
	[tilespmem:$0x8F40] =	vst v63  }
0xa6: {  	_ =	swait.ge [sflag:s24], $0x80  }
0xa7: {  	[sflag:s24] =	ssyncset.done $0x0  }
0xa8: {  	[sflag:s24] =	ssyncadd.s32 $0xFFFFFF80  }
0xa9: {  	_ =	swait.ge [sflag:s24], $0x80  }
0xaa: {  	[sflag:s24] =	ssyncset.done $0x0  }
0xab: {  	[sflag:s24] =	ssyncadd.s32 $0xFFFFFF80  }
0xac: {  	_ =	swait.ge [sflag:s24], $0x80  }
0xad: {  	[sflag:s24] =	ssyncset.done $0x0  }
0xae: {  	[sflag:s24] =	ssyncadd.s32 $0xFFFFFF80  }
0xaf: {  	_ =	swait.ge [sflag:s24], $0x80  }
0xb0: {  	[sflag:s24] =	ssyncset.done $0x0  }
0xb1: {  	[sflag:s24] =	ssyncadd.s32 $0xFFFFFF80  }
0xb2: {  	_ =	swait.ge [sflag:s24], $0x80  }
0xb3: {  	[sflag:s24] =	ssyncset.done $0x0  }
0xb4: {  	[sflag:s24] =	ssyncadd.s32 $0xFFFFFF80  }
0xb5: {  	_ =	swait.ge [sflag:s24], $0x80  }
0xb6: {  	[sflag:s24] =	ssyncset.done $0x0  }
0xb7: {  	[sflag:s24] =	ssyncadd.s32 $0xFFFFFF80  }
0xb8: {  	_ =	swait.ge [sflag:s24], $0x80  }
0xb9: {  	[sflag:s24] =	ssyncset.done $0x0  }
0xba: {  	[sflag:s24] =	ssyncadd.s32 $0xFFFFFF80  }
0xbb: {  	_ =	swait.ge [sflag:s24], $0x80  }
0xbc: {  	[sflag:s24] =	ssyncset.done $0x0  }
0xbd: {  	[sflag:s24] =	ssyncadd.s32 $0xFFFFFF80  }
0xbe: {  	_ =	swait.ge [sflag:s24], $0x80  }
0xbf: {  	[sflag:s24] =	ssyncset.done $0x0  }
0xc0: {  	[sflag:s24] =	ssyncadd.s32 $0xFFFFFF80  }
0xc1: {  	_ =	swait.ge [sflag:s24], $0x80  }
0xc2: {  	[sflag:s24] =	ssyncset.done $0x0  }
0xc3: {  	[sflag:s24] =	ssyncadd.s32 $0xFFFFFF80  }
0xc4: {  	_ =	swait.ge [sflag:s24], $0x80  }
0xc5: {  	[sflag:s24] =	ssyncset.done $0x0  }
0xc6: {  	[sflag:s24] =	ssyncadd.s32 $0xFFFFFF80  }
0xc7: {  	_ =	swait.ge [sflag:s24], $0x80  }
0xc8: {  	[sflag:s24] =	ssyncset.done $0x0  }
0xc9: {  	[sflag:s24] =	ssyncadd.s32 $0xFFFFFF80  }
0xca: {  	_ =	swait.ge [sflag:s24], $0x80  }
0xcb: {  	[sflag:s24] =	ssyncset.done $0x0  }
0xcc: {  	[sflag:s24] =	ssyncadd.s32 $0xFFFFFF80  }
0xcd: {  	_ =	swait.ge [sflag:s24], $0x80  }
0xce: {  	[sflag:s24] =	ssyncset.done $0x0  }
0xcf: {  	[sflag:s24] =	ssyncadd.s32 $0xFFFFFF80  }
0xd0: {  	_ =	swait.ge [sflag:s24], $0x80  }
0xd1: {  	[sflag:s24] =	ssyncset.done $0x0  }
0xd2: {  	[sflag:s24] =	ssyncadd.s32 $0xFFFFFF80  }
0xd3: {  	_ =	swait.ge [sflag:s24], $0x80  }
0xd4: {  	[sflag:s24] =	ssyncset.done $0x0  }
0xd5: {  	[sflag:s24] =	ssyncadd.s32 $0xFFFFFF80  }
0xd6: {  	_ =	swait.ge [sflag:s24], $0x80  }
0xd7: {  	[sflag:s24] =	ssyncset.done $0x0  }
0xd8: {  	[sflag:s24] =	ssyncadd.s32 $0xFFFFFF80  }
0xd9: {  	_ =	swait.ge [sflag:s24], $0x80  }
0xda: {  	[sflag:s24] =	ssyncset.done $0x0  }
0xdb: {  	[sflag:s24] =	ssyncadd.s32 $0xFFFFFF80  }
0xdc: {  	_ =	swait.ge [sflag:s24], $0x80  }
0xdd: {  	[sflag:s24] =	ssyncset.done $0x0  }
0xde: {  	[sflag:s24] =	ssyncadd.s32 $0xFFFFFF80  }
0xdf: {  	_ =	swait.ge [sflag:s24], $0x80  }
0xe0: {  	[sflag:s24] =	ssyncset.done $0x0  }
0xe1: {  	[sflag:s24] =	ssyncadd.s32 $0xFFFFFF80  }
0xe2: {  	_ =	swait.ge [sflag:s24], $0x80  }
0xe3: {  	[sflag:s24] =	ssyncset.done $0x0  }
0xe4: {  	[sflag:s24] =	ssyncadd.s32 $0xFFFFFF80  }
0xe5: {  	_ =	swait.ge [sflag:s24], $0x80  }
0xe6: {  	[sflag:s24] =	ssyncset.done $0x0  }
0xe7: {  	[sflag:s24] =	ssyncadd.s32 $0xFFFFFF80  }
0xe8: {  	_ =	swait.ge [sflag:s24], $0x80  }
0xe9: {  	[sflag:s24] =	ssyncset.done $0x0  }
0xea: {  	[sflag:s24] =	ssyncadd.s32 $0xFFFFFF80  }
0xeb: {  	_ =	swait.ge [sflag:s24], $0x80  }
0xec: {  	[sflag:s24] =	ssyncset.done $0x0  }
0xed: {  	[sflag:s24] =	ssyncadd.s32 $0xFFFFFF80  }
0xee: {  	_ =	swait.ge [sflag:s24], $0x80  }
0xef: {  	[sflag:s24] =	ssyncset.done $0x0  }
0xf0: {  	[sflag:s24] =	ssyncadd.s32 $0xFFFFFF80  }
0xf1: {  	_ =	swait.ge [sflag:s24], $0x80  }
0xf2: {  	[sflag:s24] =	ssyncset.done $0x0  }
0xf3: {  	[sflag:s24] =	ssyncadd.s32 $0xFFFFFF80  }
0xf4: {  	_ =	swait.ge [sflag:s24], $0x80  }
0xf5: {  	[sflag:s24] =	ssyncset.done $0x0  }
0xf6: {  	[sflag:s24] =	ssyncadd.s32 $0xFFFFFF80  }
0xf7: {  	_ =	swait.ge [sflag:s24], $0x80  }
0xf8: {  	[sflag:s24] =	ssyncset.done $0x0  }
0xf9: {  	[sflag:s24] =	ssyncadd.s32 $0xFFFFFF80  }
0xfa: {  	_ =	swait.ge [sflag:s24], $0x80  }
0xfb: {  	[sflag:s24] =	ssyncset.done $0x0  }
0xfc: {  	[sflag:s24] =	ssyncadd.s32 $0xFFFFFF80  }
0xfd: {  	_ =	swait.ge [sflag:s24], $0x80  }
0xfe: {  	[sflag:s24] =	ssyncset.done $0x0  }
0xff: {  	[sflag:s24] =	ssyncadd.s32 $0xFFFFFF80  }
0x100: {  	_ =	swait.ge [sflag:s24], $0x80  }
0x101: {  	[sflag:s24] =	ssyncset.done $0x0  }
0x102: {  	[sflag:s24] =	ssyncadd.s32 $0xFFFFFF80  }
0x103: {  	_ =	swait.ge [sflag:s24], $0x80  }
0x104: {  	[sflag:s24] =	ssyncset.done $0x0  }
0x105: {  	[sflag:s24] =	ssyncadd.s32 $0xFFFFFF80  }
0x106: {  	_ =	swait.ge [sflag:s24], $0x80  }
0x107: {  	[sflag:s24] =	ssyncset.done $0x0  }
0x108: {  	[sflag:s24] =	ssyncadd.s32 $0xFFFFFF80  }
0x109: {  	_ =	swait.ge [sflag:s24], $0x80  }
0x10a: {  	[sflag:s24] =	ssyncset.done $0x0  }
0x10b: {  	[sflag:s24] =	ssyncadd.s32 $0xFFFFFF80  }
0x10c: {  	_ =	swait.ge [sflag:s24], $0x80  }
0x10d: {  	[sflag:s24] =	ssyncset.done $0x0  }
0x10e: {  	[sflag:s24] =	ssyncadd.s32 $0xFFFFFF80  }
0x10f: {  	_ =	swait.ge [sflag:s24], $0x80  }
0x110: {  	[sflag:s24] =	ssyncset.done $0x0  }
0x111: {  	[sflag:s24] =	ssyncadd.s32 $0xFFFFFF80  }
0x112: {  	_ =	swait.ge [sflag:s24], $0x80  }
0x113: {  	[sflag:s24] =	ssyncset.done $0x0  }
0x114: {  	[sflag:s24] =	ssyncadd.s32 $0xFFFFFF80  }
0x115: {  	_ =	swait.ge [sflag:s24], $0x80  }
0x116: {  	[sflag:s24] =	ssyncset.done $0x0  }
0x117: {  	[sflag:s24] =	ssyncadd.s32 $0xFFFFFF80  }
0x118: {  	_ =	swait.ge [sflag:s24], $0x80  }
0x119: {  	p1 =	seq.s32 s15, $0x1380;
	[sflag:s24] =	ssyncset.done $0x0  }
0x11a: {  	s6 =	sadd.s32 @!p1 $0xFFFFFB20, s5;
	s7 =	simm.s32 @!p1 $0x0;
	[sflag:s24] =	ssyncadd.s32 $0xFFFFFF80  }
0x11b: {  	[tilespmem:s7], [sflag:$0x1] =	stream.linear.gather @!p1 [hbm4b:s6+s7], $0x2700, $0x38;
	[tilespmem:$0x8F40] =	vst v63  }
0x11c: {  	s6 =	sadd.s32 @!p1 s15, s13  }
0x11d: {  	s8 =	simm.s32 @!p1 $0x2700;
	s6 =	sadd.s32 @!p1 $0x4E0, s6  }
0x11e: {  	[tilespmem:s8], [sflag:$0x1] =	stream.linear.gather @!p1 [hbm4b:s6+s7], $0x1380, $0x38;
	[tilespmem:$0x8F40] =	vst v63  }
0x11f: {  	_ =	swait.ge [sflag:s25], $0x2700  }
0x120: {  	[sflag:s25] =	ssyncset.done $0x0  }
0x121: {  	[sflag:s25] =	ssyncadd.s32 $0xFFFFD900  }
0x122: {  	_ =	swait.ge [sflag:s25], $0x1380  }
0x123: {  	[sflag:s25] =	ssyncset.done $0x0  }
0x124: {  	s8 =	simm.s32 $0x3B00;
	[sflag:s25] =	ssyncadd.s32 $0xFFFFEC80  }
0x125: {  	[spmem:s2] =	stream.indirect.scatter.add.f32 [tilespmem:s17], [sflag:$0x3], $0x1, s8, s21, $0xb8;
	[tilespmem:$0x8F40] =	vst v63  }
0x126: {  	s7 =	simm.s32 $0x3C00;
	s8 =	simm.s32 $0x6200  }
0x127: {  	[spmem:s2] =	stream.indirect.scatter.add.f32 [tilespmem:s8], [sflag:$0x3], $0x1, s7, s21, $0xb8;
	[tilespmem:$0x8F40] =	vst v63  }
0x128: {  	s7 =	simm.s32 $0x3D00;
	s8 =	simm.s32 $0x6280  }
0x129: {  	[spmem:s2] =	stream.indirect.scatter.add.f32 [tilespmem:s8], [sflag:$0x3], $0x1, s7, s21, $0xb8;
	[tilespmem:$0x8F40] =	vst v63  }
0x12a: {  	s7 =	simm.s32 $0x3E00;
	s8 =	simm.s32 $0x6300  }
0x12b: {  	[spmem:s2] =	stream.indirect.scatter.add.f32 [tilespmem:s8], [sflag:$0x3], $0x1, s7, s21, $0xb8;
	[tilespmem:$0x8F40] =	vst v63  }
0x12c: {  	s7 =	simm.s32 $0x3F00;
	s8 =	simm.s32 $0x6380  }
0x12d: {  	[spmem:s2] =	stream.indirect.scatter.add.f32 [tilespmem:s8], [sflag:$0x3], $0x1, s7, s21, $0xb8;
	[tilespmem:$0x8F40] =	vst v63  }
0x12e: {  	s7 =	simm.s32 $0x4000;
	s8 =	simm.s32 $0x6400  }
0x12f: {  	[spmem:s2] =	stream.indirect.scatter.add.f32 [tilespmem:s8], [sflag:$0x3], $0x1, s7, s21, $0xb8;
	[tilespmem:$0x8F40] =	vst v63  }
0x130: {  	s7 =	simm.s32 $0x4100;
	s8 =	simm.s32 $0x6480  }
0x131: {  	[spmem:s2] =	stream.indirect.scatter.add.f32 [tilespmem:s8], [sflag:$0x3], $0x1, s7, s21, $0xb8;
	[tilespmem:$0x8F40] =	vst v63  }
0x132: {  	s7 =	simm.s32 $0x4200;
	s8 =	simm.s32 $0x6500  }
0x133: {  	[spmem:s2] =	stream.indirect.scatter.add.f32 [tilespmem:s8], [sflag:$0x3], $0x1, s7, s21, $0xb8;
	[tilespmem:$0x8F40] =	vst v63  }
0x134: {  	s7 =	simm.s32 $0x4300;
	s8 =	simm.s32 $0x6580  }
0x135: {  	[spmem:s2] =	stream.indirect.scatter.add.f32 [tilespmem:s8], [sflag:$0x3], $0x1, s7, s21, $0xb8;
	[tilespmem:$0x8F40] =	vst v63  }
0x136: {  	s7 =	simm.s32 $0x4400;
	s8 =	simm.s32 $0x6600  }
0x137: {  	[spmem:s2] =	stream.indirect.scatter.add.f32 [tilespmem:s8], [sflag:$0x3], $0x1, s7, s21, $0xb8;
	[tilespmem:$0x8F40] =	vst v63  }
0x138: {  	s7 =	simm.s32 $0x4500;
	s8 =	simm.s32 $0x6680  }
0x139: {  	[spmem:s2] =	stream.indirect.scatter.add.f32 [tilespmem:s8], [sflag:$0x3], $0x1, s7, s21, $0xb8;
	[tilespmem:$0x8F40] =	vst v63  }
0x13a: {  	s7 =	simm.s32 $0x4600;
	s8 =	simm.s32 $0x6700  }
0x13b: {  	[spmem:s2] =	stream.indirect.scatter.add.f32 [tilespmem:s8], [sflag:$0x3], $0x1, s7, s21, $0xb8;
	[tilespmem:$0x8F40] =	vst v63  }
0x13c: {  	s7 =	simm.s32 $0x4700;
	s8 =	simm.s32 $0x6780  }
0x13d: {  	[spmem:s2] =	stream.indirect.scatter.add.f32 [tilespmem:s8], [sflag:$0x3], $0x1, s7, s21, $0xb8;
	[tilespmem:$0x8F40] =	vst v63  }
0x13e: {  	s7 =	simm.s32 $0x4800;
	s8 =	simm.s32 $0x6800  }
0x13f: {  	[spmem:s2] =	stream.indirect.scatter.add.f32 [tilespmem:s8], [sflag:$0x3], $0x1, s7, s21, $0xb8;
	[tilespmem:$0x8F40] =	vst v63  }
0x140: {  	s7 =	simm.s32 $0x4900;
	s8 =	simm.s32 $0x6880  }
0x141: {  	[spmem:s2] =	stream.indirect.scatter.add.f32 [tilespmem:s8], [sflag:$0x3], $0x1, s7, s21, $0xb8;
	[tilespmem:$0x8F40] =	vst v63  }
0x142: {  	s7 =	simm.s32 $0x4A00;
	s8 =	simm.s32 $0x6900  }
0x143: {  	[spmem:s2] =	stream.indirect.scatter.add.f32 [tilespmem:s8], [sflag:$0x3], $0x1, s7, s21, $0xb8;
	[tilespmem:$0x8F40] =	vst v63  }
0x144: {  	s7 =	simm.s32 $0x4B00;
	s8 =	simm.s32 $0x6980  }
0x145: {  	[spmem:s2] =	stream.indirect.scatter.add.f32 [tilespmem:s8], [sflag:$0x3], $0x1, s7, s21, $0xb8;
	[tilespmem:$0x8F40] =	vst v63  }
0x146: {  	s7 =	simm.s32 $0x4C00;
	s8 =	simm.s32 $0x6A00  }
0x147: {  	[spmem:s2] =	stream.indirect.scatter.add.f32 [tilespmem:s8], [sflag:$0x3], $0x1, s7, s21, $0xb8;
	[tilespmem:$0x8F40] =	vst v63  }
0x148: {  	s7 =	simm.s32 $0x4D00;
	s8 =	simm.s32 $0x6A80  }
0x149: {  	[spmem:s2] =	stream.indirect.scatter.add.f32 [tilespmem:s8], [sflag:$0x3], $0x1, s7, s21, $0xb8;
	[tilespmem:$0x8F40] =	vst v63  }
0x14a: {  	s7 =	simm.s32 $0x4E00;
	s8 =	simm.s32 $0x6B00  }
0x14b: {  	[spmem:s2] =	stream.indirect.scatter.add.f32 [tilespmem:s8], [sflag:$0x3], $0x1, s7, s21, $0xb8;
	[tilespmem:$0x8F40] =	vst v63  }
0x14c: {  	s7 =	simm.s32 $0x4F00;
	s8 =	simm.s32 $0x6B80  }
0x14d: {  	[spmem:s2] =	stream.indirect.scatter.add.f32 [tilespmem:s8], [sflag:$0x3], $0x1, s7, s21, $0xb8;
	[tilespmem:$0x8F40] =	vst v63  }
0x14e: {  	s7 =	simm.s32 $0x5000;
	s8 =	simm.s32 $0x6C00  }
0x14f: {  	[spmem:s2] =	stream.indirect.scatter.add.f32 [tilespmem:s8], [sflag:$0x3], $0x1, s7, s21, $0xb8;
	[tilespmem:$0x8F40] =	vst v63  }
0x150: {  	s7 =	simm.s32 $0x5100;
	s8 =	simm.s32 $0x6C80  }
0x151: {  	[spmem:s2] =	stream.indirect.scatter.add.f32 [tilespmem:s8], [sflag:$0x3], $0x1, s7, s21, $0xb8;
	[tilespmem:$0x8F40] =	vst v63  }
0x152: {  	s7 =	simm.s32 $0x5200;
	s8 =	simm.s32 $0x6D00  }
0x153: {  	[spmem:s2] =	stream.indirect.scatter.add.f32 [tilespmem:s8], [sflag:$0x3], $0x1, s7, s21, $0xb8;
	[tilespmem:$0x8F40] =	vst v63  }
0x154: {  	s7 =	simm.s32 $0x5300;
	s8 =	simm.s32 $0x6D80  }
0x155: {  	[spmem:s2] =	stream.indirect.scatter.add.f32 [tilespmem:s8], [sflag:$0x3], $0x1, s7, s21, $0xb8;
	[tilespmem:$0x8F40] =	vst v63  }
0x156: {  	s7 =	simm.s32 $0x5400;
	s8 =	simm.s32 $0x6E00  }
0x157: {  	[spmem:s2] =	stream.indirect.scatter.add.f32 [tilespmem:s8], [sflag:$0x3], $0x1, s7, s21, $0xb8;
	[tilespmem:$0x8F40] =	vst v63  }
0x158: {  	s7 =	simm.s32 $0x5500;
	s8 =	simm.s32 $0x6E80  }
0x159: {  	[spmem:s2] =	stream.indirect.scatter.add.f32 [tilespmem:s8], [sflag:$0x3], $0x1, s7, s21, $0xb8;
	[tilespmem:$0x8F40] =	vst v63  }
0x15a: {  	s7 =	simm.s32 $0x5600;
	s8 =	simm.s32 $0x6F00  }
0x15b: {  	[spmem:s2] =	stream.indirect.scatter.add.f32 [tilespmem:s8], [sflag:$0x3], $0x1, s7, s21, $0xb8;
	[tilespmem:$0x8F40] =	vst v63  }
0x15c: {  	s7 =	simm.s32 $0x5700;
	s8 =	simm.s32 $0x6F80  }
0x15d: {  	[spmem:s2] =	stream.indirect.scatter.add.f32 [tilespmem:s8], [sflag:$0x3], $0x1, s7, s21, $0xb8;
	[tilespmem:$0x8F40] =	vst v63  }
0x15e: {  	s7 =	simm.s32 $0x5800;
	s8 =	simm.s32 $0x7000  }
0x15f: {  	[spmem:s2] =	stream.indirect.scatter.add.f32 [tilespmem:s8], [sflag:$0x3], $0x1, s7, s21, $0xb8;
	[tilespmem:$0x8F40] =	vst v63  }
0x160: {  	_ = 	snop  }
0x161: {  	[spmem:s2] =	stream.indirect.scatter.add.f32 [tilespmem:s11], [sflag:$0x3], $0x1, s9, s21, $0xb8;
	[tilespmem:$0x8F40] =	vst v63  }
0x162: {  	_ = 	snop  }
0x163: {  	[spmem:s2] =	stream.indirect.scatter.add.f32 [tilespmem:s14], [sflag:$0x3], $0x1, s12, s21, $0xb8;
	[tilespmem:$0x8F40] =	vst v63  }
0x164: {  	_ = 	snop  }
0x165: {  	[spmem:s2] =	stream.indirect.scatter.add.f32 [tilespmem:s10], [sflag:$0x3], $0x1, s18, s21, $0xb8;
	[tilespmem:$0x8F40] =	vst v63  }
0x166: {  	_ = 	snop  }
0x167: {  	[spmem:s2] =	stream.indirect.scatter.add.f32 [tilespmem:s16], [sflag:$0x3], $0x1, s19, s21, $0xb8;
	[tilespmem:$0x8F40] =	vst v63  }
0x168: {  	_ = 	snop  }
0x169: {  	[spmem:s2] =	stream.indirect.scatter.add.f32 [tilespmem:s23], [sflag:$0x3], $0x1, s22, s21, $0xb8;
	[tilespmem:$0x8F40] =	vst v63  }
0x16a: {  	_ = 	snop  }
0x16b: {  	[spmem:s2] =	stream.indirect.scatter.add.f32 [tilespmem:s28], [sflag:$0x3], $0x1, s26, s21, $0xb8;
	[tilespmem:$0x8F40] =	vst v63  }
0x16c: {  	_ = 	snop  }
0x16d: {  	[spmem:s2] =	stream.indirect.scatter.add.f32 [tilespmem:s30], [sflag:$0x3], $0x1, s29, s21, $0xb8;
	[tilespmem:$0x8F40] =	vst v63  }
0x16e: {  	_ = 	snop  }
0x16f: {  	[spmem:s2] =	stream.indirect.scatter.add.f32 [tilespmem:s0], [sflag:$0x3], $0x1, s31, s21, $0xb8;
	[tilespmem:$0x8F40] =	vst v63  }
0x170: {  	_ = 	snop  }
0x171: {  	[spmem:s2] =	stream.indirect.scatter.add.f32 [tilespmem:s4], [sflag:$0x3], $0x1, s1, s21, $0xb8;
	[tilespmem:$0x8F40] =	vst v63  }
0x172: {  	_ =	swait.ge [sflag:s24], $0x80  }
0x173: {  	[sflag:s24] =	ssyncset.done $0x0  }
0x174: {  	[sflag:s24] =	ssyncadd.s32 $0xFFFFFF80  }
0x175: {  	_ =	swait.ge [sflag:s24], $0x80  }
0x176: {  	[sflag:s24] =	ssyncset.done $0x0  }
0x177: {  	[sflag:s24] =	ssyncadd.s32 $0xFFFFFF80  }
0x178: {  	_ =	swait.ge [sflag:s24], $0x80  }
0x179: {  	[sflag:s24] =	ssyncset.done $0x0  }
0x17a: {  	[sflag:s24] =	ssyncadd.s32 $0xFFFFFF80  }
0x17b: {  	_ =	swait.ge [sflag:s24], $0x80  }
0x17c: {  	[sflag:s24] =	ssyncset.done $0x0  }
0x17d: {  	[sflag:s24] =	ssyncadd.s32 $0xFFFFFF80  }
0x17e: {  	_ =	swait.ge [sflag:s24], $0x80  }
0x17f: {  	[sflag:s24] =	ssyncset.done $0x0  }
0x180: {  	[sflag:s24] =	ssyncadd.s32 $0xFFFFFF80  }
0x181: {  	_ =	swait.ge [sflag:s24], $0x80  }
0x182: {  	[sflag:s24] =	ssyncset.done $0x0  }
0x183: {  	[sflag:s24] =	ssyncadd.s32 $0xFFFFFF80  }
0x184: {  	_ =	swait.ge [sflag:s24], $0x80  }
0x185: {  	[sflag:s24] =	ssyncset.done $0x0  }
0x186: {  	[sflag:s24] =	ssyncadd.s32 $0xFFFFFF80  }
0x187: {  	_ =	swait.ge [sflag:s24], $0x80  }
0x188: {  	[sflag:s24] =	ssyncset.done $0x0  }
0x189: {  	[sflag:s24] =	ssyncadd.s32 $0xFFFFFF80  }
0x18a: {  	_ =	swait.ge [sflag:s24], $0x80  }
0x18b: {  	[sflag:s24] =	ssyncset.done $0x0  }
0x18c: {  	[sflag:s24] =	ssyncadd.s32 $0xFFFFFF80  }
0x18d: {  	_ =	swait.ge [sflag:s24], $0x80  }
0x18e: {  	[sflag:s24] =	ssyncset.done $0x0  }
0x18f: {  	[sflag:s24] =	ssyncadd.s32 $0xFFFFFF80  }
0x190: {  	_ =	swait.ge [sflag:s24], $0x80  }
0x191: {  	[sflag:s24] =	ssyncset.done $0x0  }
0x192: {  	[sflag:s24] =	ssyncadd.s32 $0xFFFFFF80  }
0x193: {  	_ =	swait.ge [sflag:s24], $0x80  }
0x194: {  	[sflag:s24] =	ssyncset.done $0x0  }
0x195: {  	[sflag:s24] =	ssyncadd.s32 $0xFFFFFF80  }
0x196: {  	_ =	swait.ge [sflag:s24], $0x80  }
0x197: {  	[sflag:s24] =	ssyncset.done $0x0  }
0x198: {  	[sflag:s24] =	ssyncadd.s32 $0xFFFFFF80  }
0x199: {  	_ =	swait.ge [sflag:s24], $0x80  }
0x19a: {  	[sflag:s24] =	ssyncset.done $0x0  }
0x19b: {  	[sflag:s24] =	ssyncadd.s32 $0xFFFFFF80  }
0x19c: {  	_ =	swait.ge [sflag:s24], $0x80  }
0x19d: {  	[sflag:s24] =	ssyncset.done $0x0  }
0x19e: {  	[sflag:s24] =	ssyncadd.s32 $0xFFFFFF80  }
0x19f: {  	_ =	swait.ge [sflag:s24], $0x80  }
0x1a0: {  	[sflag:s24] =	ssyncset.done $0x0  }
0x1a1: {  	[sflag:s24] =	ssyncadd.s32 $0xFFFFFF80  }
0x1a2: {  	_ =	swait.ge [sflag:s24], $0x80  }
0x1a3: {  	[sflag:s24] =	ssyncset.done $0x0  }
0x1a4: {  	[sflag:s24] =	ssyncadd.s32 $0xFFFFFF80  }
0x1a5: {  	_ =	swait.ge [sflag:s24], $0x80  }
0x1a6: {  	[sflag:s24] =	ssyncset.done $0x0  }
0x1a7: {  	[sflag:s24] =	ssyncadd.s32 $0xFFFFFF80  }
0x1a8: {  	_ =	swait.ge [sflag:s24], $0x80  }
0x1a9: {  	[sflag:s24] =	ssyncset.done $0x0  }
0x1aa: {  	[sflag:s24] =	ssyncadd.s32 $0xFFFFFF80  }
0x1ab: {  	_ =	swait.ge [sflag:s24], $0x80  }
0x1ac: {  	[sflag:s24] =	ssyncset.done $0x0  }
0x1ad: {  	[sflag:s24] =	ssyncadd.s32 $0xFFFFFF80  }
0x1ae: {  	_ =	swait.ge [sflag:s24], $0x80  }
0x1af: {  	[sflag:s24] =	ssyncset.done $0x0  }
0x1b0: {  	[sflag:s24] =	ssyncadd.s32 $0xFFFFFF80  }
0x1b1: {  	_ =	swait.ge [sflag:s24], $0x80  }
0x1b2: {  	[sflag:s24] =	ssyncset.done $0x0  }
0x1b3: {  	[sflag:s24] =	ssyncadd.s32 $0xFFFFFF80  }
0x1b4: {  	_ =	swait.ge [sflag:s24], $0x80  }
0x1b5: {  	[sflag:s24] =	ssyncset.done $0x0  }
0x1b6: {  	[sflag:s24] =	ssyncadd.s32 $0xFFFFFF80  }
0x1b7: {  	_ =	swait.ge [sflag:s24], $0x80  }
0x1b8: {  	[sflag:s24] =	ssyncset.done $0x0  }
0x1b9: {  	[sflag:s24] =	ssyncadd.s32 $0xFFFFFF80  }
0x1ba: {  	_ =	swait.ge [sflag:s24], $0x80  }
0x1bb: {  	[sflag:s24] =	ssyncset.done $0x0  }
0x1bc: {  	[sflag:s24] =	ssyncadd.s32 $0xFFFFFF80  }
0x1bd: {  	_ =	swait.ge [sflag:s24], $0x80  }
0x1be: {  	[sflag:s24] =	ssyncset.done $0x0  }
0x1bf: {  	[sflag:s24] =	ssyncadd.s32 $0xFFFFFF80  }
0x1c0: {  	_ =	swait.ge [sflag:s24], $0x80  }
0x1c1: {  	[sflag:s24] =	ssyncset.done $0x0  }
0x1c2: {  	[sflag:s24] =	ssyncadd.s32 $0xFFFFFF80  }
0x1c3: {  	_ =	swait.ge [sflag:s24], $0x80  }
0x1c4: {  	[sflag:s24] =	ssyncset.done $0x0  }
0x1c5: {  	[sflag:s24] =	ssyncadd.s32 $0xFFFFFF80  }
0x1c6: {  	_ =	swait.ge [sflag:s24], $0x80  }
0x1c7: {  	[sflag:s24] =	ssyncset.done $0x0  }
0x1c8: {  	[sflag:s24] =	ssyncadd.s32 $0xFFFFFF80  }
0x1c9: {  	_ =	swait.ge [sflag:s24], $0x80  }
0x1ca: {  	[sflag:s24] =	ssyncset.done $0x0  }
0x1cb: {  	[sflag:s24] =	ssyncadd.s32 $0xFFFFFF80  }
0x1cc: {  	_ =	swait.ge [sflag:s24], $0x80  }
0x1cd: {  	[sflag:s24] =	ssyncset.done $0x0  }
0x1ce: {  	[sflag:s24] =	ssyncadd.s32 $0xFFFFFF80  }
0x1cf: {  	_ =	swait.ge [sflag:s24], $0x80  }
0x1d0: {  	[sflag:s24] =	ssyncset.done $0x0  }
0x1d1: {  	[sflag:s24] =	ssyncadd.s32 $0xFFFFFF80  }
0x1d2: {  	_ =	swait.ge [sflag:s24], $0x80  }
0x1d3: {  	[sflag:s24] =	ssyncset.done $0x0  }
0x1d4: {  	[sflag:s24] =	ssyncadd.s32 $0xFFFFFF80  }
0x1d5: {  	_ =	swait.ge [sflag:s24], $0x80  }
0x1d6: {  	[sflag:s24] =	ssyncset.done $0x0  }
0x1d7: {  	[sflag:s24] =	ssyncadd.s32 $0xFFFFFF80  }
0x1d8: {  	_ =	swait.ge [sflag:s24], $0x80  }
0x1d9: {  	[sflag:s24] =	ssyncset.done $0x0  }
0x1da: {  	[sflag:s24] =	ssyncadd.s32 $0xFFFFFF80  }
0x1db: {  	_ =	swait.ge [sflag:s24], $0x80  }
0x1dc: {  	[sflag:s24] =	ssyncset.done $0x0  }
0x1dd: {  	[sflag:s24] =	ssyncadd.s32 $0xFFFFFF80  }
0x1de: {  	_ =	swait.ge [sflag:s24], $0x80  }
0x1df: {  	[sflag:s24] =	ssyncset.done $0x0  }
0x1e0: {  	[sflag:s24] =	ssyncadd.s32 $0xFFFFFF80  }
0x1e1: {  	_ =	swait.ge [sflag:s24], $0x80  }
.Ltmp3:
0x1e2: {  	[sflag:s24] =	ssyncset.done $0x0;
	(pc) =	sbr.rel @p1 .LBB2_6-.Ltmp3, $4  }
0x1e3: {  	[sflag:s24] =	ssyncadd.s32 $0xFFFFFF80  }
0x1e4: {  	_ =	swait.ge [sflag:s24], $0x80  }
0x1e5: {  	[sflag:s24] =	ssyncset.done $0x0  }
0x1e6: {  	[sflag:s24] =	ssyncadd.s32 $0xFFFFFF80  }
.Ltmp4:
0x1e7: {  	(pc) =	sbr.rel .LBB2_4-.Ltmp4, $4  }
0x1e8: {  	s6 =	simm.s32 $0x3A80;
	s8 =	sadd.s32 s15, s13  }
0x1e9: {  	[tilespmem:s6], [sflag:$0x2] =	stream.linear.gather [hbm4b:s5+s3], $0x2700, $0x38;
	[tilespmem:$0x8F40] =	vst v63  }
0x1ea: {  	s15 =	sadd.s32 $0x4E0, s15;
	s6 =	sadd.s32 $0x750, s8;
	s5 =	sadd.s32 $0x9C0, s5  }
0x1eb: {  	[tilespmem:s17], [sflag:$0x2] =	stream.linear.gather [hbm4b:s6+s3], $0x1380, $0x38;
	[tilespmem:$0x8F40] =	vst v63  }
.LBB2_7:
0x1ec: {  	_ =	sfence.sel $0x180000  }
0x1ed: {  	[bflag:$0x0] =	sbarrier.arrive $0xFFFF  }
0x1ee: {  	_ =	strace $0x90000047  }
0x1ef: {  	s0 =	stileid.u32;
	[bflag:$0x2] =	sbarrier.arrive $0xFFFF  }
0x1f0: {  	p0 =	sne.s32 s0, $0x0;
	s0 =	rddreg [dreg:$0x4]  }
0x1f1: {  	s0 =	sadd.s32 @!p0 $0x100000, s0  }
0x1f2: {  	[sflag:s0] =	ssyncadd.tile.s32 @!p0 $0x1;
	_ =	shalt  }
.Lfunc_end2:
_tile_overlayer_lowered:
.L_overlay_start_2:
0x1f3: {  	(tag) =	ssettag $0x2  }
0x1f4: {  	s0 =	rddreg [dreg:$0x0];
	s2 =	stileid.u32  }
0x1f5: {  	s1 =	rddreg [dreg:$0x1];
	p0 =	sne.s32 s2, $0x0  }
0x1f6: {  	s3 =	rddreg [dreg:$0x2];
	[bflag:$0x3] =	sbarrier.arrive $0xFFFF;
	s2 =	simm.s32 @!p0 $0x1C05  }
0x1f7: {  	[timem:s3], [sflag:s2] =	dma.local @!p0 [hbm:s0], s1  }
0x1f8: {  	s0 =	simm.s32 @!p0 $0x5  }
0x1f9: {  	_ =	swait.ge @!p0 [sflag:s0], s1  }
0x1fa: {  	s1 =	ssub.s32 @!p0 $0x0, s1;
	[sflag:s0] =	ssyncset.done @!p0 $0x0  }
0x1fb: {  	[sflag:s0] =	ssyncadd.s32 @!p0 s1  }
0x1fc: {  	[bflag:$0x3] =	sbarrier.arrive $0xFFFF  }
0x1fd: {  	_ =	shalt  }

</sc_bundles>
